<compile_context>
chip_gen: v7x
topology: tpu7x:2x2x1
jax: 0.10.2.dev20260603
libtpu: 0.0.44.dev20260713+nightly
codegen_flags: <defaults>
</compile_context>

<pallas_src>
import functools

import jax
import jax.numpy as jnp
from jax import lax
from jax.experimental import pallas as pl
from jax.experimental.pallas import tpu as pltpu
from jax.experimental.pallas import tpu_sc as plsc

POOL = 8192
LEN = 5
DIM = 64
TOPK = 8
BATCH = 4096

BBLK = 256
NBLK = BATCH // BBLK

PADW = 384
PBLK = 512
NPB = POOL // PBLK

N_ROWS = BATCH * TOPK * LEN
RBLK = 2048
NRB = (BATCH * TOPK) // RBLK

_F32 = jnp.float32


def _rowsq(v):
    a = None
    for c in range(8):
        s = v[:, 8 * c:8 * c + 8]
        s = s * s
        a = s if a is None else s + a
    b = a[:, 4:8] + a[:, 0:4]
    c2 = b[:, 2:4] + b[:, 0:2]
    return c2[:, 1:2] + c2[:, 0:1]


def _prompt_norm_body(p_ref, pn_ref, tab_ref):
    p = p_ref[...]
    slices = [p[:, l, :] for l in range(LEN)]
    zpad = jnp.zeros((PBLK, PADW - LEN * DIM), _F32)
    tab_ref[...] = jnp.concatenate(slices + [zpad], axis=1)
    pk = sum(slices[1:], slices[0]) / _F32(LEN)
    sq = _rowsq(pk)
    pn_ref[...] = pk * lax.rsqrt(jnp.maximum(sq, _F32(1e-12)))


def _sim_topk_body(x_ref, pn_ref, sim_ref, idx_ref, acc_ref):
    i = pl.program_id(0)
    x = x_ref[...]
    sq = _rowsq(x)
    xn = x * lax.rsqrt(jnp.maximum(sq, _F32(1e-12)))
    pn = pn_ref[...]
    sim = lax.dot_general(xn, pn, (((1,), (1,)), ((), ())),
                          preferred_element_type=_F32)
    sim_ref[...] = sim
    iota = lax.broadcasted_iota(jnp.int32, (BBLK, POOL), 1)
    col = lax.broadcasted_iota(jnp.int32, (BBLK, TOPK), 1)
    masked = sim
    idx_acc = jnp.zeros((BBLK, TOPK), jnp.int32)
    tot = _F32(0.0)
    neg = _F32(float("-inf"))
    for k in range(TOPK):
        m = jnp.max(masked, axis=1, keepdims=True)
        cand = jnp.where(masked == m, iota, POOL)
        arg = jnp.min(cand, axis=1, keepdims=True)
        idx_acc = jnp.where(col == k, arg, idx_acc)
        tot = tot + jnp.sum(m)
        masked = jnp.where(iota == arg, neg, masked)
    idx_ref[...] = idx_acc

    @pl.when(i == 0)
    def _():
        acc_ref[...] = jnp.zeros_like(acc_ref)

    acc_ref[...] += tot * _F32(1.0 / BATCH)


def _corr_body(fp_ref, loss_ref, bp_ref, g_acc, s_acc):
    i = pl.program_id(0)
    fp = fp_ref[...]
    bp_ref[...] = fp[:, : LEN * DIM]
    g = jnp.zeros((DIM, DIM), _F32)
    cs = jnp.zeros((1, DIM), _F32)
    for j in range(LEN):
        fj = fp[:, j * DIM:(j + 1) * DIM]
        g = g + lax.dot_general(fj, fj, (((0,), (0,)), ((), ())),
                                preferred_element_type=_F32)
        cs = cs + jnp.sum(fj, axis=0, keepdims=True)

    @pl.when(i == 0)
    def _():
        g_acc[...] = jnp.zeros_like(g_acc)
        s_acc[...] = jnp.zeros_like(s_acc)

    g_acc[...] += g
    s_acc[...] += cs

    @pl.when(i == NRB - 1)
    def _():
        n = _F32(N_ROWS)
        g_full = g_acc[...]
        m = s_acc[...] * _F32(1.0 / N_ROWS)
        outer = lax.dot_general(m, m, (((0,), (0,)), ((), ())),
                                preferred_element_type=_F32)
        cov = g_full - n * outer
        ri = lax.broadcasted_iota(jnp.int32, (DIM, DIM), 0)
        ci = lax.broadcasted_iota(jnp.int32, (DIM, DIM), 1)
        eye = (ri == ci).astype(_F32)
        inv_nm1 = _F32(1.0 / (N_ROWS - 1))
        var_col = jnp.sum(cov * eye, axis=0, keepdims=True) * inv_nm1
        var_row = jnp.sum(cov * eye, axis=1, keepdims=True) * inv_nm1
        eps = _F32(1e-6)
        denom = (jnp.sqrt(var_row) + eps) * (jnp.sqrt(var_col) + eps)
        c = cov * _F32(1.0 / N_ROWS) / denom
        on_diag = jnp.sum((c * eye - eye) ** 2, keepdims=True) * _F32(1.0 / DIM)
        off_diag = jnp.sum((c * (1.0 - eye)) ** 2, keepdims=True) * _F32(
            1.0 / (DIM * DIM - DIM))
        loss_ref[...] = on_diag + _F32(0.005) * off_diag


_NC = 2
_NS = 16
_NW = _NC * _NS
_BPW = (BATCH * TOPK) // _NW
_CHUNK = 128
_NCHUNK = _BPW // _CHUNK


def _sc_gather_body(table_hbm, idx_hbm, out_hbm, idx_v, rows_v, sem0, sem1):
    wid = lax.axis_index("s") * _NC + lax.axis_index("c")
    base = wid * _BPW
    pltpu.sync_copy(idx_hbm.at[pl.ds(base, _BPW)], idx_v)
    sems = (sem0, sem1)
    cps = [None, None]
    for c in range(_NCHUNK):
        cps[c % 2] = pltpu.async_copy(
            table_hbm.at[idx_v.at[pl.ds(c * _CHUNK, _CHUNK)]],
            rows_v.at[c % 2], sems[c % 2])
        if c > 0:
            cps[(c - 1) % 2].wait()
            pltpu.sync_copy(rows_v.at[(c - 1) % 2],
                            out_hbm.at[pl.ds(base + (c - 1) * _CHUNK, _CHUNK)])
    last = _NCHUNK - 1
    cps[last % 2].wait()
    pltpu.sync_copy(rows_v.at[last % 2],
                    out_hbm.at[pl.ds(base + last * _CHUNK, _CHUNK)])


@functools.cache
def _sc_gather_fn():
    return pl.kernel(
        _sc_gather_body,
        mesh=plsc.VectorSubcoreMesh(core_axis_name="c", subcore_axis_name="s",
                                    num_cores=_NC, num_subcores=_NS),
        out_type=jax.ShapeDtypeStruct((BATCH * TOPK, PADW), _F32),
        scratch_types=[
            pltpu.VMEM((_BPW,), jnp.int32),
            pltpu.VMEM((2, _CHUNK, PADW), _F32),
            pltpu.SemaphoreType.DMA,
            pltpu.SemaphoreType.DMA,
        ],
    )


def _sc_gather(table, idx_flat):
    return _sc_gather_fn()(table, idx_flat)


def kernel(x_embed, prompt):
    pn, table = pl.pallas_call(
        _prompt_norm_body,
        grid=(NPB,),
        in_specs=[pl.BlockSpec((PBLK, LEN, DIM), lambda i: (i, 0, 0))],
        out_specs=[
            pl.BlockSpec((PBLK, DIM), lambda i: (i, 0)),
            pl.BlockSpec((PBLK, PADW), lambda i: (i, 0)),
        ],
        out_shape=[
            jax.ShapeDtypeStruct((POOL, DIM), _F32),
            jax.ShapeDtypeStruct((POOL, PADW), _F32),
        ],
    )(prompt)

    sim, idx, acc = pl.pallas_call(
        _sim_topk_body,
        grid=(NBLK,),
        in_specs=[
            pl.BlockSpec((BBLK, DIM), lambda i: (i, 0)),
            pl.BlockSpec((POOL, DIM), lambda i: (0, 0)),
        ],
        out_specs=[
            pl.BlockSpec((BBLK, POOL), lambda i: (i, 0)),
            pl.BlockSpec((BBLK, TOPK), lambda i: (i, 0)),
            pl.BlockSpec((1, 1), lambda i: (0, 0)),
        ],
        out_shape=[
            jax.ShapeDtypeStruct((BATCH, POOL), _F32),
            jax.ShapeDtypeStruct((BATCH, TOPK), jnp.int32),
            jax.ShapeDtypeStruct((1, 1), _F32),
        ],
    )(x_embed, pn)

    bp_pad = _sc_gather(table, idx.reshape(BATCH * TOPK))

    loss, bp = pl.pallas_call(
        _corr_body,
        grid=(NRB,),
        in_specs=[pl.BlockSpec((RBLK, PADW), lambda i: (i, 0))],
        out_specs=[
            pl.BlockSpec((1, 1), lambda i: (0, 0)),
            pl.BlockSpec((RBLK, LEN * DIM), lambda i: (i, 0)),
        ],
        out_shape=[
            jax.ShapeDtypeStruct((1, 1), _F32),
            jax.ShapeDtypeStruct((BATCH * TOPK, LEN * DIM), _F32),
        ],
        scratch_shapes=[
            pltpu.VMEM((DIM, DIM), _F32),
            pltpu.VMEM((1, DIM), _F32),
        ],
    )(bp_pad)

    batched_prompt = bp.reshape(BATCH, TOPK * LEN, DIM)
    return (batched_prompt, sim, acc.reshape(()), loss.reshape(()), idx)

# --- scband reference (transcript-rebuilt; emitter-appended) ---
"""Pipeline reference for scband-prompt-40879498729039 (READ-ONLY COPY).

The authoritative reference and input builder live on the scoring server;
editing this copy changes nothing except your own understanding.
"""

import jax, jax.numpy as jnp
import numpy as np

POOL_SIZE = 8192
LENGTH = 5
EMBED_DIM = 64
TOP_K = 8
BATCH = 4096


def setup_inputs(seed: int = 0) -> dict:
    key = jax.random.key(seed)
    k1, k2 = jax.random.split(key)
    x_embed = jax.random.normal(k1, (BATCH, EMBED_DIM), dtype=jnp.float32)
    prompt = jax.random.uniform(k2, (POOL_SIZE, LENGTH, EMBED_DIM), minval=-1.0, maxval=1.0, dtype=jnp.float32)
    return {"x_embed": x_embed, "prompt": prompt}


def _l2_normalize(x, axis):
    sq = jnp.sum(x ** 2, axis=axis, keepdims=True)
    return x * jax.lax.rsqrt(jnp.maximum(sq, jnp.asarray(1e-12, x.dtype)))


def _corr_loss(f_a, f_b):
    f_a = f_a.reshape(-1, f_a.shape[-1])
    f_b = f_b.reshape(-1, f_b.shape[-1])
    f_a_norm = (f_a - f_a.mean(axis=0)) / (f_a.std(axis=0, ddof=1) + 1e-6)
    f_b_norm = (f_b - f_b.mean(axis=0)) / (f_b.std(axis=0, ddof=1) + 1e-6)
    c = (f_a_norm.T @ f_b_norm) / f_a_norm.shape[0]
    n = c.shape[0]
    on_diag = jnp.mean((jnp.diagonal(c) - 1.0) ** 2)
    eye = jnp.eye(n, dtype=c.dtype)
    off_diag = jnp.sum((c * (1.0 - eye)) ** 2) / (n * n - n)
    return on_diag + 0.005 * off_diag


def reference(x_embed, prompt):
    # prompt pool branch of Prompt.forward (prompt_mask=None, batchwise_prompt=False)
    prompt_key = prompt.mean(axis=1)                      # [pool, C]
    prompt_norm = _l2_normalize(prompt_key, axis=1)       # [pool, C]
    x_embed_norm = _l2_normalize(x_embed, axis=1)         # [B, C]
    similarity = x_embed_norm @ prompt_norm.T             # [B, pool]
    _, idx = jax.lax.top_k(similarity, TOP_K)             # [B, top_k]
    batched_prompt_raw = prompt[idx]                      # [B, top_k, L, C] gather
    B = x_embed.shape[0]
    batched_prompt = batched_prompt_raw.reshape(B, TOP_K * LENGTH, EMBED_DIM)
    batched_key_norm = prompt_norm[idx]                   # [B, top_k, C] gather
    sim = batched_key_norm * x_embed_norm[:, None, :]
    reduce_sim = jnp.sum(sim) / B
    corr_loss = _corr_loss(batched_prompt, batched_prompt)
    return batched_prompt, similarity, reduce_sim, corr_loss, idx

if __name__ == "__main__":
    import jax
    _d = setup_inputs()
    print(jax.jit(kernel)(*tuple(_d.values())))

</pallas_src>

<mosaic_0001>
#map = affine_map<(d0, d1) -> (0, 0)>
#map1 = affine_map<(d0, d1) -> (0)>
module attributes {stable_mosaic.version = 14 : i64} {
  func.func @_sc_gather_body(%arg0: i32, %arg1: i32, %arg2: memref<8192x384xf32, #tpu.memory_space<hbm>>, %arg3: memref<32768xi32, #tpu.memory_space<hbm>>, %arg4: memref<32768x384xf32, #tpu.memory_space<hbm>>, %arg5: memref<1024xi32, #tpu.memory_space<vmem>>, %arg6: memref<2x128x384xf32, #tpu.memory_space<vmem>>, %arg7: memref<!tpu.dma_semaphore, #tpu.memory_space<semaphore_mem>>, %arg8: memref<!tpu.dma_semaphore, #tpu.memory_space<semaphore_mem>>) attributes {dimension_semantics = [#tpu.dimension_semantics<core_parallel>, #tpu.dimension_semantics<subcore_parallel>], iteration_bounds = array<i64: 2, 16>, scalar_prefetch = 0 : i64, scratch_operands = 4 : i64, tpu.core_type = #tpu.core_type<sc_vector_subcore>, window_params = [{transform_indices = #map}, {transform_indices = #map1}, {transform_indices = #map}]} {
    %mul3A = arith.constant 2 : i32
    %mul3A_0 = arith.muli %arg1, %mul3A : i32
    %add3A = arith.addi %mul3A_0, %arg0 : i32
    %mul3A_1 = arith.constant 1024 : i32
    %mul3A_2 = arith.muli %add3A, %mul3A_1 : i32
    "tpu.region"() ({
      %run_scoped3A_184 = tpu.sem_alloc : memref<!tpu.dma_semaphore, #tpu.memory_space<semaphore_mem>>
      %dma_start3A_185 = tpu.memref_slice %arg3[%mul3A_2] : memref<32768xi32, #tpu.memory_space<hbm>> -> memref<1024xi32, #tpu.memory_space<hbm>>
      %dma_start3A_186 = tpu.memref_slice %arg3[%mul3A_2] : memref<32768xi32, #tpu.memory_space<hbm>> -> memref<1024xi32, #tpu.memory_space<hbm>>
      tpu.enqueue_dma source(%dma_start3A_186 : memref<1024xi32, #tpu.memory_space<hbm>>) target(%arg5 : memref<1024xi32, #tpu.memory_space<vmem>>) target_semaphore(%run_scoped3A_184 : memref<!tpu.dma_semaphore, #tpu.memory_space<semaphore_mem>>)
      %dma_wait3A_187 = tpu.memref_slice %arg3[%mul3A_2] : memref<32768xi32, #tpu.memory_space<hbm>> -> memref<1024xi32, #tpu.memory_space<hbm>>
      %dma_wait3A_188 = tpu.memref_slice %arg3[%mul3A_2] : memref<32768xi32, #tpu.memory_space<hbm>> -> memref<1024xi32, #tpu.memory_space<hbm>>
      tpu.wait_dma2 semaphore(%run_scoped3A_184 : memref<!tpu.dma_semaphore, #tpu.memory_space<semaphore_mem>>) src(%dma_wait3A_188 : memref<1024xi32, #tpu.memory_space<hbm>>) dst(%arg5 : memref<1024xi32, #tpu.memory_space<vmem>>)
      tpu.yield
    }) : () -> ()
    %dma_start3A = arith.constant 0 : i32
    %dma_start3A_3 = arith.constant 0 : i32
    %dma_start3A_4 = arith.constant 0 : i32
    %dma_start3A_5 = tpu.memref_slice %arg6[%dma_start3A, %dma_start3A_3, %dma_start3A_4] : memref<2x128x384xf32, #tpu.memory_space<vmem>> -> memref<1x128x384xf32, #tpu.memory_space<vmem>>
    %dma_start3A_6 = tpu.memref_squeeze %dma_start3A_5 : memref<1x128x384xf32, #tpu.memory_space<vmem>> -> memref<128x384xf32, #tpu.memory_space<vmem>>
    %dma_start3A_7 = arith.constant 0 : i32
    %dma_start3A_8 = tpu.memref_slice %arg5[%dma_start3A_7] : memref<1024xi32, #tpu.memory_space<vmem>> -> memref<128xi32, #tpu.memory_space<vmem>>
    %dma_start3A_9 = arith.constant 0 : i32
    %dma_start3A_10 = arith.constant 0 : i32
    %dma_start3A_11 = tpu.memref_slice %arg2[%dma_start3A_9, %dma_start3A_10] : memref<8192x384xf32, #tpu.memory_space<hbm>> -> memref<8192x384xf32, #tpu.memory_space<hbm>>
    tpu.enqueue_indirect_dma source(%dma_start3A_11 : memref<8192x384xf32, #tpu.memory_space<hbm>>) target(%dma_start3A_6 : memref<128x384xf32, #tpu.memory_space<vmem>>) offsets(%dma_start3A_8 : memref<128xi32, #tpu.memory_space<vmem>>) semaphore(%arg7 : memref<!tpu.dma_semaphore, #tpu.memory_space<semaphore_mem>>)
    %dma_start3A_12 = arith.constant 1 : i32
    %dma_start3A_13 = arith.constant 0 : i32
    %dma_start3A_14 = arith.constant 0 : i32
    %dma_start3A_15 = tpu.memref_slice %arg6[%dma_start3A_12, %dma_start3A_13, %dma_start3A_14] : memref<2x128x384xf32, #tpu.memory_space<vmem>> -> memref<1x128x384xf32, #tpu.memory_space<vmem>>
    %dma_start3A_16 = tpu.memref_squeeze %dma_start3A_15 : memref<1x128x384xf32, #tpu.memory_space<vmem>> -> memref<128x384xf32, #tpu.memory_space<vmem>>
    %dma_start3A_17 = arith.constant 128 : i32
    %dma_start3A_18 = tpu.memref_slice %arg5[%dma_start3A_17] : memref<1024xi32, #tpu.memory_space<vmem>> -> memref<128xi32, #tpu.memory_space<vmem>>
    %dma_start3A_19 = arith.constant 0 : i32
    %dma_start3A_20 = arith.constant 0 : i32
    %dma_start3A_21 = tpu.memref_slice %arg2[%dma_start3A_19, %dma_start3A_20] : memref<8192x384xf32, #tpu.memory_space<hbm>> -> memref<8192x384xf32, #tpu.memory_space<hbm>>
    tpu.enqueue_indirect_dma source(%dma_start3A_21 : memref<8192x384xf32, #tpu.memory_space<hbm>>) target(%dma_start3A_16 : memref<128x384xf32, #tpu.memory_space<vmem>>) offsets(%dma_start3A_18 : memref<128xi32, #tpu.memory_space<vmem>>) semaphore(%arg8 : memref<!tpu.dma_semaphore, #tpu.memory_space<semaphore_mem>>)
    %dma_wait3A = arith.constant 0 : i32
    %dma_wait3A_22 = arith.constant 0 : i32
    %dma_wait3A_23 = arith.constant 0 : i32
    %dma_wait3A_24 = tpu.memref_slice %arg6[%dma_wait3A, %dma_wait3A_22, %dma_wait3A_23] : memref<2x128x384xf32, #tpu.memory_space<vmem>> -> memref<1x128x384xf32, #tpu.memory_space<vmem>>
    %dma_wait3A_25 = tpu.memref_squeeze %dma_wait3A_24 : memref<1x128x384xf32, #tpu.memory_space<vmem>> -> memref<128x384xf32, #tpu.memory_space<vmem>>
    %dma_wait3A_26 = arith.constant 0 : i32
    %dma_wait3A_27 = tpu.memref_slice %arg5[%dma_wait3A_26] : memref<1024xi32, #tpu.memory_space<vmem>> -> memref<128xi32, #tpu.memory_space<vmem>>
    %dma_wait3A_28 = arith.constant 0 : i32
    %dma_wait3A_29 = arith.constant 0 : i32
    %dma_wait3A_30 = tpu.memref_slice %arg2[%dma_wait3A_28, %dma_wait3A_29] : memref<8192x384xf32, #tpu.memory_space<hbm>> -> memref<8192x384xf32, #tpu.memory_space<hbm>>
    tpu.wait_indirect_dma semaphore(%arg7 : memref<!tpu.dma_semaphore, #tpu.memory_space<semaphore_mem>>) src(%dma_wait3A_30 : memref<8192x384xf32, #tpu.memory_space<hbm>>) dst(%dma_wait3A_25 : memref<128x384xf32, #tpu.memory_space<vmem>>)
    %add3A_31 = arith.constant 0 : i32
    %add3A_32 = arith.addi %mul3A_2, %add3A_31 : i32
    %run_scoped3A = arith.constant 0 : i32
    "tpu.region"() ({
      %run_scoped3A_184 = tpu.sem_alloc : memref<!tpu.dma_semaphore, #tpu.memory_space<semaphore_mem>>
      %dma_start3A_185 = arith.constant 0 : i32
      %dma_start3A_186 = arith.constant 0 : i32
      %dma_start3A_187 = tpu.memref_slice %arg6[%run_scoped3A, %dma_start3A_185, %dma_start3A_186] : memref<2x128x384xf32, #tpu.memory_space<vmem>> -> memref<1x128x384xf32, #tpu.memory_space<vmem>>
      %dma_start3A_188 = tpu.memref_squeeze %dma_start3A_187 : memref<1x128x384xf32, #tpu.memory_space<vmem>> -> memref<128x384xf32, #tpu.memory_space<vmem>>
      %dma_start3A_189 = arith.constant 0 : i32
      %dma_start3A_190 = tpu.memref_slice %arg4[%add3A_32, %dma_start3A_189] : memref<32768x384xf32, #tpu.memory_space<hbm>> -> memref<128x384xf32, #tpu.memory_space<hbm>>
      %dma_start3A_191 = arith.constant 0 : i32
      %dma_start3A_192 = tpu.memref_slice %arg4[%add3A_32, %dma_start3A_191] : memref<32768x384xf32, #tpu.memory_space<hbm>> -> memref<128x384xf32, #tpu.memory_space<hbm>>
      %dma_start3A_193 = arith.constant 0 : i32
      %dma_start3A_194 = arith.constant 0 : i32
      %dma_start3A_195 = tpu.memref_slice %arg6[%run_scoped3A, %dma_start3A_193, %dma_start3A_194] : memref<2x128x384xf32, #tpu.memory_space<vmem>> -> memref<1x128x384xf32, #tpu.memory_space<vmem>>
      %dma_start3A_196 = tpu.memref_squeeze %dma_start3A_195 : memref<1x128x384xf32, #tpu.memory_space<vmem>> -> memref<128x384xf32, #tpu.memory_space<vmem>>
      tpu.enqueue_dma source(%dma_start3A_196 : memref<128x384xf32, #tpu.memory_space<vmem>>) target(%dma_start3A_192 : memref<128x384xf32, #tpu.memory_space<hbm>>) target_semaphore(%run_scoped3A_184 : memref<!tpu.dma_semaphore, #tpu.memory_space<semaphore_mem>>)
      %dma_wait3A_197 = arith.constant 0 : i32
      %dma_wait3A_198 = arith.constant 0 : i32
      %dma_wait3A_199 = tpu.memref_slice %arg6[%run_scoped3A, %dma_wait3A_197, %dma_wait3A_198] : memref<2x128x384xf32, #tpu.memory_space<vmem>> -> memref<1x128x384xf32, #tpu.memory_space<vmem>>
      %dma_wait3A_200 = tpu.memref_squeeze %dma_wait3A_199 : memref<1x128x384xf32, #tpu.memory_space<vmem>> -> memref<128x384xf32, #tpu.memory_space<vmem>>
      %dma_wait3A_201 = arith.constant 0 : i32
      %dma_wait3A_202 = tpu.memref_slice %arg4[%add3A_32, %dma_wait3A_201] : memref<32768x384xf32, #tpu.memory_space<hbm>> -> memref<128x384xf32, #tpu.memory_space<hbm>>
      %dma_wait3A_203 = arith.constant 0 : i32
      %dma_wait3A_204 = tpu.memref_slice %arg4[%add3A_32, %dma_wait3A_203] : memref<32768x384xf32, #tpu.memory_space<hbm>> -> memref<128x384xf32, #tpu.memory_space<hbm>>
      %dma_wait3A_205 = arith.constant 0 : i32
      %dma_wait3A_206 = arith.constant 0 : i32
      %dma_wait3A_207 = tpu.memref_slice %arg6[%run_scoped3A, %dma_wait3A_205, %dma_wait3A_206] : memref<2x128x384xf32, #tpu.memory_space<vmem>> -> memref<1x128x384xf32, #tpu.memory_space<vmem>>
      %dma_wait3A_208 = tpu.memref_squeeze %dma_wait3A_207 : memref<1x128x384xf32, #tpu.memory_space<vmem>> -> memref<128x384xf32, #tpu.memory_space<vmem>>
      tpu.wait_dma2 semaphore(%run_scoped3A_184 : memref<!tpu.dma_semaphore, #tpu.memory_space<semaphore_mem>>) src(%dma_wait3A_208 : memref<128x384xf32, #tpu.memory_space<vmem>>) dst(%dma_wait3A_204 : memref<128x384xf32, #tpu.memory_space<hbm>>)
      tpu.yield
    }) : () -> ()
    %dma_start3A_33 = arith.constant 0 : i32
    %dma_start3A_34 = arith.constant 0 : i32
    %dma_start3A_35 = arith.constant 0 : i32
    %dma_start3A_36 = tpu.memref_slice %arg6[%dma_start3A_33, %dma_start3A_34, %dma_start3A_35] : memref<2x128x384xf32, #tpu.memory_space<vmem>> -> memref<1x128x384xf32, #tpu.memory_space<vmem>>
    %dma_start3A_37 = tpu.memref_squeeze %dma_start3A_36 : memref<1x128x384xf32, #tpu.memory_space<vmem>> -> memref<128x384xf32, #tpu.memory_space<vmem>>
    %dma_start3A_38 = arith.constant 256 : i32
    %dma_start3A_39 = tpu.memref_slice %arg5[%dma_start3A_38] : memref<1024xi32, #tpu.memory_space<vmem>> -> memref<128xi32, #tpu.memory_space<vmem>>
    %dma_start3A_40 = arith.constant 0 : i32
    %dma_start3A_41 = arith.constant 0 : i32
    %dma_start3A_42 = tpu.memref_slice %arg2[%dma_start3A_40, %dma_start3A_41] : memref<8192x384xf32, #tpu.memory_space<hbm>> -> memref<8192x384xf32, #tpu.memory_space<hbm>>
    tpu.enqueue_indirect_dma source(%dma_start3A_42 : memref<8192x384xf32, #tpu.memory_space<hbm>>) target(%dma_start3A_37 : memref<128x384xf32, #tpu.memory_space<vmem>>) offsets(%dma_start3A_39 : memref<128xi32, #tpu.memory_space<vmem>>) semaphore(%arg7 : memref<!tpu.dma_semaphore, #tpu.memory_space<semaphore_mem>>)
    %dma_wait3A_43 = arith.constant 1 : i32
    %dma_wait3A_44 = arith.constant 0 : i32
    %dma_wait3A_45 = arith.constant 0 : i32
    %dma_wait3A_46 = tpu.memref_slice %arg6[%dma_wait3A_43, %dma_wait3A_44, %dma_wait3A_45] : memref<2x128x384xf32, #tpu.memory_space<vmem>> -> memref<1x128x384xf32, #tpu.memory_space<vmem>>
    %dma_wait3A_47 = tpu.memref_squeeze %dma_wait3A_46 : memref<1x128x384xf32, #tpu.memory_space<vmem>> -> memref<128x384xf32, #tpu.memory_space<vmem>>
    %dma_wait3A_48 = arith.constant 128 : i32
    %dma_wait3A_49 = tpu.memref_slice %arg5[%dma_wait3A_48] : memref<1024xi32, #tpu.memory_space<vmem>> -> memref<128xi32, #tpu.memory_space<vmem>>
    %dma_wait3A_50 = arith.constant 0 : i32
    %dma_wait3A_51 = arith.constant 0 : i32
    %dma_wait3A_52 = tpu.memref_slice %arg2[%dma_wait3A_50, %dma_wait3A_51] : memref<8192x384xf32, #tpu.memory_space<hbm>> -> memref<8192x384xf32, #tpu.memory_space<hbm>>
    tpu.wait_indirect_dma semaphore(%arg8 : memref<!tpu.dma_semaphore, #tpu.memory_space<semaphore_mem>>) src(%dma_wait3A_52 : memref<8192x384xf32, #tpu.memory_space<hbm>>) dst(%dma_wait3A_47 : memref<128x384xf32, #tpu.memory_space<vmem>>)
    %add3A_53 = arith.constant 128 : i32
    %add3A_54 = arith.addi %mul3A_2, %add3A_53 : i32
    %run_scoped3A_55 = arith.constant 1 : i32
    "tpu.region"() ({
      %run_scoped3A_184 = tpu.sem_alloc : memref<!tpu.dma_semaphore, #tpu.memory_space<semaphore_mem>>
      %dma_start3A_185 = arith.constant 0 : i32
      %dma_start3A_186 = arith.constant 0 : i32
      %dma_start3A_187 = tpu.memref_slice %arg6[%run_scoped3A_55, %dma_start3A_185, %dma_start3A_186] : memref<2x128x384xf32, #tpu.memory_space<vmem>> -> memref<1x128x384xf32, #tpu.memory_space<vmem>>
      %dma_start3A_188 = tpu.memref_squeeze %dma_start3A_187 : memref<1x128x384xf32, #tpu.memory_space<vmem>> -> memref<128x384xf32, #tpu.memory_space<vmem>>
      %dma_start3A_189 = arith.constant 0 : i32
      %dma_start3A_190 = tpu.memref_slice %arg4[%add3A_54, %dma_start3A_189] : memref<32768x384xf32, #tpu.memory_space<hbm>> -> memref<128x384xf32, #tpu.memory_space<hbm>>
      %dma_start3A_191 = arith.constant 0 : i32
      %dma_start3A_192 = tpu.memref_slice %arg4[%add3A_54, %dma_start3A_191] : memref<32768x384xf32, #tpu.memory_space<hbm>> -> memref<128x384xf32, #tpu.memory_space<hbm>>
      %dma_start3A_193 = arith.constant 0 : i32
      %dma_start3A_194 = arith.constant 0 : i32
      %dma_start3A_195 = tpu.memref_slice %arg6[%run_scoped3A_55, %dma_start3A_193, %dma_start3A_194] : memref<2x128x384xf32, #tpu.memory_space<vmem>> -> memref<1x128x384xf32, #tpu.memory_space<vmem>>
      %dma_start3A_196 = tpu.memref_squeeze %dma_start3A_195 : memref<1x128x384xf32, #tpu.memory_space<vmem>> -> memref<128x384xf32, #tpu.memory_space<vmem>>
      tpu.enqueue_dma source(%dma_start3A_196 : memref<128x384xf32, #tpu.memory_space<vmem>>) target(%dma_start3A_192 : memref<128x384xf32, #tpu.memory_space<hbm>>) target_semaphore(%run_scoped3A_184 : memref<!tpu.dma_semaphore, #tpu.memory_space<semaphore_mem>>)
      %dma_wait3A_197 = arith.constant 0 : i32
      %dma_wait3A_198 = arith.constant 0 : i32
      %dma_wait3A_199 = tpu.memref_slice %arg6[%run_scoped3A_55, %dma_wait3A_197, %dma_wait3A_198] : memref<2x128x384xf32, #tpu.memory_space<vmem>> -> memref<1x128x384xf32, #tpu.memory_space<vmem>>
      %dma_wait3A_200 = tpu.memref_squeeze %dma_wait3A_199 : memref<1x128x384xf32, #tpu.memory_space<vmem>> -> memref<128x384xf32, #tpu.memory_space<vmem>>
      %dma_wait3A_201 = arith.constant 0 : i32
      %dma_wait3A_202 = tpu.memref_slice %arg4[%add3A_54, %dma_wait3A_201] : memref<32768x384xf32, #tpu.memory_space<hbm>> -> memref<128x384xf32, #tpu.memory_space<hbm>>
      %dma_wait3A_203 = arith.constant 0 : i32
      %dma_wait3A_204 = tpu.memref_slice %arg4[%add3A_54, %dma_wait3A_203] : memref<32768x384xf32, #tpu.memory_space<hbm>> -> memref<128x384xf32, #tpu.memory_space<hbm>>
      %dma_wait3A_205 = arith.constant 0 : i32
      %dma_wait3A_206 = arith.constant 0 : i32
      %dma_wait3A_207 = tpu.memref_slice %arg6[%run_scoped3A_55, %dma_wait3A_205, %dma_wait3A_206] : memref<2x128x384xf32, #tpu.memory_space<vmem>> -> memref<1x128x384xf32, #tpu.memory_space<vmem>>
      %dma_wait3A_208 = tpu.memref_squeeze %dma_wait3A_207 : memref<1x128x384xf32, #tpu.memory_space<vmem>> -> memref<128x384xf32, #tpu.memory_space<vmem>>
      tpu.wait_dma2 semaphore(%run_scoped3A_184 : memref<!tpu.dma_semaphore, #tpu.memory_space<semaphore_mem>>) src(%dma_wait3A_208 : memref<128x384xf32, #tpu.memory_space<vmem>>) dst(%dma_wait3A_204 : memref<128x384xf32, #tpu.memory_space<hbm>>)
      tpu.yield
    }) : () -> ()
    %dma_start3A_56 = arith.constant 1 : i32
    %dma_start3A_57 = arith.constant 0 : i32
    %dma_start3A_58 = arith.constant 0 : i32
    %dma_start3A_59 = tpu.memref_slice %arg6[%dma_start3A_56, %dma_start3A_57, %dma_start3A_58] : memref<2x128x384xf32, #tpu.memory_space<vmem>> -> memref<1x128x384xf32, #tpu.memory_space<vmem>>
    %dma_start3A_60 = tpu.memref_squeeze %dma_start3A_59 : memref<1x128x384xf32, #tpu.memory_space<vmem>> -> memref<128x384xf32, #tpu.memory_space<vmem>>
    %dma_start3A_61 = arith.constant 384 : i32
    %dma_start3A_62 = tpu.memref_slice %arg5[%dma_start3A_61] : memref<1024xi32, #tpu.memory_space<vmem>> -> memref<128xi32, #tpu.memory_space<vmem>>
    %dma_start3A_63 = arith.constant 0 : i32
    %dma_start3A_64 = arith.constant 0 : i32
    %dma_start3A_65 = tpu.memref_slice %arg2[%dma_start3A_63, %dma_start3A_64] : memref<8192x384xf32, #tpu.memory_space<hbm>> -> memref<8192x384xf32, #tpu.memory_space<hbm>>
    tpu.enqueue_indirect_dma source(%dma_start3A_65 : memref<8192x384xf32, #tpu.memory_space<hbm>>) target(%dma_start3A_60 : memref<128x384xf32, #tpu.memory_space<vmem>>) offsets(%dma_start3A_62 : memref<128xi32, #tpu.memory_space<vmem>>) semaphore(%arg8 : memref<!tpu.dma_semaphore, #tpu.memory_space<semaphore_mem>>)
    %dma_wait3A_66 = arith.constant 0 : i32
    %dma_wait3A_67 = arith.constant 0 : i32
    %dma_wait3A_68 = arith.constant 0 : i32
    %dma_wait3A_69 = tpu.memref_slice %arg6[%dma_wait3A_66, %dma_wait3A_67, %dma_wait3A_68] : memref<2x128x384xf32, #tpu.memory_space<vmem>> -> memref<1x128x384xf32, #tpu.memory_space<vmem>>
    %dma_wait3A_70 = tpu.memref_squeeze %dma_wait3A_69 : memref<1x128x384xf32, #tpu.memory_space<vmem>> -> memref<128x384xf32, #tpu.memory_space<vmem>>
    %dma_wait3A_71 = arith.constant 256 : i32
    %dma_wait3A_72 = tpu.memref_slice %arg5[%dma_wait3A_71] : memref<1024xi32, #tpu.memory_space<vmem>> -> memref<128xi32, #tpu.memory_space<vmem>>
    %dma_wait3A_73 = arith.constant 0 : i32
    %dma_wait3A_74 = arith.constant 0 : i32
    %dma_wait3A_75 = tpu.memref_slice %arg2[%dma_wait3A_73, %dma_wait3A_74] : memref<8192x384xf32, #tpu.memory_space<hbm>> -> memref<8192x384xf32, #tpu.memory_space<hbm>>
    tpu.wait_indirect_dma semaphore(%arg7 : memref<!tpu.dma_semaphore, #tpu.memory_space<semaphore_mem>>) src(%dma_wait3A_75 : memref<8192x384xf32, #tpu.memory_space<hbm>>) dst(%dma_wait3A_70 : memref<128x384xf32, #tpu.memory_space<vmem>>)
    %add3A_76 = arith.constant 256 : i32
    %add3A_77 = arith.addi %mul3A_2, %add3A_76 : i32
    %run_scoped3A_78 = arith.constant 0 : i32
    "tpu.region"() ({
      %run_scoped3A_184 = tpu.sem_alloc : memref<!tpu.dma_semaphore, #tpu.memory_space<semaphore_mem>>
      %dma_start3A_185 = arith.constant 0 : i32
      %dma_start3A_186 = arith.constant 0 : i32
      %dma_start3A_187 = tpu.memref_slice %arg6[%run_scoped3A_78, %dma_start3A_185, %dma_start3A_186] : memref<2x128x384xf32, #tpu.memory_space<vmem>> -> memref<1x128x384xf32, #tpu.memory_space<vmem>>
      %dma_start3A_188 = tpu.memref_squeeze %dma_start3A_187 : memref<1x128x384xf32, #tpu.memory_space<vmem>> -> memref<128x384xf32, #tpu.memory_space<vmem>>
      %dma_start3A_189 = arith.constant 0 : i32
      %dma_start3A_190 = tpu.memref_slice %arg4[%add3A_77, %dma_start3A_189] : memref<32768x384xf32, #tpu.memory_space<hbm>> -> memref<128x384xf32, #tpu.memory_space<hbm>>
      %dma_start3A_191 = arith.constant 0 : i32
      %dma_start3A_192 = tpu.memref_slice %arg4[%add3A_77, %dma_start3A_191] : memref<32768x384xf32, #tpu.memory_space<hbm>> -> memref<128x384xf32, #tpu.memory_space<hbm>>
      %dma_start3A_193 = arith.constant 0 : i32
      %dma_start3A_194 = arith.constant 0 : i32
      %dma_start3A_195 = tpu.memref_slice %arg6[%run_scoped3A_78, %dma_start3A_193, %dma_start3A_194] : memref<2x128x384xf32, #tpu.memory_space<vmem>> -> memref<1x128x384xf32, #tpu.memory_space<vmem>>
      %dma_start3A_196 = tpu.memref_squeeze %dma_start3A_195 : memref<1x128x384xf32, #tpu.memory_space<vmem>> -> memref<128x384xf32, #tpu.memory_space<vmem>>
      tpu.enqueue_dma source(%dma_start3A_196 : memref<128x384xf32, #tpu.memory_space<vmem>>) target(%dma_start3A_192 : memref<128x384xf32, #tpu.memory_space<hbm>>) target_semaphore(%run_scoped3A_184 : memref<!tpu.dma_semaphore, #tpu.memory_space<semaphore_mem>>)
      %dma_wait3A_197 = arith.constant 0 : i32
      %dma_wait3A_198 = arith.constant 0 : i32
      %dma_wait3A_199 = tpu.memref_slice %arg6[%run_scoped3A_78, %dma_wait3A_197, %dma_wait3A_198] : memref<2x128x384xf32, #tpu.memory_space<vmem>> -> memref<1x128x384xf32, #tpu.memory_space<vmem>>
      %dma_wait3A_200 = tpu.memref_squeeze %dma_wait3A_199 : memref<1x128x384xf32, #tpu.memory_space<vmem>> -> memref<128x384xf32, #tpu.memory_space<vmem>>
      %dma_wait3A_201 = arith.constant 0 : i32
      %dma_wait3A_202 = tpu.memref_slice %arg4[%add3A_77, %dma_wait3A_201] : memref<32768x384xf32, #tpu.memory_space<hbm>> -> memref<128x384xf32, #tpu.memory_space<hbm>>
      %dma_wait3A_203 = arith.constant 0 : i32
      %dma_wait3A_204 = tpu.memref_slice %arg4[%add3A_77, %dma_wait3A_203] : memref<32768x384xf32, #tpu.memory_space<hbm>> -> memref<128x384xf32, #tpu.memory_space<hbm>>
      %dma_wait3A_205 = arith.constant 0 : i32
      %dma_wait3A_206 = arith.constant 0 : i32
      %dma_wait3A_207 = tpu.memref_slice %arg6[%run_scoped3A_78, %dma_wait3A_205, %dma_wait3A_206] : memref<2x128x384xf32, #tpu.memory_space<vmem>> -> memref<1x128x384xf32, #tpu.memory_space<vmem>>
      %dma_wait3A_208 = tpu.memref_squeeze %dma_wait3A_207 : memref<1x128x384xf32, #tpu.memory_space<vmem>> -> memref<128x384xf32, #tpu.memory_space<vmem>>
      tpu.wait_dma2 semaphore(%run_scoped3A_184 : memref<!tpu.dma_semaphore, #tpu.memory_space<semaphore_mem>>) src(%dma_wait3A_208 : memref<128x384xf32, #tpu.memory_space<vmem>>) dst(%dma_wait3A_204 : memref<128x384xf32, #tpu.memory_space<hbm>>)
      tpu.yield
    }) : () -> ()
    %dma_start3A_79 = arith.constant 0 : i32
    %dma_start3A_80 = arith.constant 0 : i32
    %dma_start3A_81 = arith.constant 0 : i32
    %dma_start3A_82 = tpu.memref_slice %arg6[%dma_start3A_79, %dma_start3A_80, %dma_start3A_81] : memref<2x128x384xf32, #tpu.memory_space<vmem>> -> memref<1x128x384xf32, #tpu.memory_space<vmem>>
    %dma_start3A_83 = tpu.memref_squeeze %dma_start3A_82 : memref<1x128x384xf32, #tpu.memory_space<vmem>> -> memref<128x384xf32, #tpu.memory_space<vmem>>
    %dma_start3A_84 = arith.constant 512 : i32
    %dma_start3A_85 = tpu.memref_slice %arg5[%dma_start3A_84] : memref<1024xi32, #tpu.memory_space<vmem>> -> memref<128xi32, #tpu.memory_space<vmem>>
    %dma_start3A_86 = arith.constant 0 : i32
    %dma_start3A_87 = arith.constant 0 : i32
    %dma_start3A_88 = tpu.memref_slice %arg2[%dma_start3A_86, %dma_start3A_87] : memref<8192x384xf32, #tpu.memory_space<hbm>> -> memref<8192x384xf32, #tpu.memory_space<hbm>>
    tpu.enqueue_indirect_dma source(%dma_start3A_88 : memref<8192x384xf32, #tpu.memory_space<hbm>>) target(%dma_start3A_83 : memref<128x384xf32, #tpu.memory_space<vmem>>) offsets(%dma_start3A_85 : memref<128xi32, #tpu.memory_space<vmem>>) semaphore(%arg7 : memref<!tpu.dma_semaphore, #tpu.memory_space<semaphore_mem>>)
    %dma_wait3A_89 = arith.constant 1 : i32
    %dma_wait3A_90 = arith.constant 0 : i32
    %dma_wait3A_91 = arith.constant 0 : i32
    %dma_wait3A_92 = tpu.memref_slice %arg6[%dma_wait3A_89, %dma_wait3A_90, %dma_wait3A_91] : memref<2x128x384xf32, #tpu.memory_space<vmem>> -> memref<1x128x384xf32, #tpu.memory_space<vmem>>
    %dma_wait3A_93 = tpu.memref_squeeze %dma_wait3A_92 : memref<1x128x384xf32, #tpu.memory_space<vmem>> -> memref<128x384xf32, #tpu.memory_space<vmem>>
    %dma_wait3A_94 = arith.constant 384 : i32
    %dma_wait3A_95 = tpu.memref_slice %arg5[%dma_wait3A_94] : memref<1024xi32, #tpu.memory_space<vmem>> -> memref<128xi32, #tpu.memory_space<vmem>>
    %dma_wait3A_96 = arith.constant 0 : i32
    %dma_wait3A_97 = arith.constant 0 : i32
    %dma_wait3A_98 = tpu.memref_slice %arg2[%dma_wait3A_96, %dma_wait3A_97] : memref<8192x384xf32, #tpu.memory_space<hbm>> -> memref<8192x384xf32, #tpu.memory_space<hbm>>
    tpu.wait_indirect_dma semaphore(%arg8 : memref<!tpu.dma_semaphore, #tpu.memory_space<semaphore_mem>>) src(%dma_wait3A_98 : memref<8192x384xf32, #tpu.memory_space<hbm>>) dst(%dma_wait3A_93 : memref<128x384xf32, #tpu.memory_space<vmem>>)
    %add3A_99 = arith.constant 384 : i32
    %add3A_100 = arith.addi %mul3A_2, %add3A_99 : i32
    %run_scoped3A_101 = arith.constant 1 : i32
    "tpu.region"() ({
      %run_scoped3A_184 = tpu.sem_alloc : memref<!tpu.dma_semaphore, #tpu.memory_space<semaphore_mem>>
      %dma_start3A_185 = arith.constant 0 : i32
      %dma_start3A_186 = arith.constant 0 : i32
      %dma_start3A_187 = tpu.memref_slice %arg6[%run_scoped3A_101, %dma_start3A_185, %dma_start3A_186] : memref<2x128x384xf32, #tpu.memory_space<vmem>> -> memref<1x128x384xf32, #tpu.memory_space<vmem>>
      %dma_start3A_188 = tpu.memref_squeeze %dma_start3A_187 : memref<1x128x384xf32, #tpu.memory_space<vmem>> -> memref<128x384xf32, #tpu.memory_space<vmem>>
      %dma_start3A_189 = arith.constant 0 : i32
      %dma_start3A_190 = tpu.memref_slice %arg4[%add3A_100, %dma_start3A_189] : memref<32768x384xf32, #tpu.memory_space<hbm>> -> memref<128x384xf32, #tpu.memory_space<hbm>>
      %dma_start3A_191 = arith.constant 0 : i32
      %dma_start3A_192 = tpu.memref_slice %arg4[%add3A_100, %dma_start3A_191] : memref<32768x384xf32, #tpu.memory_space<hbm>> -> memref<128x384xf32, #tpu.memory_space<hbm>>
      %dma_start3A_193 = arith.constant 0 : i32
      %dma_start3A_194 = arith.constant 0 : i32
      %dma_start3A_195 = tpu.memref_slice %arg6[%run_scoped3A_101, %dma_start3A_193, %dma_start3A_194] : memref<2x128x384xf32, #tpu.memory_space<vmem>> -> memref<1x128x384xf32, #tpu.memory_space<vmem>>
      %dma_start3A_196 = tpu.memref_squeeze %dma_start3A_195 : memref<1x128x384xf32, #tpu.memory_space<vmem>> -> memref<128x384xf32, #tpu.memory_space<vmem>>
      tpu.enqueue_dma source(%dma_start3A_196 : memref<128x384xf32, #tpu.memory_space<vmem>>) target(%dma_start3A_192 : memref<128x384xf32, #tpu.memory_space<hbm>>) target_semaphore(%run_scoped3A_184 : memref<!tpu.dma_semaphore, #tpu.memory_space<semaphore_mem>>)
      %dma_wait3A_197 = arith.constant 0 : i32
      %dma_wait3A_198 = arith.constant 0 : i32
      %dma_wait3A_199 = tpu.memref_slice %arg6[%run_scoped3A_101, %dma_wait3A_197, %dma_wait3A_198] : memref<2x128x384xf32, #tpu.memory_space<vmem>> -> memref<1x128x384xf32, #tpu.memory_space<vmem>>
      %dma_wait3A_200 = tpu.memref_squeeze %dma_wait3A_199 : memref<1x128x384xf32, #tpu.memory_space<vmem>> -> memref<128x384xf32, #tpu.memory_space<vmem>>
      %dma_wait3A_201 = arith.constant 0 : i32
      %dma_wait3A_202 = tpu.memref_slice %arg4[%add3A_100, %dma_wait3A_201] : memref<32768x384xf32, #tpu.memory_space<hbm>> -> memref<128x384xf32, #tpu.memory_space<hbm>>
      %dma_wait3A_203 = arith.constant 0 : i32
      %dma_wait3A_204 = tpu.memref_slice %arg4[%add3A_100, %dma_wait3A_203] : memref<32768x384xf32, #tpu.memory_space<hbm>> -> memref<128x384xf32, #tpu.memory_space<hbm>>
      %dma_wait3A_205 = arith.constant 0 : i32
      %dma_wait3A_206 = arith.constant 0 : i32
      %dma_wait3A_207 = tpu.memref_slice %arg6[%run_scoped3A_101, %dma_wait3A_205, %dma_wait3A_206] : memref<2x128x384xf32, #tpu.memory_space<vmem>> -> memref<1x128x384xf32, #tpu.memory_space<vmem>>
      %dma_wait3A_208 = tpu.memref_squeeze %dma_wait3A_207 : memref<1x128x384xf32, #tpu.memory_space<vmem>> -> memref<128x384xf32, #tpu.memory_space<vmem>>
      tpu.wait_dma2 semaphore(%run_scoped3A_184 : memref<!tpu.dma_semaphore, #tpu.memory_space<semaphore_mem>>) src(%dma_wait3A_208 : memref<128x384xf32, #tpu.memory_space<vmem>>) dst(%dma_wait3A_204 : memref<128x384xf32, #tpu.memory_space<hbm>>)
      tpu.yield
    }) : () -> ()
    %dma_start3A_102 = arith.constant 1 : i32
    %dma_start3A_103 = arith.constant 0 : i32
    %dma_start3A_104 = arith.constant 0 : i32
    %dma_start3A_105 = tpu.memref_slice %arg6[%dma_start3A_102, %dma_start3A_103, %dma_start3A_104] : memref<2x128x384xf32, #tpu.memory_space<vmem>> -> memref<1x128x384xf32, #tpu.memory_space<vmem>>
    %dma_start3A_106 = tpu.memref_squeeze %dma_start3A_105 : memref<1x128x384xf32, #tpu.memory_space<vmem>> -> memref<128x384xf32, #tpu.memory_space<vmem>>
    %dma_start3A_107 = arith.constant 640 : i32
    %dma_start3A_108 = tpu.memref_slice %arg5[%dma_start3A_107] : memref<1024xi32, #tpu.memory_space<vmem>> -> memref<128xi32, #tpu.memory_space<vmem>>
    %dma_start3A_109 = arith.constant 0 : i32
    %dma_start3A_110 = arith.constant 0 : i32
    %dma_start3A_111 = tpu.memref_slice %arg2[%dma_start3A_109, %dma_start3A_110] : memref<8192x384xf32, #tpu.memory_space<hbm>> -> memref<8192x384xf32, #tpu.memory_space<hbm>>
    tpu.enqueue_indirect_dma source(%dma_start3A_111 : memref<8192x384xf32, #tpu.memory_space<hbm>>) target(%dma_start3A_106 : memref<128x384xf32, #tpu.memory_space<vmem>>) offsets(%dma_start3A_108 : memref<128xi32, #tpu.memory_space<vmem>>) semaphore(%arg8 : memref<!tpu.dma_semaphore, #tpu.memory_space<semaphore_mem>>)
    %dma_wait3A_112 = arith.constant 0 : i32
    %dma_wait3A_113 = arith.constant 0 : i32
    %dma_wait3A_114 = arith.constant 0 : i32
    %dma_wait3A_115 = tpu.memref_slice %arg6[%dma_wait3A_112, %dma_wait3A_113, %dma_wait3A_114] : memref<2x128x384xf32, #tpu.memory_space<vmem>> -> memref<1x128x384xf32, #tpu.memory_space<vmem>>
    %dma_wait3A_116 = tpu.memref_squeeze %dma_wait3A_115 : memref<1x128x384xf32, #tpu.memory_space<vmem>> -> memref<128x384xf32, #tpu.memory_space<vmem>>
    %dma_wait3A_117 = arith.constant 512 : i32
    %dma_wait3A_118 = tpu.memref_slice %arg5[%dma_wait3A_117] : memref<1024xi32, #tpu.memory_space<vmem>> -> memref<128xi32, #tpu.memory_space<vmem>>
    %dma_wait3A_119 = arith.constant 0 : i32
    %dma_wait3A_120 = arith.constant 0 : i32
    %dma_wait3A_121 = tpu.memref_slice %arg2[%dma_wait3A_119, %dma_wait3A_120] : memref<8192x384xf32, #tpu.memory_space<hbm>> -> memref<8192x384xf32, #tpu.memory_space<hbm>>
    tpu.wait_indirect_dma semaphore(%arg7 : memref<!tpu.dma_semaphore, #tpu.memory_space<semaphore_mem>>) src(%dma_wait3A_121 : memref<8192x384xf32, #tpu.memory_space<hbm>>) dst(%dma_wait3A_116 : memref<128x384xf32, #tpu.memory_space<vmem>>)
    %add3A_122 = arith.constant 512 : i32
    %add3A_123 = arith.addi %mul3A_2, %add3A_122 : i32
    %run_scoped3A_124 = arith.constant 0 : i32
    "tpu.region"() ({
      %run_scoped3A_184 = tpu.sem_alloc : memref<!tpu.dma_semaphore, #tpu.memory_space<semaphore_mem>>
      %dma_start3A_185 = arith.constant 0 : i32
      %dma_start3A_186 = arith.constant 0 : i32
      %dma_start3A_187 = tpu.memref_slice %arg6[%run_scoped3A_124, %dma_start3A_185, %dma_start3A_186] : memref<2x128x384xf32, #tpu.memory_space<vmem>> -> memref<1x128x384xf32, #tpu.memory_space<vmem>>
      %dma_start3A_188 = tpu.memref_squeeze %dma_start3A_187 : memref<1x128x384xf32, #tpu.memory_space<vmem>> -> memref<128x384xf32, #tpu.memory_space<vmem>>
      %dma_start3A_189 = arith.constant 0 : i32
      %dma_start3A_190 = tpu.memref_slice %arg4[%add3A_123, %dma_start3A_189] : memref<32768x384xf32, #tpu.memory_space<hbm>> -> memref<128x384xf32, #tpu.memory_space<hbm>>
      %dma_start3A_191 = arith.constant 0 : i32
      %dma_start3A_192 = tpu.memref_slice %arg4[%add3A_123, %dma_start3A_191] : memref<32768x384xf32, #tpu.memory_space<hbm>> -> memref<128x384xf32, #tpu.memory_space<hbm>>
      %dma_start3A_193 = arith.constant 0 : i32
      %dma_start3A_194 = arith.constant 0 : i32
      %dma_start3A_195 = tpu.memref_slice %arg6[%run_scoped3A_124, %dma_start3A_193, %dma_start3A_194] : memref<2x128x384xf32, #tpu.memory_space<vmem>> -> memref<1x128x384xf32, #tpu.memory_space<vmem>>
      %dma_start3A_196 = tpu.memref_squeeze %dma_start3A_195 : memref<1x128x384xf32, #tpu.memory_space<vmem>> -> memref<128x384xf32, #tpu.memory_space<vmem>>
      tpu.enqueue_dma source(%dma_start3A_196 : memref<128x384xf32, #tpu.memory_space<vmem>>) target(%dma_start3A_192 : memref<128x384xf32, #tpu.memory_space<hbm>>) target_semaphore(%run_scoped3A_184 : memref<!tpu.dma_semaphore, #tpu.memory_space<semaphore_mem>>)
      %dma_wait3A_197 = arith.constant 0 : i32
      %dma_wait3A_198 = arith.constant 0 : i32
      %dma_wait3A_199 = tpu.memref_slice %arg6[%run_scoped3A_124, %dma_wait3A_197, %dma_wait3A_198] : memref<2x128x384xf32, #tpu.memory_space<vmem>> -> memref<1x128x384xf32, #tpu.memory_space<vmem>>
      %dma_wait3A_200 = tpu.memref_squeeze %dma_wait3A_199 : memref<1x128x384xf32, #tpu.memory_space<vmem>> -> memref<128x384xf32, #tpu.memory_space<vmem>>
      %dma_wait3A_201 = arith.constant 0 : i32
      %dma_wait3A_202 = tpu.memref_slice %arg4[%add3A_123, %dma_wait3A_201] : memref<32768x384xf32, #tpu.memory_space<hbm>> -> memref<128x384xf32, #tpu.memory_space<hbm>>
      %dma_wait3A_203 = arith.constant 0 : i32
      %dma_wait3A_204 = tpu.memref_slice %arg4[%add3A_123, %dma_wait3A_203] : memref<32768x384xf32, #tpu.memory_space<hbm>> -> memref<128x384xf32, #tpu.memory_space<hbm>>
      %dma_wait3A_205 = arith.constant 0 : i32
      %dma_wait3A_206 = arith.constant 0 : i32
      %dma_wait3A_207 = tpu.memref_slice %arg6[%run_scoped3A_124, %dma_wait3A_205, %dma_wait3A_206] : memref<2x128x384xf32, #tpu.memory_space<vmem>> -> memref<1x128x384xf32, #tpu.memory_space<vmem>>
      %dma_wait3A_208 = tpu.memref_squeeze %dma_wait3A_207 : memref<1x128x384xf32, #tpu.memory_space<vmem>> -> memref<128x384xf32, #tpu.memory_space<vmem>>
      tpu.wait_dma2 semaphore(%run_scoped3A_184 : memref<!tpu.dma_semaphore, #tpu.memory_space<semaphore_mem>>) src(%dma_wait3A_208 : memref<128x384xf32, #tpu.memory_space<vmem>>) dst(%dma_wait3A_204 : memref<128x384xf32, #tpu.memory_space<hbm>>)
      tpu.yield
    }) : () -> ()
    %dma_start3A_125 = arith.constant 0 : i32
    %dma_start3A_126 = arith.constant 0 : i32
    %dma_start3A_127 = arith.constant 0 : i32
    %dma_start3A_128 = tpu.memref_slice %arg6[%dma_start3A_125, %dma_start3A_126, %dma_start3A_127] : memref<2x128x384xf32, #tpu.memory_space<vmem>> -> memref<1x128x384xf32, #tpu.memory_space<vmem>>
    %dma_start3A_129 = tpu.memref_squeeze %dma_start3A_128 : memref<1x128x384xf32, #tpu.memory_space<vmem>> -> memref<128x384xf32, #tpu.memory_space<vmem>>
    %dma_start3A_130 = arith.constant 768 : i32
    %dma_start3A_131 = tpu.memref_slice %arg5[%dma_start3A_130] : memref<1024xi32, #tpu.memory_space<vmem>> -> memref<128xi32, #tpu.memory_space<vmem>>
    %dma_start3A_132 = arith.constant 0 : i32
    %dma_start3A_133 = arith.constant 0 : i32
    %dma_start3A_134 = tpu.memref_slice %arg2[%dma_start3A_132, %dma_start3A_133] : memref<8192x384xf32, #tpu.memory_space<hbm>> -> memref<8192x384xf32, #tpu.memory_space<hbm>>
    tpu.enqueue_indirect_dma source(%dma_start3A_134 : memref<8192x384xf32, #tpu.memory_space<hbm>>) target(%dma_start3A_129 : memref<128x384xf32, #tpu.memory_space<vmem>>) offsets(%dma_start3A_131 : memref<128xi32, #tpu.memory_space<vmem>>) semaphore(%arg7 : memref<!tpu.dma_semaphore, #tpu.memory_space<semaphore_mem>>)
    %dma_wait3A_135 = arith.constant 1 : i32
    %dma_wait3A_136 = arith.constant 0 : i32
    %dma_wait3A_137 = arith.constant 0 : i32
    %dma_wait3A_138 = tpu.memref_slice %arg6[%dma_wait3A_135, %dma_wait3A_136, %dma_wait3A_137] : memref<2x128x384xf32, #tpu.memory_space<vmem>> -> memref<1x128x384xf32, #tpu.memory_space<vmem>>
    %dma_wait3A_139 = tpu.memref_squeeze %dma_wait3A_138 : memref<1x128x384xf32, #tpu.memory_space<vmem>> -> memref<128x384xf32, #tpu.memory_space<vmem>>
    %dma_wait3A_140 = arith.constant 640 : i32
    %dma_wait3A_141 = tpu.memref_slice %arg5[%dma_wait3A_140] : memref<1024xi32, #tpu.memory_space<vmem>> -> memref<128xi32, #tpu.memory_space<vmem>>
    %dma_wait3A_142 = arith.constant 0 : i32
    %dma_wait3A_143 = arith.constant 0 : i32
    %dma_wait3A_144 = tpu.memref_slice %arg2[%dma_wait3A_142, %dma_wait3A_143] : memref<8192x384xf32, #tpu.memory_space<hbm>> -> memref<8192x384xf32, #tpu.memory_space<hbm>>
    tpu.wait_indirect_dma semaphore(%arg8 : memref<!tpu.dma_semaphore, #tpu.memory_space<semaphore_mem>>) src(%dma_wait3A_144 : memref<8192x384xf32, #tpu.memory_space<hbm>>) dst(%dma_wait3A_139 : memref<128x384xf32, #tpu.memory_space<vmem>>)
    %add3A_145 = arith.constant 640 : i32
    %add3A_146 = arith.addi %mul3A_2, %add3A_145 : i32
    %run_scoped3A_147 = arith.constant 1 : i32
    "tpu.region"() ({
      %run_scoped3A_184 = tpu.sem_alloc : memref<!tpu.dma_semaphore, #tpu.memory_space<semaphore_mem>>
      %dma_start3A_185 = arith.constant 0 : i32
      %dma_start3A_186 = arith.constant 0 : i32
      %dma_start3A_187 = tpu.memref_slice %arg6[%run_scoped3A_147, %dma_start3A_185, %dma_start3A_186] : memref<2x128x384xf32, #tpu.memory_space<vmem>> -> memref<1x128x384xf32, #tpu.memory_space<vmem>>
      %dma_start3A_188 = tpu.memref_squeeze %dma_start3A_187 : memref<1x128x384xf32, #tpu.memory_space<vmem>> -> memref<128x384xf32, #tpu.memory_space<vmem>>
      %dma_start3A_189 = arith.constant 0 : i32
      %dma_start3A_190 = tpu.memref_slice %arg4[%add3A_146, %dma_start3A_189] : memref<32768x384xf32, #tpu.memory_space<hbm>> -> memref<128x384xf32, #tpu.memory_space<hbm>>
      %dma_start3A_191 = arith.constant 0 : i32
      %dma_start3A_192 = tpu.memref_slice %arg4[%add3A_146, %dma_start3A_191] : memref<32768x384xf32, #tpu.memory_space<hbm>> -> memref<128x384xf32, #tpu.memory_space<hbm>>
      %dma_start3A_193 = arith.constant 0 : i32
      %dma_start3A_194 = arith.constant 0 : i32
      %dma_start3A_195 = tpu.memref_slice %arg6[%run_scoped3A_147, %dma_start3A_193, %dma_start3A_194] : memref<2x128x384xf32, #tpu.memory_space<vmem>> -> memref<1x128x384xf32, #tpu.memory_space<vmem>>
      %dma_start3A_196 = tpu.memref_squeeze %dma_start3A_195 : memref<1x128x384xf32, #tpu.memory_space<vmem>> -> memref<128x384xf32, #tpu.memory_space<vmem>>
      tpu.enqueue_dma source(%dma_start3A_196 : memref<128x384xf32, #tpu.memory_space<vmem>>) target(%dma_start3A_192 : memref<128x384xf32, #tpu.memory_space<hbm>>) target_semaphore(%run_scoped3A_184 : memref<!tpu.dma_semaphore, #tpu.memory_space<semaphore_mem>>)
      %dma_wait3A_197 = arith.constant 0 : i32
      %dma_wait3A_198 = arith.constant 0 : i32
      %dma_wait3A_199 = tpu.memref_slice %arg6[%run_scoped3A_147, %dma_wait3A_197, %dma_wait3A_198] : memref<2x128x384xf32, #tpu.memory_space<vmem>> -> memref<1x128x384xf32, #tpu.memory_space<vmem>>
      %dma_wait3A_200 = tpu.memref_squeeze %dma_wait3A_199 : memref<1x128x384xf32, #tpu.memory_space<vmem>> -> memref<128x384xf32, #tpu.memory_space<vmem>>
      %dma_wait3A_201 = arith.constant 0 : i32
      %dma_wait3A_202 = tpu.memref_slice %arg4[%add3A_146, %dma_wait3A_201] : memref<32768x384xf32, #tpu.memory_space<hbm>> -> memref<128x384xf32, #tpu.memory_space<hbm>>
      %dma_wait3A_203 = arith.constant 0 : i32
      %dma_wait3A_204 = tpu.memref_slice %arg4[%add3A_146, %dma_wait3A_203] : memref<32768x384xf32, #tpu.memory_space<hbm>> -> memref<128x384xf32, #tpu.memory_space<hbm>>
      %dma_wait3A_205 = arith.constant 0 : i32
      %dma_wait3A_206 = arith.constant 0 : i32
      %dma_wait3A_207 = tpu.memref_slice %arg6[%run_scoped3A_147, %dma_wait3A_205, %dma_wait3A_206] : memref<2x128x384xf32, #tpu.memory_space<vmem>> -> memref<1x128x384xf32, #tpu.memory_space<vmem>>
      %dma_wait3A_208 = tpu.memref_squeeze %dma_wait3A_207 : memref<1x128x384xf32, #tpu.memory_space<vmem>> -> memref<128x384xf32, #tpu.memory_space<vmem>>
      tpu.wait_dma2 semaphore(%run_scoped3A_184 : memref<!tpu.dma_semaphore, #tpu.memory_space<semaphore_mem>>) src(%dma_wait3A_208 : memref<128x384xf32, #tpu.memory_space<vmem>>) dst(%dma_wait3A_204 : memref<128x384xf32, #tpu.memory_space<hbm>>)
      tpu.yield
    }) : () -> ()
    %dma_start3A_148 = arith.constant 1 : i32
    %dma_start3A_149 = arith.constant 0 : i32
    %dma_start3A_150 = arith.constant 0 : i32
    %dma_start3A_151 = tpu.memref_slice %arg6[%dma_start3A_148, %dma_start3A_149, %dma_start3A_150] : memref<2x128x384xf32, #tpu.memory_space<vmem>> -> memref<1x128x384xf32, #tpu.memory_space<vmem>>
    %dma_start3A_152 = tpu.memref_squeeze %dma_start3A_151 : memref<1x128x384xf32, #tpu.memory_space<vmem>> -> memref<128x384xf32, #tpu.memory_space<vmem>>
    %dma_start3A_153 = arith.constant 896 : i32
    %dma_start3A_154 = tpu.memref_slice %arg5[%dma_start3A_153] : memref<1024xi32, #tpu.memory_space<vmem>> -> memref<128xi32, #tpu.memory_space<vmem>>
    %dma_start3A_155 = arith.constant 0 : i32
    %dma_start3A_156 = arith.constant 0 : i32
    %dma_start3A_157 = tpu.memref_slice %arg2[%dma_start3A_155, %dma_start3A_156] : memref<8192x384xf32, #tpu.memory_space<hbm>> -> memref<8192x384xf32, #tpu.memory_space<hbm>>
    tpu.enqueue_indirect_dma source(%dma_start3A_157 : memref<8192x384xf32, #tpu.memory_space<hbm>>) target(%dma_start3A_152 : memref<128x384xf32, #tpu.memory_space<vmem>>) offsets(%dma_start3A_154 : memref<128xi32, #tpu.memory_space<vmem>>) semaphore(%arg8 : memref<!tpu.dma_semaphore, #tpu.memory_space<semaphore_mem>>)
    %dma_wait3A_158 = arith.constant 0 : i32
    %dma_wait3A_159 = arith.constant 0 : i32
    %dma_wait3A_160 = arith.constant 0 : i32
    %dma_wait3A_161 = tpu.memref_slice %arg6[%dma_wait3A_158, %dma_wait3A_159, %dma_wait3A_160] : memref<2x128x384xf32, #tpu.memory_space<vmem>> -> memref<1x128x384xf32, #tpu.memory_space<vmem>>
    %dma_wait3A_162 = tpu.memref_squeeze %dma_wait3A_161 : memref<1x128x384xf32, #tpu.memory_space<vmem>> -> memref<128x384xf32, #tpu.memory_space<vmem>>
    %dma_wait3A_163 = arith.constant 768 : i32
    %dma_wait3A_164 = tpu.memref_slice %arg5[%dma_wait3A_163] : memref<1024xi32, #tpu.memory_space<vmem>> -> memref<128xi32, #tpu.memory_space<vmem>>
    %dma_wait3A_165 = arith.constant 0 : i32
    %dma_wait3A_166 = arith.constant 0 : i32
    %dma_wait3A_167 = tpu.memref_slice %arg2[%dma_wait3A_165, %dma_wait3A_166] : memref<8192x384xf32, #tpu.memory_space<hbm>> -> memref<8192x384xf32, #tpu.memory_space<hbm>>
    tpu.wait_indirect_dma semaphore(%arg7 : memref<!tpu.dma_semaphore, #tpu.memory_space<semaphore_mem>>) src(%dma_wait3A_167 : memref<8192x384xf32, #tpu.memory_space<hbm>>) dst(%dma_wait3A_162 : memref<128x384xf32, #tpu.memory_space<vmem>>)
    %add3A_168 = arith.constant 768 : i32
    %add3A_169 = arith.addi %mul3A_2, %add3A_168 : i32
    %run_scoped3A_170 = arith.constant 0 : i32
    "tpu.region"() ({
      %run_scoped3A_184 = tpu.sem_alloc : memref<!tpu.dma_semaphore, #tpu.memory_space<semaphore_mem>>
      %dma_start3A_185 = arith.constant 0 : i32
      %dma_start3A_186 = arith.constant 0 : i32
      %dma_start3A_187 = tpu.memref_slice %arg6[%run_scoped3A_170, %dma_start3A_185, %dma_start3A_186] : memref<2x128x384xf32, #tpu.memory_space<vmem>> -> memref<1x128x384xf32, #tpu.memory_space<vmem>>
      %dma_start3A_188 = tpu.memref_squeeze %dma_start3A_187 : memref<1x128x384xf32, #tpu.memory_space<vmem>> -> memref<128x384xf32, #tpu.memory_space<vmem>>
      %dma_start3A_189 = arith.constant 0 : i32
      %dma_start3A_190 = tpu.memref_slice %arg4[%add3A_169, %dma_start3A_189] : memref<32768x384xf32, #tpu.memory_space<hbm>> -> memref<128x384xf32, #tpu.memory_space<hbm>>
      %dma_start3A_191 = arith.constant 0 : i32
      %dma_start3A_192 = tpu.memref_slice %arg4[%add3A_169, %dma_start3A_191] : memref<32768x384xf32, #tpu.memory_space<hbm>> -> memref<128x384xf32, #tpu.memory_space<hbm>>
      %dma_start3A_193 = arith.constant 0 : i32
      %dma_start3A_194 = arith.constant 0 : i32
      %dma_start3A_195 = tpu.memref_slice %arg6[%run_scoped3A_170, %dma_start3A_193, %dma_start3A_194] : memref<2x128x384xf32, #tpu.memory_space<vmem>> -> memref<1x128x384xf32, #tpu.memory_space<vmem>>
      %dma_start3A_196 = tpu.memref_squeeze %dma_start3A_195 : memref<1x128x384xf32, #tpu.memory_space<vmem>> -> memref<128x384xf32, #tpu.memory_space<vmem>>
      tpu.enqueue_dma source(%dma_start3A_196 : memref<128x384xf32, #tpu.memory_space<vmem>>) target(%dma_start3A_192 : memref<128x384xf32, #tpu.memory_space<hbm>>) target_semaphore(%run_scoped3A_184 : memref<!tpu.dma_semaphore, #tpu.memory_space<semaphore_mem>>)
      %dma_wait3A_197 = arith.constant 0 : i32
      %dma_wait3A_198 = arith.constant 0 : i32
      %dma_wait3A_199 = tpu.memref_slice %arg6[%run_scoped3A_170, %dma_wait3A_197, %dma_wait3A_198] : memref<2x128x384xf32, #tpu.memory_space<vmem>> -> memref<1x128x384xf32, #tpu.memory_space<vmem>>
      %dma_wait3A_200 = tpu.memref_squeeze %dma_wait3A_199 : memref<1x128x384xf32, #tpu.memory_space<vmem>> -> memref<128x384xf32, #tpu.memory_space<vmem>>
      %dma_wait3A_201 = arith.constant 0 : i32
      %dma_wait3A_202 = tpu.memref_slice %arg4[%add3A_169, %dma_wait3A_201] : memref<32768x384xf32, #tpu.memory_space<hbm>> -> memref<128x384xf32, #tpu.memory_space<hbm>>
      %dma_wait3A_203 = arith.constant 0 : i32
      %dma_wait3A_204 = tpu.memref_slice %arg4[%add3A_169, %dma_wait3A_203] : memref<32768x384xf32, #tpu.memory_space<hbm>> -> memref<128x384xf32, #tpu.memory_space<hbm>>
      %dma_wait3A_205 = arith.constant 0 : i32
      %dma_wait3A_206 = arith.constant 0 : i32
      %dma_wait3A_207 = tpu.memref_slice %arg6[%run_scoped3A_170, %dma_wait3A_205, %dma_wait3A_206] : memref<2x128x384xf32, #tpu.memory_space<vmem>> -> memref<1x128x384xf32, #tpu.memory_space<vmem>>
      %dma_wait3A_208 = tpu.memref_squeeze %dma_wait3A_207 : memref<1x128x384xf32, #tpu.memory_space<vmem>> -> memref<128x384xf32, #tpu.memory_space<vmem>>
      tpu.wait_dma2 semaphore(%run_scoped3A_184 : memref<!tpu.dma_semaphore, #tpu.memory_space<semaphore_mem>>) src(%dma_wait3A_208 : memref<128x384xf32, #tpu.memory_space<vmem>>) dst(%dma_wait3A_204 : memref<128x384xf32, #tpu.memory_space<hbm>>)
      tpu.yield
    }) : () -> ()
    %dma_wait3A_171 = arith.constant 1 : i32
    %dma_wait3A_172 = arith.constant 0 : i32
    %dma_wait3A_173 = arith.constant 0 : i32
    %dma_wait3A_174 = tpu.memref_slice %arg6[%dma_wait3A_171, %dma_wait3A_172, %dma_wait3A_173] : memref<2x128x384xf32, #tpu.memory_space<vmem>> -> memref<1x128x384xf32, #tpu.memory_space<vmem>>
    %dma_wait3A_175 = tpu.memref_squeeze %dma_wait3A_174 : memref<1x128x384xf32, #tpu.memory_space<vmem>> -> memref<128x384xf32, #tpu.memory_space<vmem>>
    %dma_wait3A_176 = arith.constant 896 : i32
    %dma_wait3A_177 = tpu.memref_slice %arg5[%dma_wait3A_176] : memref<1024xi32, #tpu.memory_space<vmem>> -> memref<128xi32, #tpu.memory_space<vmem>>
    %dma_wait3A_178 = arith.constant 0 : i32
    %dma_wait3A_179 = arith.constant 0 : i32
    %dma_wait3A_180 = tpu.memref_slice %arg2[%dma_wait3A_178, %dma_wait3A_179] : memref<8192x384xf32, #tpu.memory_space<hbm>> -> memref<8192x384xf32, #tpu.memory_space<hbm>>
    tpu.wait_indirect_dma semaphore(%arg8 : memref<!tpu.dma_semaphore, #tpu.memory_space<semaphore_mem>>) src(%dma_wait3A_180 : memref<8192x384xf32, #tpu.memory_space<hbm>>) dst(%dma_wait3A_175 : memref<128x384xf32, #tpu.memory_space<vmem>>)
    %add3A_181 = arith.constant 896 : i32
    %add3A_182 = arith.addi %mul3A_2, %add3A_181 : i32
    %run_scoped3A_183 = arith.constant 1 : i32
    "tpu.region"() ({
      %run_scoped3A_184 = tpu.sem_alloc : memref<!tpu.dma_semaphore, #tpu.memory_space<semaphore_mem>>
      %dma_start3A_185 = arith.constant 0 : i32
      %dma_start3A_186 = arith.constant 0 : i32
      %dma_start3A_187 = tpu.memref_slice %arg6[%run_scoped3A_183, %dma_start3A_185, %dma_start3A_186] : memref<2x128x384xf32, #tpu.memory_space<vmem>> -> memref<1x128x384xf32, #tpu.memory_space<vmem>>
      %dma_start3A_188 = tpu.memref_squeeze %dma_start3A_187 : memref<1x128x384xf32, #tpu.memory_space<vmem>> -> memref<128x384xf32, #tpu.memory_space<vmem>>
      %dma_start3A_189 = arith.constant 0 : i32
      %dma_start3A_190 = tpu.memref_slice %arg4[%add3A_182, %dma_start3A_189] : memref<32768x384xf32, #tpu.memory_space<hbm>> -> memref<128x384xf32, #tpu.memory_space<hbm>>
      %dma_start3A_191 = arith.constant 0 : i32
      %dma_start3A_192 = tpu.memref_slice %arg4[%add3A_182, %dma_start3A_191] : memref<32768x384xf32, #tpu.memory_space<hbm>> -> memref<128x384xf32, #tpu.memory_space<hbm>>
      %dma_start3A_193 = arith.constant 0 : i32
      %dma_start3A_194 = arith.constant 0 : i32
      %dma_start3A_195 = tpu.memref_slice %arg6[%run_scoped3A_183, %dma_start3A_193, %dma_start3A_194] : memref<2x128x384xf32, #tpu.memory_space<vmem>> -> memref<1x128x384xf32, #tpu.memory_space<vmem>>
      %dma_start3A_196 = tpu.memref_squeeze %dma_start3A_195 : memref<1x128x384xf32, #tpu.memory_space<vmem>> -> memref<128x384xf32, #tpu.memory_space<vmem>>
      tpu.enqueue_dma source(%dma_start3A_196 : memref<128x384xf32, #tpu.memory_space<vmem>>) target(%dma_start3A_192 : memref<128x384xf32, #tpu.memory_space<hbm>>) target_semaphore(%run_scoped3A_184 : memref<!tpu.dma_semaphore, #tpu.memory_space<semaphore_mem>>)
      %dma_wait3A_197 = arith.constant 0 : i32
      %dma_wait3A_198 = arith.constant 0 : i32
      %dma_wait3A_199 = tpu.memref_slice %arg6[%run_scoped3A_183, %dma_wait3A_197, %dma_wait3A_198] : memref<2x128x384xf32, #tpu.memory_space<vmem>> -> memref<1x128x384xf32, #tpu.memory_space<vmem>>
      %dma_wait3A_200 = tpu.memref_squeeze %dma_wait3A_199 : memref<1x128x384xf32, #tpu.memory_space<vmem>> -> memref<128x384xf32, #tpu.memory_space<vmem>>
      %dma_wait3A_201 = arith.constant 0 : i32
      %dma_wait3A_202 = tpu.memref_slice %arg4[%add3A_182, %dma_wait3A_201] : memref<32768x384xf32, #tpu.memory_space<hbm>> -> memref<128x384xf32, #tpu.memory_space<hbm>>
      %dma_wait3A_203 = arith.constant 0 : i32
      %dma_wait3A_204 = tpu.memref_slice %arg4[%add3A_182, %dma_wait3A_203] : memref<32768x384xf32, #tpu.memory_space<hbm>> -> memref<128x384xf32, #tpu.memory_space<hbm>>
      %dma_wait3A_205 = arith.constant 0 : i32
      %dma_wait3A_206 = arith.constant 0 : i32
      %dma_wait3A_207 = tpu.memref_slice %arg6[%run_scoped3A_183, %dma_wait3A_205, %dma_wait3A_206] : memref<2x128x384xf32, #tpu.memory_space<vmem>> -> memref<1x128x384xf32, #tpu.memory_space<vmem>>
      %dma_wait3A_208 = tpu.memref_squeeze %dma_wait3A_207 : memref<1x128x384xf32, #tpu.memory_space<vmem>> -> memref<128x384xf32, #tpu.memory_space<vmem>>
      tpu.wait_dma2 semaphore(%run_scoped3A_184 : memref<!tpu.dma_semaphore, #tpu.memory_space<semaphore_mem>>) src(%dma_wait3A_208 : memref<128x384xf32, #tpu.memory_space<vmem>>) dst(%dma_wait3A_204 : memref<128x384xf32, #tpu.memory_space<hbm>>)
      tpu.yield
    }) : () -> ()
    return
  }
}

module attributes {stable_mosaic.version = 14 : i64} {
  func.func @_prompt_norm_body(%arg0: i32, %arg1: memref<512x5x64xf32, #tpu.memory_space<vmem>>, %arg2: memref<512x64xf32, #tpu.memory_space<vmem>>, %arg3: memref<512x384xf32, #tpu.memory_space<vmem>>) attributes {dimension_semantics = [#tpu.dimension_semantics<arbitrary>], iteration_bounds = array<i64: 16>, scalar_prefetch = 0 : i64, scratch_operands = 0 : i64, tpu.core_type = #tpu.core_type<tc>, window_params = [{transform_indices = @transform_0, window_bounds = array<i64: 512, 5, 64>}, {transform_indices = @transform_1, window_bounds = array<i64: 512, 64>}, {transform_indices = @transform_2, window_bounds = array<i64: 512, 384>}]} {
    %get3A = arith.constant 0 : index
    %get3A_0 = arith.constant 0 : index
    %get3A_1 = arith.constant 0 : index
    %get3A_2 = vector.load %arg1[%get3A, %get3A_0, %get3A_1] : memref<512x5x64xf32, #tpu.memory_space<vmem>>, vector<512x5x64xf32>
    %slice3A = vector.extract_strided_slice %get3A_2 {offsets = [0, 0, 0], sizes = [512, 1, 64], strides = [1, 1, 1]} : vector<512x5x64xf32> to vector<512x1x64xf32>
    %squeeze3A = vector.shape_cast %slice3A : vector<512x1x64xf32> to vector<512x64xf32>
    %slice3A_3 = vector.extract_strided_slice %get3A_2 {offsets = [0, 1, 0], sizes = [512, 1, 64], strides = [1, 1, 1]} : vector<512x5x64xf32> to vector<512x1x64xf32>
    %squeeze3A_4 = vector.shape_cast %slice3A_3 : vector<512x1x64xf32> to vector<512x64xf32>
    %slice3A_5 = vector.extract_strided_slice %get3A_2 {offsets = [0, 2, 0], sizes = [512, 1, 64], strides = [1, 1, 1]} : vector<512x5x64xf32> to vector<512x1x64xf32>
    %squeeze3A_6 = vector.shape_cast %slice3A_5 : vector<512x1x64xf32> to vector<512x64xf32>
    %slice3A_7 = vector.extract_strided_slice %get3A_2 {offsets = [0, 3, 0], sizes = [512, 1, 64], strides = [1, 1, 1]} : vector<512x5x64xf32> to vector<512x1x64xf32>
    %squeeze3A_8 = vector.shape_cast %slice3A_7 : vector<512x1x64xf32> to vector<512x64xf32>
    %slice3A_9 = vector.extract_strided_slice %get3A_2 {offsets = [0, 4, 0], sizes = [512, 1, 64], strides = [1, 1, 1]} : vector<512x5x64xf32> to vector<512x1x64xf32>
    %squeeze3A_10 = vector.shape_cast %slice3A_9 : vector<512x1x64xf32> to vector<512x64xf32>
    %broadcast_in_dim3A = arith.constant 0.000000e+00 : f32
    %broadcast_in_dim3A_11 = vector.broadcast %broadcast_in_dim3A : f32 to vector<512x64xf32>
    %concatenate3A = tpu.concatenate %squeeze3A, %squeeze3A_4, %squeeze3A_6, %squeeze3A_8, %squeeze3A_10, %broadcast_in_dim3A_11 in 1 : vector<512x64xf32>, vector<512x64xf32>, vector<512x64xf32>, vector<512x64xf32>, vector<512x64xf32>, vector<512x64xf32> -> vector<512x384xf32>
    %swap3A = arith.constant 0 : index
    %swap3A_12 = arith.constant 0 : index
    %swap3A_13 = vector.load %arg3[%swap3A, %swap3A_12] : memref<512x384xf32, #tpu.memory_space<vmem>>, vector<512x384xf32>
    tpu.vector_store %arg3[%swap3A, %swap3A_12], %concatenate3A {strides = array<i32>} : memref<512x384xf32, #tpu.memory_space<vmem>>, vector<512x384xf32>,
    %add3A = arith.addf %squeeze3A, %squeeze3A_4 : vector<512x64xf32>
    %add3A_14 = arith.addf %add3A, %squeeze3A_6 : vector<512x64xf32>
    %add3A_15 = arith.addf %add3A_14, %squeeze3A_8 : vector<512x64xf32>
    %add3A_16 = arith.addf %add3A_15, %squeeze3A_10 : vector<512x64xf32>
    %div3A = arith.constant 5.000000e+00 : f32
    %div3A_17 = vector.broadcast %div3A : f32 to vector<512x64xf32>
    %div3A_18 = arith.divf %add3A_16, %div3A_17 : vector<512x64xf32>
    %slice3A_19 = vector.extract_strided_slice %div3A_18 {offsets = [0, 0], sizes = [512, 8], strides = [1, 1]} : vector<512x64xf32> to vector<512x8xf32>
    %mul3A = arith.mulf %slice3A_19, %slice3A_19 : vector<512x8xf32>
    %slice3A_20 = vector.extract_strided_slice %div3A_18 {offsets = [0, 8], sizes = [512, 8], strides = [1, 1]} : vector<512x64xf32> to vector<512x8xf32>
    %mul3A_21 = arith.mulf %slice3A_20, %slice3A_20 : vector<512x8xf32>
    %add3A_22 = arith.addf %mul3A_21, %mul3A : vector<512x8xf32>
    %slice3A_23 = vector.extract_strided_slice %div3A_18 {offsets = [0, 16], sizes = [512, 8], strides = [1, 1]} : vector<512x64xf32> to vector<512x8xf32>
    %mul3A_24 = arith.mulf %slice3A_23, %slice3A_23 : vector<512x8xf32>
    %add3A_25 = arith.addf %mul3A_24, %add3A_22 : vector<512x8xf32>
    %slice3A_26 = vector.extract_strided_slice %div3A_18 {offsets = [0, 24], sizes = [512, 8], strides = [1, 1]} : vector<512x64xf32> to vector<512x8xf32>
    %mul3A_27 = arith.mulf %slice3A_26, %slice3A_26 : vector<512x8xf32>
    %add3A_28 = arith.addf %mul3A_27, %add3A_25 : vector<512x8xf32>
    %slice3A_29 = vector.extract_strided_slice %div3A_18 {offsets = [0, 32], sizes = [512, 8], strides = [1, 1]} : vector<512x64xf32> to vector<512x8xf32>
    %mul3A_30 = arith.mulf %slice3A_29, %slice3A_29 : vector<512x8xf32>
    %add3A_31 = arith.addf %mul3A_30, %add3A_28 : vector<512x8xf32>
    %slice3A_32 = vector.extract_strided_slice %div3A_18 {offsets = [0, 40], sizes = [512, 8], strides = [1, 1]} : vector<512x64xf32> to vector<512x8xf32>
    %mul3A_33 = arith.mulf %slice3A_32, %slice3A_32 : vector<512x8xf32>
    %add3A_34 = arith.addf %mul3A_33, %add3A_31 : vector<512x8xf32>
    %slice3A_35 = vector.extract_strided_slice %div3A_18 {offsets = [0, 48], sizes = [512, 8], strides = [1, 1]} : vector<512x64xf32> to vector<512x8xf32>
    %mul3A_36 = arith.mulf %slice3A_35, %slice3A_35 : vector<512x8xf32>
    %add3A_37 = arith.addf %mul3A_36, %add3A_34 : vector<512x8xf32>
    %slice3A_38 = vector.extract_strided_slice %div3A_18 {offsets = [0, 56], sizes = [512, 8], strides = [1, 1]} : vector<512x64xf32> to vector<512x8xf32>
    %mul3A_39 = arith.mulf %slice3A_38, %slice3A_38 : vector<512x8xf32>
    %add3A_40 = arith.addf %mul3A_39, %add3A_37 : vector<512x8xf32>
    %slice3A_41 = vector.extract_strided_slice %add3A_40 {offsets = [0, 4], sizes = [512, 4], strides = [1, 1]} : vector<512x8xf32> to vector<512x4xf32>
    %slice3A_42 = vector.extract_strided_slice %add3A_40 {offsets = [0, 0], sizes = [512, 4], strides = [1, 1]} : vector<512x8xf32> to vector<512x4xf32>
    %add3A_43 = arith.addf %slice3A_41, %slice3A_42 : vector<512x4xf32>
    %slice3A_44 = vector.extract_strided_slice %add3A_43 {offsets = [0, 2], sizes = [512, 2], strides = [1, 1]} : vector<512x4xf32> to vector<512x2xf32>
    %slice3A_45 = vector.extract_strided_slice %add3A_43 {offsets = [0, 0], sizes = [512, 2], strides = [1, 1]} : vector<512x4xf32> to vector<512x2xf32>
    %add3A_46 = arith.addf %slice3A_44, %slice3A_45 : vector<512x2xf32>
    %slice3A_47 = vector.extract_strided_slice %add3A_46 {offsets = [0, 1], sizes = [512, 1], strides = [1, 1]} : vector<512x2xf32> to vector<512x1xf32>
    %slice3A_48 = vector.extract_strided_slice %add3A_46 {offsets = [0, 0], sizes = [512, 1], strides = [1, 1]} : vector<512x2xf32> to vector<512x1xf32>
    %add3A_49 = arith.addf %slice3A_47, %slice3A_48 : vector<512x1xf32>
    %max3A = arith.constant 9.99999996E-13 : f32
    %max3A_50 = vector.broadcast %max3A : f32 to vector<512x1xf32>
    %max3A_51 = arith.maximumf %add3A_49, %max3A_50 : vector<512x1xf32>
    %rsqrt3A = math.rsqrt %max3A_51 : vector<512x1xf32>
    %mul3A_52 = vector.broadcast %rsqrt3A : vector<512x1xf32> to vector<512x64xf32>
    %mul3A_53 = arith.mulf %div3A_18, %mul3A_52 : vector<512x64xf32>
    %swap3A_54 = arith.constant 0 : index
    %swap3A_55 = arith.constant 0 : index
    %swap3A_56 = vector.load %arg2[%swap3A_54, %swap3A_55] : memref<512x64xf32, #tpu.memory_space<vmem>>, vector<512x64xf32>
    tpu.vector_store %arg2[%swap3A_54, %swap3A_55], %mul3A_53 {strides = array<i32>} : memref<512x64xf32, #tpu.memory_space<vmem>>, vector<512x64xf32>,
    return
  }
  func.func @transform_0(%arg0: i32) -> (i32, i32, i32) {
    %c0_i32 = arith.constant 0 : i32
    %c0_i32_0 = arith.constant 0 : i32
    %c0_i32_1 = arith.constant 0 : i32
    return %arg0, %c0_i32, %c0_i32_0 : i32, i32, i32
  }
  func.func @transform_1(%arg0: i32) -> (i32, i32) {
    %c0_i32 = arith.constant 0 : i32
    %c0_i32_0 = arith.constant 0 : i32
    return %arg0, %c0_i32 : i32, i32
  }
  func.func @transform_2(%arg0: i32) -> (i32, i32) {
    %c0_i32 = arith.constant 0 : i32
    %c0_i32_0 = arith.constant 0 : i32
    return %arg0, %c0_i32 : i32, i32
  }
}

module attributes {stable_mosaic.version = 14 : i64} {
  func.func @_sim_topk_body(%arg0: i32, %arg1: memref<256x64xf32, #tpu.memory_space<vmem>>, %arg2: memref<8192x64xf32, #tpu.memory_space<vmem>>, %arg3: memref<256x8192xf32, #tpu.memory_space<vmem>>, %arg4: memref<256x8xi32, #tpu.memory_space<vmem>>, %arg5: memref<1x1xf32, #tpu.memory_space<vmem>>) attributes {dimension_semantics = [#tpu.dimension_semantics<arbitrary>], iteration_bounds = array<i64: 16>, scalar_prefetch = 0 : i64, scratch_operands = 0 : i64, tpu.core_type = #tpu.core_type<tc>, window_params = [{transform_indices = @transform_0, window_bounds = array<i64: 256, 64>}, {pipeline_mode = #tpu.pipeline_mode<synchronous>, transform_indices = @transform_1, window_bounds = array<i64: 8192, 64>}, {transform_indices = @transform_2, window_bounds = array<i64: 256, 8192>}, {transform_indices = @transform_3, window_bounds = array<i64: 256, 8>}, {pipeline_mode = #tpu.pipeline_mode<synchronous>, transform_indices = @transform_4, window_bounds = array<i64: 1, 1>}]} {
    %get3A = arith.constant 0 : index
    %get3A_0 = arith.constant 0 : index
    %get3A_1 = vector.load %arg1[%get3A, %get3A_0] : memref<256x64xf32, #tpu.memory_space<vmem>>, vector<256x64xf32>
    %slice3A = vector.extract_strided_slice %get3A_1 {offsets = [0, 0], sizes = [256, 8], strides = [1, 1]} : vector<256x64xf32> to vector<256x8xf32>
    %mul3A = arith.mulf %slice3A, %slice3A : vector<256x8xf32>
    %slice3A_2 = vector.extract_strided_slice %get3A_1 {offsets = [0, 8], sizes = [256, 8], strides = [1, 1]} : vector<256x64xf32> to vector<256x8xf32>
    %mul3A_3 = arith.mulf %slice3A_2, %slice3A_2 : vector<256x8xf32>
    %add3A = arith.addf %mul3A_3, %mul3A : vector<256x8xf32>
    %slice3A_4 = vector.extract_strided_slice %get3A_1 {offsets = [0, 16], sizes = [256, 8], strides = [1, 1]} : vector<256x64xf32> to vector<256x8xf32>
    %mul3A_5 = arith.mulf %slice3A_4, %slice3A_4 : vector<256x8xf32>
    %add3A_6 = arith.addf %mul3A_5, %add3A : vector<256x8xf32>
    %slice3A_7 = vector.extract_strided_slice %get3A_1 {offsets = [0, 24], sizes = [256, 8], strides = [1, 1]} : vector<256x64xf32> to vector<256x8xf32>
    %mul3A_8 = arith.mulf %slice3A_7, %slice3A_7 : vector<256x8xf32>
    %add3A_9 = arith.addf %mul3A_8, %add3A_6 : vector<256x8xf32>
    %slice3A_10 = vector.extract_strided_slice %get3A_1 {offsets = [0, 32], sizes = [256, 8], strides = [1, 1]} : vector<256x64xf32> to vector<256x8xf32>
    %mul3A_11 = arith.mulf %slice3A_10, %slice3A_10 : vector<256x8xf32>
    %add3A_12 = arith.addf %mul3A_11, %add3A_9 : vector<256x8xf32>
    %slice3A_13 = vector.extract_strided_slice %get3A_1 {offsets = [0, 40], sizes = [256, 8], strides = [1, 1]} : vector<256x64xf32> to vector<256x8xf32>
    %mul3A_14 = arith.mulf %slice3A_13, %slice3A_13 : vector<256x8xf32>
    %add3A_15 = arith.addf %mul3A_14, %add3A_12 : vector<256x8xf32>
    %slice3A_16 = vector.extract_strided_slice %get3A_1 {offsets = [0, 48], sizes = [256, 8], strides = [1, 1]} : vector<256x64xf32> to vector<256x8xf32>
    %mul3A_17 = arith.mulf %slice3A_16, %slice3A_16 : vector<256x8xf32>
    %add3A_18 = arith.addf %mul3A_17, %add3A_15 : vector<256x8xf32>
    %slice3A_19 = vector.extract_strided_slice %get3A_1 {offsets = [0, 56], sizes = [256, 8], strides = [1, 1]} : vector<256x64xf32> to vector<256x8xf32>
    %mul3A_20 = arith.mulf %slice3A_19, %slice3A_19 : vector<256x8xf32>
    %add3A_21 = arith.addf %mul3A_20, %add3A_18 : vector<256x8xf32>
    %slice3A_22 = vector.extract_strided_slice %add3A_21 {offsets = [0, 4], sizes = [256, 4], strides = [1, 1]} : vector<256x8xf32> to vector<256x4xf32>
    %slice3A_23 = vector.extract_strided_slice %add3A_21 {offsets = [0, 0], sizes = [256, 4], strides = [1, 1]} : vector<256x8xf32> to vector<256x4xf32>
    %add3A_24 = arith.addf %slice3A_22, %slice3A_23 : vector<256x4xf32>
    %slice3A_25 = vector.extract_strided_slice %add3A_24 {offsets = [0, 2], sizes = [256, 2], strides = [1, 1]} : vector<256x4xf32> to vector<256x2xf32>
    %slice3A_26 = vector.extract_strided_slice %add3A_24 {offsets = [0, 0], sizes = [256, 2], strides = [1, 1]} : vector<256x4xf32> to vector<256x2xf32>
    %add3A_27 = arith.addf %slice3A_25, %slice3A_26 : vector<256x2xf32>
    %slice3A_28 = vector.extract_strided_slice %add3A_27 {offsets = [0, 1], sizes = [256, 1], strides = [1, 1]} : vector<256x2xf32> to vector<256x1xf32>
    %slice3A_29 = vector.extract_strided_slice %add3A_27 {offsets = [0, 0], sizes = [256, 1], strides = [1, 1]} : vector<256x2xf32> to vector<256x1xf32>
    %add3A_30 = arith.addf %slice3A_28, %slice3A_29 : vector<256x1xf32>
    %max3A = arith.constant 9.99999996E-13 : f32
    %max3A_31 = vector.broadcast %max3A : f32 to vector<256x1xf32>
    %max3A_32 = arith.maximumf %add3A_30, %max3A_31 : vector<256x1xf32>
    %rsqrt3A = math.rsqrt %max3A_32 : vector<256x1xf32>
    %mul3A_33 = vector.broadcast %rsqrt3A : vector<256x1xf32> to vector<256x64xf32>
    %mul3A_34 = arith.mulf %get3A_1, %mul3A_33 : vector<256x64xf32>
    %get3A_35 = arith.constant 0 : index
    %get3A_36 = arith.constant 0 : index
    %get3A_37 = vector.load %arg2[%get3A_35, %get3A_36] : memref<8192x64xf32, #tpu.memory_space<vmem>>, vector<8192x64xf32>
    %dot_general3A = arith.constant dense<0.000000e+00> : vector<256x8192xf32>
    %dot_general3A_38 = tpu.matmul %mul3A_34, %get3A_37, %dot_general3A {dimension_numbers = #tpu.dot_dimension_numbers<[1], [1], [0], [0], [0, 0, 1, 0], [], []>, transpose_lhs_hint = false} : vector<256x64xf32>, vector<8192x64xf32>, vector<256x8192xf32> -> vector<256x8192xf32>
    %swap3A = arith.constant 0 : index
    %swap3A_39 = arith.constant 0 : index
    %swap3A_40 = vector.load %arg3[%swap3A, %swap3A_39] : memref<256x8192xf32, #tpu.memory_space<vmem>>, vector<256x8192xf32>
    tpu.vector_store %arg3[%swap3A, %swap3A_39], %dot_general3A_38 {strides = array<i32>} : memref<256x8192xf32, #tpu.memory_space<vmem>>, vector<256x8192xf32>,
    %iota3A = tpu.iota {dimensions = array<i32: 1>} : vector<256x8192xi32>
    %iota3A_41 = tpu.iota {dimensions = array<i32: 1>} : vector<256x8xi32>
    %broadcast_in_dim3A = arith.constant 0 : i32
    %broadcast_in_dim3A_42 = vector.broadcast %broadcast_in_dim3A : i32 to vector<256x8xi32>
    %reduce_max3A = arith.constant dense<0xFF800000> : vector<256xf32>
    %reduce_max3A_43 = vector.multi_reduction <maximumf>, %dot_general3A_38, %reduce_max3A [1] : vector<256x8192xf32> to vector<256xf32>
    %broadcast_in_dim3A_44 = vector.shape_cast %reduce_max3A_43 : vector<256xf32> to vector<256x1xf32>
    %eq3A = vector.broadcast %broadcast_in_dim3A_44 : vector<256x1xf32> to vector<256x8192xf32>
    %eq3A_45 = arith.cmpf oeq, %dot_general3A_38, %eq3A : vector<256x8192xf32>
    %jit3A = arith.constant 8192 : i32
    %broadcast_in_dim3A_46 = vector.broadcast %jit3A : i32 to vector<256x8192xi32>
    %select_n3A = arith.select %eq3A_45, %iota3A, %broadcast_in_dim3A_46 : vector<256x8192xi1>, vector<256x8192xi32>
    %reduce_min3A = arith.constant dense<2147483647> : vector<256xi32>
    %reduce_min3A_47 = vector.multi_reduction <minsi>, %select_n3A, %reduce_min3A [1] : vector<256x8192xi32> to vector<256xi32>
    %broadcast_in_dim3A_48 = vector.shape_cast %reduce_min3A_47 : vector<256xi32> to vector<256x1xi32>
    %eq3A_49 = arith.constant 0 : i32
    %eq3A_50 = vector.broadcast %eq3A_49 : i32 to vector<256x8xi32>
    %eq3A_51 = arith.cmpi eq, %iota3A_41, %eq3A_50 : vector<256x8xi32>
    %broadcast_in_dim3A_52 = vector.shape_cast %broadcast_in_dim3A_48 : vector<256x1xi32> to vector<256x1xi32>
    %broadcast_in_dim3A_53 = vector.broadcast %broadcast_in_dim3A_52 : vector<256x1xi32> to vector<256x8xi32>
    %select_n3A_54 = arith.select %eq3A_51, %broadcast_in_dim3A_53, %broadcast_in_dim3A_42 : vector<256x8xi1>, vector<256x8xi32>
    %reduce_sum3A = vector.shape_cast %broadcast_in_dim3A_44 : vector<256x1xf32> to vector<1x256x1xf32>
    %reduce_sum3A_55 = arith.constant dense<0.000000e+00> : vector<1xf32>
    %reduce_sum3A_56 = vector.multi_reduction <add>, %reduce_sum3A, %reduce_sum3A_55 [1, 2] : vector<1x256x1xf32> to vector<1xf32>
    %reduce_sum3A_57 = vector.shape_cast %reduce_sum3A_56 : vector<1xf32> to vector<1x1x1xf32>
    %reduce_sum3A_58 = vector.extract %reduce_sum3A_57[0, 0, 0] : f32 from vector<1x1x1xf32>
    %add3A_59 = arith.constant 0.000000e+00 : f32
    %add3A_60 = arith.addf %add3A_59, %reduce_sum3A_58 : f32
    %eq3A_61 = vector.broadcast %broadcast_in_dim3A_48 : vector<256x1xi32> to vector<256x8192xi32>
    %eq3A_62 = arith.cmpi eq, %iota3A, %eq3A_61 : vector<256x8192xi32>
    %jit3A_63 = arith.constant 0xFF800000 : f32
    %broadcast_in_dim3A_64 = vector.broadcast %jit3A_63 : f32 to vector<256x8192xf32>
    %select_n3A_65 = arith.select %eq3A_62, %broadcast_in_dim3A_64, %dot_general3A_38 : vector<256x8192xi1>, vector<256x8192xf32>
    %reduce_max3A_66 = arith.constant dense<0xFF800000> : vector<256xf32>
    %reduce_max3A_67 = vector.multi_reduction <maximumf>, %select_n3A_65, %reduce_max3A_66 [1] : vector<256x8192xf32> to vector<256xf32>
    %broadcast_in_dim3A_68 = vector.shape_cast %reduce_max3A_67 : vector<256xf32> to vector<256x1xf32>
    %eq3A_69 = vector.broadcast %broadcast_in_dim3A_68 : vector<256x1xf32> to vector<256x8192xf32>
    %eq3A_70 = arith.cmpf oeq, %select_n3A_65, %eq3A_69 : vector<256x8192xf32>
    %jit3A_71 = arith.constant 8192 : i32
    %broadcast_in_dim3A_72 = vector.broadcast %jit3A_71 : i32 to vector<256x8192xi32>
    %select_n3A_73 = arith.select %eq3A_70, %iota3A, %broadcast_in_dim3A_72 : vector<256x8192xi1>, vector<256x8192xi32>
    %reduce_min3A_74 = arith.constant dense<2147483647> : vector<256xi32>
    %reduce_min3A_75 = vector.multi_reduction <minsi>, %select_n3A_73, %reduce_min3A_74 [1] : vector<256x8192xi32> to vector<256xi32>
    %broadcast_in_dim3A_76 = vector.shape_cast %reduce_min3A_75 : vector<256xi32> to vector<256x1xi32>
    %eq3A_77 = arith.constant 1 : i32
    %eq3A_78 = vector.broadcast %eq3A_77 : i32 to vector<256x8xi32>
    %eq3A_79 = arith.cmpi eq, %iota3A_41, %eq3A_78 : vector<256x8xi32>
    %broadcast_in_dim3A_80 = vector.shape_cast %broadcast_in_dim3A_76 : vector<256x1xi32> to vector<256x1xi32>
    %broadcast_in_dim3A_81 = vector.broadcast %broadcast_in_dim3A_80 : vector<256x1xi32> to vector<256x8xi32>
    %select_n3A_82 = arith.select %eq3A_79, %broadcast_in_dim3A_81, %select_n3A_54 : vector<256x8xi1>, vector<256x8xi32>
    %reduce_sum3A_83 = vector.shape_cast %broadcast_in_dim3A_68 : vector<256x1xf32> to vector<1x256x1xf32>
    %reduce_sum3A_84 = arith.constant dense<0.000000e+00> : vector<1xf32>
    %reduce_sum3A_85 = vector.multi_reduction <add>, %reduce_sum3A_83, %reduce_sum3A_84 [1, 2] : vector<1x256x1xf32> to vector<1xf32>
    %reduce_sum3A_86 = vector.shape_cast %reduce_sum3A_85 : vector<1xf32> to vector<1x1x1xf32>
    %reduce_sum3A_87 = vector.extract %reduce_sum3A_86[0, 0, 0] : f32 from vector<1x1x1xf32>
    %add3A_88 = arith.addf %add3A_60, %reduce_sum3A_87 : f32
    %eq3A_89 = vector.broadcast %broadcast_in_dim3A_76 : vector<256x1xi32> to vector<256x8192xi32>
    %eq3A_90 = arith.cmpi eq, %iota3A, %eq3A_89 : vector<256x8192xi32>
    %jit3A_91 = arith.constant 0xFF800000 : f32
    %broadcast_in_dim3A_92 = vector.broadcast %jit3A_91 : f32 to vector<256x8192xf32>
    %select_n3A_93 = arith.select %eq3A_90, %broadcast_in_dim3A_92, %select_n3A_65 : vector<256x8192xi1>, vector<256x8192xf32>
    %reduce_max3A_94 = arith.constant dense<0xFF800000> : vector<256xf32>
    %reduce_max3A_95 = vector.multi_reduction <maximumf>, %select_n3A_93, %reduce_max3A_94 [1] : vector<256x8192xf32> to vector<256xf32>
    %broadcast_in_dim3A_96 = vector.shape_cast %reduce_max3A_95 : vector<256xf32> to vector<256x1xf32>
    %eq3A_97 = vector.broadcast %broadcast_in_dim3A_96 : vector<256x1xf32> to vector<256x8192xf32>
    %eq3A_98 = arith.cmpf oeq, %select_n3A_93, %eq3A_97 : vector<256x8192xf32>
    %jit3A_99 = arith.constant 8192 : i32
    %broadcast_in_dim3A_100 = vector.broadcast %jit3A_99 : i32 to vector<256x8192xi32>
    %select_n3A_101 = arith.select %eq3A_98, %iota3A, %broadcast_in_dim3A_100 : vector<256x8192xi1>, vector<256x8192xi32>
    %reduce_min3A_102 = arith.constant dense<2147483647> : vector<256xi32>
    %reduce_min3A_103 = vector.multi_reduction <minsi>, %select_n3A_101, %reduce_min3A_102 [1] : vector<256x8192xi32> to vector<256xi32>
    %broadcast_in_dim3A_104 = vector.shape_cast %reduce_min3A_103 : vector<256xi32> to vector<256x1xi32>
    %eq3A_105 = arith.constant 2 : i32
    %eq3A_106 = vector.broadcast %eq3A_105 : i32 to vector<256x8xi32>
    %eq3A_107 = arith.cmpi eq, %iota3A_41, %eq3A_106 : vector<256x8xi32>
    %broadcast_in_dim3A_108 = vector.shape_cast %broadcast_in_dim3A_104 : vector<256x1xi32> to vector<256x1xi32>
    %broadcast_in_dim3A_109 = vector.broadcast %broadcast_in_dim3A_108 : vector<256x1xi32> to vector<256x8xi32>
    %select_n3A_110 = arith.select %eq3A_107, %broadcast_in_dim3A_109, %select_n3A_82 : vector<256x8xi1>, vector<256x8xi32>
    %reduce_sum3A_111 = vector.shape_cast %broadcast_in_dim3A_96 : vector<256x1xf32> to vector<1x256x1xf32>
    %reduce_sum3A_112 = arith.constant dense<0.000000e+00> : vector<1xf32>
    %reduce_sum3A_113 = vector.multi_reduction <add>, %reduce_sum3A_111, %reduce_sum3A_112 [1, 2] : vector<1x256x1xf32> to vector<1xf32>
    %reduce_sum3A_114 = vector.shape_cast %reduce_sum3A_113 : vector<1xf32> to vector<1x1x1xf32>
    %reduce_sum3A_115 = vector.extract %reduce_sum3A_114[0, 0, 0] : f32 from vector<1x1x1xf32>
    %add3A_116 = arith.addf %add3A_88, %reduce_sum3A_115 : f32
    %eq3A_117 = vector.broadcast %broadcast_in_dim3A_104 : vector<256x1xi32> to vector<256x8192xi32>
    %eq3A_118 = arith.cmpi eq, %iota3A, %eq3A_117 : vector<256x8192xi32>
    %jit3A_119 = arith.constant 0xFF800000 : f32
    %broadcast_in_dim3A_120 = vector.broadcast %jit3A_119 : f32 to vector<256x8192xf32>
    %select_n3A_121 = arith.select %eq3A_118, %broadcast_in_dim3A_120, %select_n3A_93 : vector<256x8192xi1>, vector<256x8192xf32>
    %reduce_max3A_122 = arith.constant dense<0xFF800000> : vector<256xf32>
    %reduce_max3A_123 = vector.multi_reduction <maximumf>, %select_n3A_121, %reduce_max3A_122 [1] : vector<256x8192xf32> to vector<256xf32>
    %broadcast_in_dim3A_124 = vector.shape_cast %reduce_max3A_123 : vector<256xf32> to vector<256x1xf32>
    %eq3A_125 = vector.broadcast %broadcast_in_dim3A_124 : vector<256x1xf32> to vector<256x8192xf32>
    %eq3A_126 = arith.cmpf oeq, %select_n3A_121, %eq3A_125 : vector<256x8192xf32>
    %jit3A_127 = arith.constant 8192 : i32
    %broadcast_in_dim3A_128 = vector.broadcast %jit3A_127 : i32 to vector<256x8192xi32>
    %select_n3A_129 = arith.select %eq3A_126, %iota3A, %broadcast_in_dim3A_128 : vector<256x8192xi1>, vector<256x8192xi32>
    %reduce_min3A_130 = arith.constant dense<2147483647> : vector<256xi32>
    %reduce_min3A_131 = vector.multi_reduction <minsi>, %select_n3A_129, %reduce_min3A_130 [1] : vector<256x8192xi32> to vector<256xi32>
    %broadcast_in_dim3A_132 = vector.shape_cast %reduce_min3A_131 : vector<256xi32> to vector<256x1xi32>
    %eq3A_133 = arith.constant 3 : i32
    %eq3A_134 = vector.broadcast %eq3A_133 : i32 to vector<256x8xi32>
    %eq3A_135 = arith.cmpi eq, %iota3A_41, %eq3A_134 : vector<256x8xi32>
    %broadcast_in_dim3A_136 = vector.shape_cast %broadcast_in_dim3A_132 : vector<256x1xi32> to vector<256x1xi32>
    %broadcast_in_dim3A_137 = vector.broadcast %broadcast_in_dim3A_136 : vector<256x1xi32> to vector<256x8xi32>
    %select_n3A_138 = arith.select %eq3A_135, %broadcast_in_dim3A_137, %select_n3A_110 : vector<256x8xi1>, vector<256x8xi32>
    %reduce_sum3A_139 = vector.shape_cast %broadcast_in_dim3A_124 : vector<256x1xf32> to vector<1x256x1xf32>
    %reduce_sum3A_140 = arith.constant dense<0.000000e+00> : vector<1xf32>
    %reduce_sum3A_141 = vector.multi_reduction <add>, %reduce_sum3A_139, %reduce_sum3A_140 [1, 2] : vector<1x256x1xf32> to vector<1xf32>
    %reduce_sum3A_142 = vector.shape_cast %reduce_sum3A_141 : vector<1xf32> to vector<1x1x1xf32>
    %reduce_sum3A_143 = vector.extract %reduce_sum3A_142[0, 0, 0] : f32 from vector<1x1x1xf32>
    %add3A_144 = arith.addf %add3A_116, %reduce_sum3A_143 : f32
    %eq3A_145 = vector.broadcast %broadcast_in_dim3A_132 : vector<256x1xi32> to vector<256x8192xi32>
    %eq3A_146 = arith.cmpi eq, %iota3A, %eq3A_145 : vector<256x8192xi32>
    %jit3A_147 = arith.constant 0xFF800000 : f32
    %broadcast_in_dim3A_148 = vector.broadcast %jit3A_147 : f32 to vector<256x8192xf32>
    %select_n3A_149 = arith.select %eq3A_146, %broadcast_in_dim3A_148, %select_n3A_121 : vector<256x8192xi1>, vector<256x8192xf32>
    %reduce_max3A_150 = arith.constant dense<0xFF800000> : vector<256xf32>
    %reduce_max3A_151 = vector.multi_reduction <maximumf>, %select_n3A_149, %reduce_max3A_150 [1] : vector<256x8192xf32> to vector<256xf32>
    %broadcast_in_dim3A_152 = vector.shape_cast %reduce_max3A_151 : vector<256xf32> to vector<256x1xf32>
    %eq3A_153 = vector.broadcast %broadcast_in_dim3A_152 : vector<256x1xf32> to vector<256x8192xf32>
    %eq3A_154 = arith.cmpf oeq, %select_n3A_149, %eq3A_153 : vector<256x8192xf32>
    %jit3A_155 = arith.constant 8192 : i32
    %broadcast_in_dim3A_156 = vector.broadcast %jit3A_155 : i32 to vector<256x8192xi32>
    %select_n3A_157 = arith.select %eq3A_154, %iota3A, %broadcast_in_dim3A_156 : vector<256x8192xi1>, vector<256x8192xi32>
    %reduce_min3A_158 = arith.constant dense<2147483647> : vector<256xi32>
    %reduce_min3A_159 = vector.multi_reduction <minsi>, %select_n3A_157, %reduce_min3A_158 [1] : vector<256x8192xi32> to vector<256xi32>
    %broadcast_in_dim3A_160 = vector.shape_cast %reduce_min3A_159 : vector<256xi32> to vector<256x1xi32>
    %eq3A_161 = arith.constant 4 : i32
    %eq3A_162 = vector.broadcast %eq3A_161 : i32 to vector<256x8xi32>
    %eq3A_163 = arith.cmpi eq, %iota3A_41, %eq3A_162 : vector<256x8xi32>
    %broadcast_in_dim3A_164 = vector.shape_cast %broadcast_in_dim3A_160 : vector<256x1xi32> to vector<256x1xi32>
    %broadcast_in_dim3A_165 = vector.broadcast %broadcast_in_dim3A_164 : vector<256x1xi32> to vector<256x8xi32>
    %select_n3A_166 = arith.select %eq3A_163, %broadcast_in_dim3A_165, %select_n3A_138 : vector<256x8xi1>, vector<256x8xi32>
    %reduce_sum3A_167 = vector.shape_cast %broadcast_in_dim3A_152 : vector<256x1xf32> to vector<1x256x1xf32>
    %reduce_sum3A_168 = arith.constant dense<0.000000e+00> : vector<1xf32>
    %reduce_sum3A_169 = vector.multi_reduction <add>, %reduce_sum3A_167, %reduce_sum3A_168 [1, 2] : vector<1x256x1xf32> to vector<1xf32>
    %reduce_sum3A_170 = vector.shape_cast %reduce_sum3A_169 : vector<1xf32> to vector<1x1x1xf32>
    %reduce_sum3A_171 = vector.extract %reduce_sum3A_170[0, 0, 0] : f32 from vector<1x1x1xf32>
    %add3A_172 = arith.addf %add3A_144, %reduce_sum3A_171 : f32
    %eq3A_173 = vector.broadcast %broadcast_in_dim3A_160 : vector<256x1xi32> to vector<256x8192xi32>
    %eq3A_174 = arith.cmpi eq, %iota3A, %eq3A_173 : vector<256x8192xi32>
    %jit3A_175 = arith.constant 0xFF800000 : f32
    %broadcast_in_dim3A_176 = vector.broadcast %jit3A_175 : f32 to vector<256x8192xf32>
    %select_n3A_177 = arith.select %eq3A_174, %broadcast_in_dim3A_176, %select_n3A_149 : vector<256x8192xi1>, vector<256x8192xf32>
    %reduce_max3A_178 = arith.constant dense<0xFF800000> : vector<256xf32>
    %reduce_max3A_179 = vector.multi_reduction <maximumf>, %select_n3A_177, %reduce_max3A_178 [1] : vector<256x8192xf32> to vector<256xf32>
    %broadcast_in_dim3A_180 = vector.shape_cast %reduce_max3A_179 : vector<256xf32> to vector<256x1xf32>
    %eq3A_181 = vector.broadcast %broadcast_in_dim3A_180 : vector<256x1xf32> to vector<256x8192xf32>
    %eq3A_182 = arith.cmpf oeq, %select_n3A_177, %eq3A_181 : vector<256x8192xf32>
    %jit3A_183 = arith.constant 8192 : i32
    %broadcast_in_dim3A_184 = vector.broadcast %jit3A_183 : i32 to vector<256x8192xi32>
    %select_n3A_185 = arith.select %eq3A_182, %iota3A, %broadcast_in_dim3A_184 : vector<256x8192xi1>, vector<256x8192xi32>
    %reduce_min3A_186 = arith.constant dense<2147483647> : vector<256xi32>
    %reduce_min3A_187 = vector.multi_reduction <minsi>, %select_n3A_185, %reduce_min3A_186 [1] : vector<256x8192xi32> to vector<256xi32>
    %broadcast_in_dim3A_188 = vector.shape_cast %reduce_min3A_187 : vector<256xi32> to vector<256x1xi32>
    %eq3A_189 = arith.constant 5 : i32
    %eq3A_190 = vector.broadcast %eq3A_189 : i32 to vector<256x8xi32>
    %eq3A_191 = arith.cmpi eq, %iota3A_41, %eq3A_190 : vector<256x8xi32>
    %broadcast_in_dim3A_192 = vector.shape_cast %broadcast_in_dim3A_188 : vector<256x1xi32> to vector<256x1xi32>
    %broadcast_in_dim3A_193 = vector.broadcast %broadcast_in_dim3A_192 : vector<256x1xi32> to vector<256x8xi32>
    %select_n3A_194 = arith.select %eq3A_191, %broadcast_in_dim3A_193, %select_n3A_166 : vector<256x8xi1>, vector<256x8xi32>
    %reduce_sum3A_195 = vector.shape_cast %broadcast_in_dim3A_180 : vector<256x1xf32> to vector<1x256x1xf32>
    %reduce_sum3A_196 = arith.constant dense<0.000000e+00> : vector<1xf32>
    %reduce_sum3A_197 = vector.multi_reduction <add>, %reduce_sum3A_195, %reduce_sum3A_196 [1, 2] : vector<1x256x1xf32> to vector<1xf32>
    %reduce_sum3A_198 = vector.shape_cast %reduce_sum3A_197 : vector<1xf32> to vector<1x1x1xf32>
    %reduce_sum3A_199 = vector.extract %reduce_sum3A_198[0, 0, 0] : f32 from vector<1x1x1xf32>
    %add3A_200 = arith.addf %add3A_172, %reduce_sum3A_199 : f32
    %eq3A_201 = vector.broadcast %broadcast_in_dim3A_188 : vector<256x1xi32> to vector<256x8192xi32>
    %eq3A_202 = arith.cmpi eq, %iota3A, %eq3A_201 : vector<256x8192xi32>
    %jit3A_203 = arith.constant 0xFF800000 : f32
    %broadcast_in_dim3A_204 = vector.broadcast %jit3A_203 : f32 to vector<256x8192xf32>
    %select_n3A_205 = arith.select %eq3A_202, %broadcast_in_dim3A_204, %select_n3A_177 : vector<256x8192xi1>, vector<256x8192xf32>
    %reduce_max3A_206 = arith.constant dense<0xFF800000> : vector<256xf32>
    %reduce_max3A_207 = vector.multi_reduction <maximumf>, %select_n3A_205, %reduce_max3A_206 [1] : vector<256x8192xf32> to vector<256xf32>
    %broadcast_in_dim3A_208 = vector.shape_cast %reduce_max3A_207 : vector<256xf32> to vector<256x1xf32>
    %eq3A_209 = vector.broadcast %broadcast_in_dim3A_208 : vector<256x1xf32> to vector<256x8192xf32>
    %eq3A_210 = arith.cmpf oeq, %select_n3A_205, %eq3A_209 : vector<256x8192xf32>
    %jit3A_211 = arith.constant 8192 : i32
    %broadcast_in_dim3A_212 = vector.broadcast %jit3A_211 : i32 to vector<256x8192xi32>
    %select_n3A_213 = arith.select %eq3A_210, %iota3A, %broadcast_in_dim3A_212 : vector<256x8192xi1>, vector<256x8192xi32>
    %reduce_min3A_214 = arith.constant dense<2147483647> : vector<256xi32>
    %reduce_min3A_215 = vector.multi_reduction <minsi>, %select_n3A_213, %reduce_min3A_214 [1] : vector<256x8192xi32> to vector<256xi32>
    %broadcast_in_dim3A_216 = vector.shape_cast %reduce_min3A_215 : vector<256xi32> to vector<256x1xi32>
    %eq3A_217 = arith.constant 6 : i32
    %eq3A_218 = vector.broadcast %eq3A_217 : i32 to vector<256x8xi32>
    %eq3A_219 = arith.cmpi eq, %iota3A_41, %eq3A_218 : vector<256x8xi32>
    %broadcast_in_dim3A_220 = vector.shape_cast %broadcast_in_dim3A_216 : vector<256x1xi32> to vector<256x1xi32>
    %broadcast_in_dim3A_221 = vector.broadcast %broadcast_in_dim3A_220 : vector<256x1xi32> to vector<256x8xi32>
    %select_n3A_222 = arith.select %eq3A_219, %broadcast_in_dim3A_221, %select_n3A_194 : vector<256x8xi1>, vector<256x8xi32>
    %reduce_sum3A_223 = vector.shape_cast %broadcast_in_dim3A_208 : vector<256x1xf32> to vector<1x256x1xf32>
    %reduce_sum3A_224 = arith.constant dense<0.000000e+00> : vector<1xf32>
    %reduce_sum3A_225 = vector.multi_reduction <add>, %reduce_sum3A_223, %reduce_sum3A_224 [1, 2] : vector<1x256x1xf32> to vector<1xf32>
    %reduce_sum3A_226 = vector.shape_cast %reduce_sum3A_225 : vector<1xf32> to vector<1x1x1xf32>
    %reduce_sum3A_227 = vector.extract %reduce_sum3A_226[0, 0, 0] : f32 from vector<1x1x1xf32>
    %add3A_228 = arith.addf %add3A_200, %reduce_sum3A_227 : f32
    %eq3A_229 = vector.broadcast %broadcast_in_dim3A_216 : vector<256x1xi32> to vector<256x8192xi32>
    %eq3A_230 = arith.cmpi eq, %iota3A, %eq3A_229 : vector<256x8192xi32>
    %jit3A_231 = arith.constant 0xFF800000 : f32
    %broadcast_in_dim3A_232 = vector.broadcast %jit3A_231 : f32 to vector<256x8192xf32>
    %select_n3A_233 = arith.select %eq3A_230, %broadcast_in_dim3A_232, %select_n3A_205 : vector<256x8192xi1>, vector<256x8192xf32>
    %reduce_max3A_234 = arith.constant dense<0xFF800000> : vector<256xf32>
    %reduce_max3A_235 = vector.multi_reduction <maximumf>, %select_n3A_233, %reduce_max3A_234 [1] : vector<256x8192xf32> to vector<256xf32>
    %broadcast_in_dim3A_236 = vector.shape_cast %reduce_max3A_235 : vector<256xf32> to vector<256x1xf32>
    %eq3A_237 = vector.broadcast %broadcast_in_dim3A_236 : vector<256x1xf32> to vector<256x8192xf32>
    %eq3A_238 = arith.cmpf oeq, %select_n3A_233, %eq3A_237 : vector<256x8192xf32>
    %jit3A_239 = arith.constant 8192 : i32
    %broadcast_in_dim3A_240 = vector.broadcast %jit3A_239 : i32 to vector<256x8192xi32>
    %select_n3A_241 = arith.select %eq3A_238, %iota3A, %broadcast_in_dim3A_240 : vector<256x8192xi1>, vector<256x8192xi32>
    %reduce_min3A_242 = arith.constant dense<2147483647> : vector<256xi32>
    %reduce_min3A_243 = vector.multi_reduction <minsi>, %select_n3A_241, %reduce_min3A_242 [1] : vector<256x8192xi32> to vector<256xi32>
    %broadcast_in_dim3A_244 = vector.shape_cast %reduce_min3A_243 : vector<256xi32> to vector<256x1xi32>
    %eq3A_245 = arith.constant 7 : i32
    %eq3A_246 = vector.broadcast %eq3A_245 : i32 to vector<256x8xi32>
    %eq3A_247 = arith.cmpi eq, %iota3A_41, %eq3A_246 : vector<256x8xi32>
    %broadcast_in_dim3A_248 = vector.shape_cast %broadcast_in_dim3A_244 : vector<256x1xi32> to vector<256x1xi32>
    %broadcast_in_dim3A_249 = vector.broadcast %broadcast_in_dim3A_248 : vector<256x1xi32> to vector<256x8xi32>
    %select_n3A_250 = arith.select %eq3A_247, %broadcast_in_dim3A_249, %select_n3A_222 : vector<256x8xi1>, vector<256x8xi32>
    %reduce_sum3A_251 = vector.shape_cast %broadcast_in_dim3A_236 : vector<256x1xf32> to vector<1x256x1xf32>
    %reduce_sum3A_252 = arith.constant dense<0.000000e+00> : vector<1xf32>
    %reduce_sum3A_253 = vector.multi_reduction <add>, %reduce_sum3A_251, %reduce_sum3A_252 [1, 2] : vector<1x256x1xf32> to vector<1xf32>
    %reduce_sum3A_254 = vector.shape_cast %reduce_sum3A_253 : vector<1xf32> to vector<1x1x1xf32>
    %reduce_sum3A_255 = vector.extract %reduce_sum3A_254[0, 0, 0] : f32 from vector<1x1x1xf32>
    %add3A_256 = arith.addf %add3A_228, %reduce_sum3A_255 : f32
    %swap3A_257 = arith.constant 0 : index
    %swap3A_258 = arith.constant 0 : index
    %swap3A_259 = vector.load %arg4[%swap3A_257, %swap3A_258] : memref<256x8xi32, #tpu.memory_space<vmem>>, vector<256x8xi32>
    tpu.vector_store %arg4[%swap3A_257, %swap3A_258], %select_n3A_250 {strides = array<i32>} : memref<256x8xi32, #tpu.memory_space<vmem>>, vector<256x8xi32>,
    %eq3A_260 = arith.constant 0 : i32
    %eq3A_261 = arith.cmpi eq, %arg0, %eq3A_260 : i32
    %convert_element_type3A = arith.extui %eq3A_261 : i1 to i32
    %cond3A = arith.constant 0 : i32
    %cond3A_262 = arith.cmpi ne, %convert_element_type3A, %cond3A : i32
    scf.if %cond3A_262 {
      %broadcast_in_dim3A_273 = arith.constant 0.000000e+00 : f32
      %broadcast_in_dim3A_274 = vector.broadcast %broadcast_in_dim3A_273 : f32 to vector<1x1xf32>
      %swap3A_275 = arith.constant 0 : index
      %swap3A_276 = arith.constant 0 : index
      %swap3A_277 = vector.load %arg5[%swap3A_275, %swap3A_276] : memref<1x1xf32, #tpu.memory_space<vmem>>, vector<1x1xf32>
      tpu.vector_store %arg5[%swap3A_275, %swap3A_276], %broadcast_in_dim3A_274 {strides = array<i32>} : memref<1x1xf32, #tpu.memory_space<vmem>>, vector<1x1xf32>,
    } else {
    }
    %get3A_263 = arith.constant 0 : index
    %get3A_264 = arith.constant 0 : index
    %get3A_265 = vector.load %arg5[%get3A_263, %get3A_264] : memref<1x1xf32, #tpu.memory_space<vmem>>, vector<1x1xf32>
    %mul3A_266 = arith.constant 2.44140625E-4 : f32
    %mul3A_267 = arith.mulf %add3A_256, %mul3A_266 : f32
    %add3A_268 = vector.broadcast %mul3A_267 : f32 to vector<1x1xf32>
    %add3A_269 = arith.addf %get3A_265, %add3A_268 : vector<1x1xf32>
    %swap3A_270 = arith.constant 0 : index
    %swap3A_271 = arith.constant 0 : index
    %swap3A_272 = vector.load %arg5[%swap3A_270, %swap3A_271] : memref<1x1xf32, #tpu.memory_space<vmem>>, vector<1x1xf32>
    tpu.vector_store %arg5[%swap3A_270, %swap3A_271], %add3A_269 {strides = array<i32>} : memref<1x1xf32, #tpu.memory_space<vmem>>, vector<1x1xf32>,
    return
  }
  func.func @transform_0(%arg0: i32) -> (i32, i32) {
    %c0_i32 = arith.constant 0 : i32
    %c0_i32_0 = arith.constant 0 : i32
    return %arg0, %c0_i32 : i32, i32
  }
  func.func @transform_1(%arg0: i32) -> (i32, i32) {
    %c0_i32 = arith.constant 0 : i32
    %c0_i32_0 = arith.constant 0 : i32
    %c0_i32_1 = arith.constant 0 : i32
    return %c0_i32, %c0_i32_0 : i32, i32
  }
  func.func @transform_2(%arg0: i32) -> (i32, i32) {
    %c0_i32 = arith.constant 0 : i32
    %c0_i32_0 = arith.constant 0 : i32
    return %arg0, %c0_i32 : i32, i32
  }
  func.func @transform_3(%arg0: i32) -> (i32, i32) {
    %c0_i32 = arith.constant 0 : i32
    %c0_i32_0 = arith.constant 0 : i32
    return %arg0, %c0_i32 : i32, i32
  }
  func.func @transform_4(%arg0: i32) -> (i32, i32) {
    %c0_i32 = arith.constant 0 : i32
    %c0_i32_0 = arith.constant 0 : i32
    %c0_i32_1 = arith.constant 0 : i32
    return %c0_i32, %c0_i32_0 : i32, i32
  }
}

module attributes {stable_mosaic.version = 14 : i64} {
  func.func @_corr_body(%arg0: i32, %arg1: memref<2048x384xf32, #tpu.memory_space<vmem>>, %arg2: memref<1x1xf32, #tpu.memory_space<vmem>>, %arg3: memref<2048x320xf32, #tpu.memory_space<vmem>>, %arg4: memref<64x64xf32, #tpu.memory_space<vmem>>, %arg5: memref<1x64xf32, #tpu.memory_space<vmem>>) attributes {dimension_semantics = [#tpu.dimension_semantics<arbitrary>], iteration_bounds = array<i64: 16>, scalar_prefetch = 0 : i64, scratch_operands = 2 : i64, tpu.core_type = #tpu.core_type<tc>, window_params = [{transform_indices = @transform_0, window_bounds = array<i64: 2048, 384>}, {pipeline_mode = #tpu.pipeline_mode<synchronous>, transform_indices = @transform_1, window_bounds = array<i64: 1, 1>}, {transform_indices = @transform_2, window_bounds = array<i64: 2048, 320>}]} {
    %get3A = arith.constant 0 : index
    %get3A_0 = arith.constant 0 : index
    %get3A_1 = vector.load %arg1[%get3A, %get3A_0] : memref<2048x384xf32, #tpu.memory_space<vmem>>, vector<2048x384xf32>
    %slice3A = vector.extract_strided_slice %get3A_1 {offsets = [0, 0], sizes = [2048, 320], strides = [1, 1]} : vector<2048x384xf32> to vector<2048x320xf32>
    %swap3A = arith.constant 0 : index
    %swap3A_2 = arith.constant 0 : index
    %swap3A_3 = vector.load %arg3[%swap3A, %swap3A_2] : memref<2048x320xf32, #tpu.memory_space<vmem>>, vector<2048x320xf32>
    tpu.vector_store %arg3[%swap3A, %swap3A_2], %slice3A {strides = array<i32>} : memref<2048x320xf32, #tpu.memory_space<vmem>>, vector<2048x320xf32>,
    %broadcast_in_dim3A = arith.constant 0.000000e+00 : f32
    %broadcast_in_dim3A_4 = vector.broadcast %broadcast_in_dim3A : f32 to vector<64x64xf32>
    %broadcast_in_dim3A_5 = arith.constant 0.000000e+00 : f32
    %broadcast_in_dim3A_6 = vector.broadcast %broadcast_in_dim3A_5 : f32 to vector<1x64xf32>
    %slice3A_7 = vector.extract_strided_slice %get3A_1 {offsets = [0, 0], sizes = [2048, 64], strides = [1, 1]} : vector<2048x384xf32> to vector<2048x64xf32>
    %dot_general3A = arith.constant dense<0.000000e+00> : vector<64x64xf32>
    %dot_general3A_8 = tpu.matmul %slice3A_7, %slice3A_7, %dot_general3A {dimension_numbers = #tpu.dot_dimension_numbers<[0], [0], [1], [1], [0, 1, 1, 1], [], []>, transpose_lhs_hint = false} : vector<2048x64xf32>, vector<2048x64xf32>, vector<64x64xf32> -> vector<64x64xf32>
    %add3A = arith.addf %broadcast_in_dim3A_4, %dot_general3A_8 : vector<64x64xf32>
    %reduce_sum3A = arith.constant dense<0.000000e+00> : vector<64xf32>
    %reduce_sum3A_9 = vector.multi_reduction <add>, %slice3A_7, %reduce_sum3A [0] : vector<2048x64xf32> to vector<64xf32>
    %broadcast_in_dim3A_10 = vector.shape_cast %reduce_sum3A_9 : vector<64xf32> to vector<1x64xf32>
    %add3A_11 = arith.addf %broadcast_in_dim3A_6, %broadcast_in_dim3A_10 : vector<1x64xf32>
    %slice3A_12 = vector.extract_strided_slice %get3A_1 {offsets = [0, 64], sizes = [2048, 64], strides = [1, 1]} : vector<2048x384xf32> to vector<2048x64xf32>
    %dot_general3A_13 = arith.constant dense<0.000000e+00> : vector<64x64xf32>
    %dot_general3A_14 = tpu.matmul %slice3A_12, %slice3A_12, %dot_general3A_13 {dimension_numbers = #tpu.dot_dimension_numbers<[0], [0], [1], [1], [0, 1, 1, 1], [], []>, transpose_lhs_hint = false} : vector<2048x64xf32>, vector<2048x64xf32>, vector<64x64xf32> -> vector<64x64xf32>
    %add3A_15 = arith.addf %add3A, %dot_general3A_14 : vector<64x64xf32>
    %reduce_sum3A_16 = arith.constant dense<0.000000e+00> : vector<64xf32>
    %reduce_sum3A_17 = vector.multi_reduction <add>, %slice3A_12, %reduce_sum3A_16 [0] : vector<2048x64xf32> to vector<64xf32>
    %broadcast_in_dim3A_18 = vector.shape_cast %reduce_sum3A_17 : vector<64xf32> to vector<1x64xf32>
    %add3A_19 = arith.addf %add3A_11, %broadcast_in_dim3A_18 : vector<1x64xf32>
    %slice3A_20 = vector.extract_strided_slice %get3A_1 {offsets = [0, 128], sizes = [2048, 64], strides = [1, 1]} : vector<2048x384xf32> to vector<2048x64xf32>
    %dot_general3A_21 = arith.constant dense<0.000000e+00> : vector<64x64xf32>
    %dot_general3A_22 = tpu.matmul %slice3A_20, %slice3A_20, %dot_general3A_21 {dimension_numbers = #tpu.dot_dimension_numbers<[0], [0], [1], [1], [0, 1, 1, 1], [], []>, transpose_lhs_hint = false} : vector<2048x64xf32>, vector<2048x64xf32>, vector<64x64xf32> -> vector<64x64xf32>
    %add3A_23 = arith.addf %add3A_15, %dot_general3A_22 : vector<64x64xf32>
    %reduce_sum3A_24 = arith.constant dense<0.000000e+00> : vector<64xf32>
    %reduce_sum3A_25 = vector.multi_reduction <add>, %slice3A_20, %reduce_sum3A_24 [0] : vector<2048x64xf32> to vector<64xf32>
    %broadcast_in_dim3A_26 = vector.shape_cast %reduce_sum3A_25 : vector<64xf32> to vector<1x64xf32>
    %add3A_27 = arith.addf %add3A_19, %broadcast_in_dim3A_26 : vector<1x64xf32>
    %slice3A_28 = vector.extract_strided_slice %get3A_1 {offsets = [0, 192], sizes = [2048, 64], strides = [1, 1]} : vector<2048x384xf32> to vector<2048x64xf32>
    %dot_general3A_29 = arith.constant dense<0.000000e+00> : vector<64x64xf32>
    %dot_general3A_30 = tpu.matmul %slice3A_28, %slice3A_28, %dot_general3A_29 {dimension_numbers = #tpu.dot_dimension_numbers<[0], [0], [1], [1], [0, 1, 1, 1], [], []>, transpose_lhs_hint = false} : vector<2048x64xf32>, vector<2048x64xf32>, vector<64x64xf32> -> vector<64x64xf32>
    %add3A_31 = arith.addf %add3A_23, %dot_general3A_30 : vector<64x64xf32>
    %reduce_sum3A_32 = arith.constant dense<0.000000e+00> : vector<64xf32>
    %reduce_sum3A_33 = vector.multi_reduction <add>, %slice3A_28, %reduce_sum3A_32 [0] : vector<2048x64xf32> to vector<64xf32>
    %broadcast_in_dim3A_34 = vector.shape_cast %reduce_sum3A_33 : vector<64xf32> to vector<1x64xf32>
    %add3A_35 = arith.addf %add3A_27, %broadcast_in_dim3A_34 : vector<1x64xf32>
    %slice3A_36 = vector.extract_strided_slice %get3A_1 {offsets = [0, 256], sizes = [2048, 64], strides = [1, 1]} : vector<2048x384xf32> to vector<2048x64xf32>
    %dot_general3A_37 = arith.constant dense<0.000000e+00> : vector<64x64xf32>
    %dot_general3A_38 = tpu.matmul %slice3A_36, %slice3A_36, %dot_general3A_37 {dimension_numbers = #tpu.dot_dimension_numbers<[0], [0], [1], [1], [0, 1, 1, 1], [], []>, transpose_lhs_hint = false} : vector<2048x64xf32>, vector<2048x64xf32>, vector<64x64xf32> -> vector<64x64xf32>
    %add3A_39 = arith.addf %add3A_31, %dot_general3A_38 : vector<64x64xf32>
    %reduce_sum3A_40 = arith.constant dense<0.000000e+00> : vector<64xf32>
    %reduce_sum3A_41 = vector.multi_reduction <add>, %slice3A_36, %reduce_sum3A_40 [0] : vector<2048x64xf32> to vector<64xf32>
    %broadcast_in_dim3A_42 = vector.shape_cast %reduce_sum3A_41 : vector<64xf32> to vector<1x64xf32>
    %add3A_43 = arith.addf %add3A_35, %broadcast_in_dim3A_42 : vector<1x64xf32>
    %eq3A = arith.constant 0 : i32
    %eq3A_44 = arith.cmpi eq, %arg0, %eq3A : i32
    %convert_element_type3A = arith.extui %eq3A_44 : i1 to i32
    %cond3A = arith.constant 0 : i32
    %cond3A_45 = arith.cmpi ne, %convert_element_type3A, %cond3A : i32
    scf.if %cond3A_45 {
      %broadcast_in_dim3A_65 = arith.constant 0.000000e+00 : f32
      %broadcast_in_dim3A_66 = vector.broadcast %broadcast_in_dim3A_65 : f32 to vector<64x64xf32>
      %swap3A_67 = arith.constant 0 : index
      %swap3A_68 = arith.constant 0 : index
      %swap3A_69 = vector.load %arg4[%swap3A_67, %swap3A_68] : memref<64x64xf32, #tpu.memory_space<vmem>>, vector<64x64xf32>
      tpu.vector_store %arg4[%swap3A_67, %swap3A_68], %broadcast_in_dim3A_66 {strides = array<i32>} : memref<64x64xf32, #tpu.memory_space<vmem>>, vector<64x64xf32>,
      %broadcast_in_dim3A_70 = arith.constant 0.000000e+00 : f32
      %broadcast_in_dim3A_71 = vector.broadcast %broadcast_in_dim3A_70 : f32 to vector<1x64xf32>
      %swap3A_72 = arith.constant 0 : index
      %swap3A_73 = arith.constant 0 : index
      %swap3A_74 = vector.load %arg5[%swap3A_72, %swap3A_73] : memref<1x64xf32, #tpu.memory_space<vmem>>, vector<1x64xf32>
      tpu.vector_store %arg5[%swap3A_72, %swap3A_73], %broadcast_in_dim3A_71 {strides = array<i32>} : memref<1x64xf32, #tpu.memory_space<vmem>>, vector<1x64xf32>,
    } else {
    }
    %get3A_46 = arith.constant 0 : index
    %get3A_47 = arith.constant 0 : index
    %get3A_48 = vector.load %arg4[%get3A_46, %get3A_47] : memref<64x64xf32, #tpu.memory_space<vmem>>, vector<64x64xf32>
    %add3A_49 = arith.addf %get3A_48, %add3A_39 : vector<64x64xf32>
    %swap3A_50 = arith.constant 0 : index
    %swap3A_51 = arith.constant 0 : index
    %swap3A_52 = vector.load %arg4[%swap3A_50, %swap3A_51] : memref<64x64xf32, #tpu.memory_space<vmem>>, vector<64x64xf32>
    tpu.vector_store %arg4[%swap3A_50, %swap3A_51], %add3A_49 {strides = array<i32>} : memref<64x64xf32, #tpu.memory_space<vmem>>, vector<64x64xf32>,
    %get3A_53 = arith.constant 0 : index
    %get3A_54 = arith.constant 0 : index
    %get3A_55 = vector.load %arg5[%get3A_53, %get3A_54] : memref<1x64xf32, #tpu.memory_space<vmem>>, vector<1x64xf32>
    %add3A_56 = arith.addf %get3A_55, %add3A_43 : vector<1x64xf32>
    %swap3A_57 = arith.constant 0 : index
    %swap3A_58 = arith.constant 0 : index
    %swap3A_59 = vector.load %arg5[%swap3A_57, %swap3A_58] : memref<1x64xf32, #tpu.memory_space<vmem>>, vector<1x64xf32>
    tpu.vector_store %arg5[%swap3A_57, %swap3A_58], %add3A_56 {strides = array<i32>} : memref<1x64xf32, #tpu.memory_space<vmem>>, vector<1x64xf32>,
    %eq3A_60 = arith.constant 15 : i32
    %eq3A_61 = arith.cmpi eq, %arg0, %eq3A_60 : i32
    %convert_element_type3A_62 = arith.extui %eq3A_61 : i1 to i32
    %cond3A_63 = arith.constant 0 : i32
    %cond3A_64 = arith.cmpi ne, %convert_element_type3A_62, %cond3A_63 : i32
    scf.if %cond3A_64 {
      %get3A_65 = arith.constant 0 : index
      %get3A_66 = arith.constant 0 : index
      %get3A_67 = vector.load %arg4[%get3A_65, %get3A_66] : memref<64x64xf32, #tpu.memory_space<vmem>>, vector<64x64xf32>
      %get3A_68 = arith.constant 0 : index
      %get3A_69 = arith.constant 0 : index
      %get3A_70 = vector.load %arg5[%get3A_68, %get3A_69] : memref<1x64xf32, #tpu.memory_space<vmem>>, vector<1x64xf32>
      %mul3A = arith.constant 6.10351572E-6 : f32
      %mul3A_71 = vector.broadcast %mul3A : f32 to vector<1x64xf32>
      %mul3A_72 = arith.mulf %get3A_70, %mul3A_71 : vector<1x64xf32>
      %dot_general3A_73 = arith.constant dense<0.000000e+00> : vector<64x64xf32>
      %dot_general3A_74 = tpu.matmul %mul3A_72, %mul3A_72, %dot_general3A_73 {dimension_numbers = #tpu.dot_dimension_numbers<[0], [0], [1], [1], [0, 1, 1, 1], [], []>, transpose_lhs_hint = false} : vector<1x64xf32>, vector<1x64xf32>, vector<64x64xf32> -> vector<64x64xf32>
      %mul3A_75 = arith.constant 1.638400e+05 : f32
      %mul3A_76 = vector.broadcast %mul3A_75 : f32 to vector<64x64xf32>
      %mul3A_77 = arith.mulf %mul3A_76, %dot_general3A_74 : vector<64x64xf32>
      %sub3A = arith.subf %get3A_67, %mul3A_77 : vector<64x64xf32>
      %iota3A = tpu.iota {dimensions = array<i32: 0>} : vector<64x64xi32>
      %iota3A_78 = tpu.iota {dimensions = array<i32: 1>} : vector<64x64xi32>
      %eq3A_79 = arith.cmpi eq, %iota3A, %iota3A_78 : vector<64x64xi32>
      %convert_element_type3A_80 = arith.extui %eq3A_79 : vector<64x64xi1> to vector<64x64xi32>
      %convert_element_type3A_81 = arith.sitofp %convert_element_type3A_80 : vector<64x64xi32> to vector<64x64xf32>
      %mul3A_82 = arith.mulf %sub3A, %convert_element_type3A_81 : vector<64x64xf32>
      %reduce_sum3A_83 = arith.constant dense<0.000000e+00> : vector<64xf32>
      %reduce_sum3A_84 = vector.multi_reduction <add>, %mul3A_82, %reduce_sum3A_83 [0] : vector<64x64xf32> to vector<64xf32>
      %broadcast_in_dim3A_85 = vector.shape_cast %reduce_sum3A_84 : vector<64xf32> to vector<1x64xf32>
      %mul3A_86 = arith.constant 6.10355301E-6 : f32
      %mul3A_87 = vector.broadcast %mul3A_86 : f32 to vector<1x64xf32>
      %mul3A_88 = arith.mulf %broadcast_in_dim3A_85, %mul3A_87 : vector<1x64xf32>
      %mul3A_89 = arith.mulf %sub3A, %convert_element_type3A_81 : vector<64x64xf32>
      %reduce_sum3A_90 = arith.constant dense<0.000000e+00> : vector<64xf32>
      %reduce_sum3A_91 = vector.multi_reduction <add>, %mul3A_89, %reduce_sum3A_90 [1] : vector<64x64xf32> to vector<64xf32>
      %broadcast_in_dim3A_92 = vector.shape_cast %reduce_sum3A_91 : vector<64xf32> to vector<64x1xf32>
      %mul3A_93 = arith.constant 6.10355301E-6 : f32
      %mul3A_94 = vector.broadcast %mul3A_93 : f32 to vector<64x1xf32>
      %mul3A_95 = arith.mulf %broadcast_in_dim3A_92, %mul3A_94 : vector<64x1xf32>
      %sqrt3A = math.sqrt %mul3A_95 : vector<64x1xf32>
      %add3A_96 = arith.constant 9.99999997E-7 : f32
      %add3A_97 = vector.broadcast %add3A_96 : f32 to vector<64x1xf32>
      %add3A_98 = arith.addf %sqrt3A, %add3A_97 : vector<64x1xf32>
      %sqrt3A_99 = math.sqrt %mul3A_88 : vector<1x64xf32>
      %add3A_100 = arith.constant 9.99999997E-7 : f32
      %add3A_101 = vector.broadcast %add3A_100 : f32 to vector<1x64xf32>
      %add3A_102 = arith.addf %sqrt3A_99, %add3A_101 : vector<1x64xf32>
      %mul3A_103 = vector.broadcast %add3A_98 : vector<64x1xf32> to vector<64x64xf32>
      %mul3A_104 = vector.broadcast %add3A_102 : vector<1x64xf32> to vector<64x64xf32>
      %mul3A_105 = arith.mulf %mul3A_103, %mul3A_104 : vector<64x64xf32>
      %mul3A_106 = arith.constant 6.10351572E-6 : f32
      %mul3A_107 = vector.broadcast %mul3A_106 : f32 to vector<64x64xf32>
      %mul3A_108 = arith.mulf %sub3A, %mul3A_107 : vector<64x64xf32>
      %div3A = arith.divf %mul3A_108, %mul3A_105 : vector<64x64xf32>
      %mul3A_109 = arith.mulf %div3A, %convert_element_type3A_81 : vector<64x64xf32>
      %sub3A_110 = arith.subf %mul3A_109, %convert_element_type3A_81 : vector<64x64xf32>
      %integer_pow3A = arith.mulf %sub3A_110, %sub3A_110 : vector<64x64xf32>
      %reduce_sum3A_111 = vector.shape_cast %integer_pow3A : vector<64x64xf32> to vector<1x64x64xf32>
      %reduce_sum3A_112 = arith.constant dense<0.000000e+00> : vector<1xf32>
      %reduce_sum3A_113 = vector.multi_reduction <add>, %reduce_sum3A_111, %reduce_sum3A_112 [1, 2] : vector<1x64x64xf32> to vector<1xf32>
      %reduce_sum3A_114 = vector.shape_cast %reduce_sum3A_113 : vector<1xf32> to vector<1x1x1xf32>
      %reduce_sum3A_115 = vector.extract %reduce_sum3A_114[0, 0, 0] : f32 from vector<1x1x1xf32>
      %broadcast_in_dim3A_116 = vector.broadcast %reduce_sum3A_115 : f32 to vector<1x1xf32>
      %mul3A_117 = arith.constant 1.562500e-02 : f32
      %mul3A_118 = vector.broadcast %mul3A_117 : f32 to vector<1x1xf32>
      %mul3A_119 = arith.mulf %broadcast_in_dim3A_116, %mul3A_118 : vector<1x1xf32>
      %sub3A_120 = arith.constant 1.000000e+00 : f32
      %sub3A_121 = vector.broadcast %sub3A_120 : f32 to vector<64x64xf32>
      %sub3A_122 = arith.subf %sub3A_121, %convert_element_type3A_81 : vector<64x64xf32>
      %mul3A_123 = arith.mulf %div3A, %sub3A_122 : vector<64x64xf32>
      %integer_pow3A_124 = arith.mulf %mul3A_123, %mul3A_123 : vector<64x64xf32>
      %reduce_sum3A_125 = vector.shape_cast %integer_pow3A_124 : vector<64x64xf32> to vector<1x64x64xf32>
      %reduce_sum3A_126 = arith.constant dense<0.000000e+00> : vector<1xf32>
      %reduce_sum3A_127 = vector.multi_reduction <add>, %reduce_sum3A_125, %reduce_sum3A_126 [1, 2] : vector<1x64x64xf32> to vector<1xf32>
      %reduce_sum3A_128 = vector.shape_cast %reduce_sum3A_127 : vector<1xf32> to vector<1x1x1xf32>
      %reduce_sum3A_129 = vector.extract %reduce_sum3A_128[0, 0, 0] : f32 from vector<1x1x1xf32>
      %broadcast_in_dim3A_130 = vector.broadcast %reduce_sum3A_129 : f32 to vector<1x1xf32>
      %mul3A_131 = arith.constant 2.48015887E-4 : f32
      %mul3A_132 = vector.broadcast %mul3A_131 : f32 to vector<1x1xf32>
      %mul3A_133 = arith.mulf %broadcast_in_dim3A_130, %mul3A_132 : vector<1x1xf32>
      %mul3A_134 = arith.constant 5.000000e-03 : f32
      %mul3A_135 = vector.broadcast %mul3A_134 : f32 to vector<1x1xf32>
      %mul3A_136 = arith.mulf %mul3A_135, %mul3A_133 : vector<1x1xf32>
      %add3A_137 = arith.addf %mul3A_119, %mul3A_136 : vector<1x1xf32>
      %swap3A_138 = arith.constant 0 : index
      %swap3A_139 = arith.constant 0 : index
      %swap3A_140 = vector.load %arg2[%swap3A_138, %swap3A_139] : memref<1x1xf32, #tpu.memory_space<vmem>>, vector<1x1xf32>
      tpu.vector_store %arg2[%swap3A_138, %swap3A_139], %add3A_137 {strides = array<i32>} : memref<1x1xf32, #tpu.memory_space<vmem>>, vector<1x1xf32>,
    } else {
    }
    return
  }
  func.func @transform_0(%arg0: i32) -> (i32, i32) {
    %c0_i32 = arith.constant 0 : i32
    %c0_i32_0 = arith.constant 0 : i32
    return %arg0, %c0_i32 : i32, i32
  }
  func.func @transform_1(%arg0: i32) -> (i32, i32) {
    %c0_i32 = arith.constant 0 : i32
    %c0_i32_0 = arith.constant 0 : i32
    %c0_i32_1 = arith.constant 0 : i32
    return %c0_i32, %c0_i32_0 : i32, i32
  }
  func.func @transform_2(%arg0: i32) -> (i32, i32) {
    %c0_i32 = arith.constant 0 : i32
    %c0_i32_0 = arith.constant 0 : i32
    return %arg0, %c0_i32 : i32, i32
  }
}

</mosaic_0001>

<sc_bundles>
// kernel: kernel.6.cloned.1.call-start
scs
__scs_entry_jumppad:
0x0: {  	(pc) =	sbr.rel $0x88, $3  }
0x1: {  	(tag) =	ssettag $0x0;
	lr =	simm.s32 $0x1  }
0x2: {  	[smem:$0x3F9F] =	sst lr;
	_ =	strace $0xD0000000  }
0x3: {  	_ = 	snop  }
0x4: {  	_ = 	snop  }
0x5: {  	_ = 	snop  }
0x6: {  	_ = 	snop  }
0x7: {  	_ = 	snop  }
__scs_overlays_trampoline_lowered:
0x8: {  	[smem:$0x3FAE] =	sst s0  }
0x9: {  	[smem:$0x3FAF] =	sst s1  }
0xa: {  	[smem:$0x3FB0] =	sst s2  }
0xb: {  	[smem:$0x3FB1] =	sst s3  }
0xc: {  	[smem:$0x3FB2] =	sst s4  }
0xd: {  	[smem:$0x3FB3] =	sst s5  }
0xe: {  	[smem:$0x3FB4] =	sst s6  }
0xf: {  	[smem:$0x3FB5] =	sst s7  }
0x10: {  	[smem:$0x3FB6] =	sst s8  }
0x11: {  	[smem:$0x3FB7] =	sst s9;
	s0 =	simm.s32 @!p0 $0x0  }
0x12: {  	s1 =	sld [smem:$0x3F9D];
	s0 =	simm.s32 @p0 $0x1  }
0x13: {  	[smem:$0x3FB8] =	sst s0;
	s0 =	simm.s32 @!p1 $0x0  }
0x14: {  	s2 =	sld [smem:$0x3F9C];
	s0 =	simm.s32 @p1 $0x1  }
0x15: {  	[smem:$0x3FB9] =	sst s0;
	s0 =	simm.s32 @!p2 $0x0  }
0x16: {  	s3 =	sld [smem:$0x3FDB];
	s0 =	simm.s32 @p2 $0x1  }
0x17: {  	s4 =	simm.s32 $0x1BF5;
	[smem:$0x3FBB] =	sst s0  }
0x18: {  	s0 =	sld [smem:$0x3F9E];
	_ =	swait.ge [sflag:s4], $0x0  }
0x19: {  	s7 =	sld [smem:$0x3F9F]  }
0x1a: {  	s8 =	sadd.s32 $0xFFFFE003, lr  }
0x1b: {  	s9 =	sadd.s32 $0xFFFFFEF7, lr;
	s5 =	simm.s32 $0xFFFFFFFF;
	p2 =	slt.u32 s8, $0xFFFFF086  }
0x1c: {  	p1 =	slt.u32 s9, $0xF7A;
	s5 =	simm.s32 @!p2 $0x0  }
0x1d: {  	s5 =	simm.s32 @p1 $0x1;
	p0 =	seq.s32 s7, s2  }
0x1e: {  	s7 =	smul.u32 @!p0 $0xF7A, s2;
	p2 =	seq.s32 @!p0 s5, $0x0  }
0x1f: {  	s9 =	smul.u32 $0xF7A, s1;
	s8 =	simm.s32 @!p0 $0x1BF5;
	p2 =	por !p2, p0  }
0x20: {  	[sflag:s8] =	ssyncset.s32 @!p0 $0xFFFFF086;
	s6 =	sadd.s32 @!p0 s3, s7;
	s7 =	simm.s32 @!p0 $0x108  }
0x21: {  	s3 =	sadd.s32 s3, s9;
	s6 =	sadd.s32 @!p0 $0x88, s6;
	s7 =	simm.s32 @p2 $0x1082  }
0x22: {  	[simem:s7], [sflag:s8] =	dma.local @!p0 [hbm:s6], $0xF7A  }
0x23: {  	s9 =	sor.u32 $0xD0000000, s2;
	s6 =	simm.s32 $0x108;
	_ =	swait.ge @!p0 [sflag:s8], $0x0  }
0x24: {  	s3 =	sadd.s32 $0x88, s3;
	s6 =	simm.s32 @!p1 $0x1082;
	[sflag:s4] =	ssyncset.s32 $0xFFFFF086  }
0x25: {  	[simem:s6], [sflag:s4] =	dma.local [hbm:s3], $0xF7A  }
0x26: {  	[smem:$0x3F9F] =	sst s1;
	(tag) =	ssettag s2;
	_ =	strace s9  }
0x27: {  	s1 =	sld [smem:$0x3FAF]  }
0x28: {  	s2 =	sld [smem:$0x3FB0]  }
0x29: {  	s4 =	sld [smem:$0x3FB2]  }
0x2a: {  	p0 =	seq.s32 s5, $0x0;
	s5 =	sld [smem:$0x3FB3]  }
0x2b: {  	s6 =	sld [smem:$0x3FB4]  }
0x2c: {  	s7 =	sld [smem:$0x3FB5]  }
0x2d: {  	s3 =	simm.s32 $0x108;
	s8 =	sld [smem:$0x3FB6]  }
0x2e: {  	s3 =	simm.s32 @!p0 $0x1082;
	s9 =	sld [smem:$0x3FB7]  }
0x2f: {  	lr =	sadd.s32 s0, s3;
	s0 =	sld [smem:$0x3FAE]  }
0x30: {  	s3 =	sld [smem:$0x3FB1]  }
0x31: {  	[smem:$0x3FBA] =	sst s10  }
0x32: {  	s10 =	sld [smem:$0x3FB8];
	_ =	sdelay $0x3  }
0x33: {  	p0 =	seq.s32 s10, $0x1;
	s10 =	sld [smem:$0x3FBA];
	_ =	sdelay $0x3  }
0x34: {  	[smem:$0x3FBA] =	sst s10  }
0x35: {  	s10 =	sld [smem:$0x3FB9];
	_ =	sdelay $0x3  }
0x36: {  	p1 =	seq.s32 s10, $0x1;
	s10 =	sld [smem:$0x3FBA];
	_ =	sdelay $0x3  }
0x37: {  	[smem:$0x3FBA] =	sst s10  }
0x38: {  	s10 =	sld [smem:$0x3FBB]  }
0x39: {  	_ = 	snop;
	(pc) =	sbr.ind lr, $3  }
0x3a: {  	_ = 	snop  }
0x3b: {  	_ = 	snop  }
0x3c: {  	p2 =	seq.s32 s10, $0x1;
	s10 =	sld [smem:$0x3FBA]  }
0x3d: {  	_ =	shalt  }
0x3e: {  	_ =	shalt  }
0x3f: {  	_ =	shalt  }
0x40: {  	_ =	shalt  }
0x41: {  	_ =	shalt  }
0x42: {  	_ =	shalt  }
0x43: {  	_ =	shalt  }
0x44: {  	_ =	shalt  }
0x45: {  	_ =	shalt  }
0x46: {  	_ =	shalt  }
0x47: {  	_ =	shalt  }
0x48: {  	_ =	shalt  }
0x49: {  	_ =	shalt  }
0x4a: {  	_ =	shalt  }
0x4b: {  	_ =	shalt  }
0x4c: {  	_ =	shalt  }
0x4d: {  	_ =	shalt  }
0x4e: {  	_ =	shalt  }
0x4f: {  	_ =	shalt  }
0x50: {  	_ =	shalt  }
0x51: {  	_ =	shalt  }
0x52: {  	_ =	shalt  }
0x53: {  	_ =	shalt  }
0x54: {  	_ =	shalt  }
0x55: {  	_ =	shalt  }
0x56: {  	_ =	shalt  }
0x57: {  	_ =	shalt  }
0x58: {  	_ =	shalt  }
0x59: {  	_ =	shalt  }
0x5a: {  	_ =	shalt  }
0x5b: {  	_ =	shalt  }
0x5c: {  	_ =	shalt  }
0x5d: {  	_ =	shalt  }
0x5e: {  	_ =	shalt  }
0x5f: {  	_ =	shalt  }
0x60: {  	_ =	shalt  }
0x61: {  	_ =	shalt  }
0x62: {  	_ =	shalt  }
0x63: {  	_ =	shalt  }
0x64: {  	_ =	shalt  }
0x65: {  	_ =	shalt  }
0x66: {  	_ =	shalt  }
0x67: {  	_ =	shalt  }
0x68: {  	_ =	shalt  }
0x69: {  	_ =	shalt  }
0x6a: {  	_ =	shalt  }
0x6b: {  	_ =	shalt  }
0x6c: {  	_ =	shalt  }
0x6d: {  	_ =	shalt  }
0x6e: {  	_ =	shalt  }
0x6f: {  	_ =	shalt  }
0x70: {  	_ =	shalt  }
0x71: {  	_ =	shalt  }
0x72: {  	_ =	shalt  }
0x73: {  	_ =	shalt  }
0x74: {  	_ =	shalt  }
0x75: {  	_ =	shalt  }
0x76: {  	_ =	shalt  }
0x77: {  	_ =	shalt  }
0x78: {  	_ =	shalt  }
0x79: {  	_ =	shalt  }
0x7a: {  	_ =	shalt  }
0x7b: {  	_ =	shalt  }
0x7c: {  	_ =	shalt  }
0x7d: {  	_ =	shalt  }
0x7e: {  	_ =	shalt  }
0x7f: {  	_ =	shalt  }
0x80: {  	_ =	shalt  }
0x81: {  	_ =	shalt  }
0x82: {  	_ =	shalt  }
0x83: {  	_ =	shalt  }
0x84: {  	_ =	shalt  }
0x85: {  	_ =	shalt  }
0x86: {  	_ =	shalt  }
0x87: {  	_ =	shalt  }
.Lfunc_end0:
.L_simem_size_0:
called_computation.1_lowered:
.L_overlay_start_0:
0x88: {  	s2 =	sld [smem:$0x3FD9]  }
0x89: {  	s3 =	sld [smem:$0x3FFE];
	_ =	sdelay $0x1  }
0x8a: {  	s1 =	srdreg.scid  }
0x8b: {  	s0 =	sand.u32 $0x1, s1  }
0x8c: {  	s14 =	sshll.u32 s0, $0xA;
	s2 =	sadd.s32 s3, s2  }
0x8d: {  	s2 =	sadd.s32 s2, s14  }
0x8e: {  	[smem:$0x3FC6] =	sst s2  }
0x8f: {  	_ = 	snop  }
0x90: {  	s2 =	sld [smem:$0x3FD0];
	_ =	sdelay $0x2  }
0x91: {  	s15 =	simm.s32 $0xA;
	s4 =	simm.s32 $0x10  }
0x92: {  	[smem:s4], [sflag:s15] =	dma.local [hbm:s2], $0x1  }
0x93: {  	_ =	swait.eq [sflag:s15], $0x1  }
0x94: {  	[sflag:s15] =	ssyncset.done $0x0  }
0x95: {  	s16 =	sld [smem:$0x10];
	[sflag:s15] =	ssyncadd.s32 $0xFFFFFFFF  }
0x96: {  	s17 =	sld [smem:$0x14];
	(tm) =	ssettm $0x1  }
0x97: {  	s18 =	sld [smem:$0x3FFB];
	_ =	sdelay $0x3  }
0x98: {  	_ =	strace s18  }
0x99: {  	s4 =	sld [smem:$0x3FFC];
	_ =	sdelay $0x3  }
0x9a: {  	_ =	strace s4  }
0x9b: {  	s4 =	sld [smem:$0x3FFD];
	_ =	sdelay $0x3  }
0x9c: {  	_ =	strace s4  }
0x9d: {  	_ =	strace $0x8FFFFFFF  }
0x9e: {  	s19 =	sld [smem:$0x3FDB];
	_ =	sdelay $0x1  }
0x9f: {  	s5 =	simm.s32 $_scs_section_size  }
0xa0: {  	s6 =	simm.s32 $_size__tile_overlayer_lowered;
	s7 =	simm.s32 $_tile_overlayer_lowered  }
0xa1: {  	s22 =	simm.s32 $0x1BFF;
	s21 =	sshll.u32 s7, $0x1;
	s4 =	sadd.s32 s5, s19  }
0xa2: {  	s8 =	simm.s32 $0x0;
	s20 =	sshll.u32 s6, $0x1;
	s6 =	sadd.s32 s21, s4  }
0xa3: {  	[timem:s8], [sflag:s22] =	dma.local [hbm:s6], s20  }
0xa4: {  	_ =	swait.ge [sflag:s22], s20  }
0xa5: {  	s5 =	ssub.s32 $0x0, s20;
	[sflag:s22] =	ssyncset.done $0x0  }
0xa6: {  	[sflag:s22] =	ssyncadd.s32 s5;
	_ =	sdelay $0x1  }
0xa7: {  	s23 =	simm.s32 $0x1B8B  }
0xa8: {  	_ =	swait.ge [sflag:s23], $0x1  }
0xa9: {  	[sflag:s23] =	ssyncset.done $0x0  }
0xaa: {  	s25 =	simm.s32 $0x1B8E;
	s24 =	sld [smem:$0x3FFE];
	[sflag:s23] =	ssyncadd.s32 $0xFFFFFFFF  }
0xab: {  	s26 =	simm.s32 $execute0_lowered;
	[smem:$0x3FD2] =	sst s25  }
0xac: {  	s6 =	sshll.u32 s26, $0x1;
	_ =	strace $0x80000046;
	[dreg:$0x1] =	wrdreg $0xFFFFFFFF  }
0xad: {  	s28 =	simm.s32 $_size_execute0_lowered;
	s4 =	sadd.s32 s4, s6;
	[dreg:$0x0] =	wrdreg $0x0  }
0xae: {  	s6 =	sshll.u32 s28, $0x1;
	[dreg:$0x2] =	wrdreg s4  }
0xaf: {  	[dreg:$0x3] =	wrdreg s6  }
0xb0: {  	[dreg:$0x4] =	wrdreg $0xC0  }
0xb1: {  	_ =	task [dreg:s8], $0x5FFFF  }
0xb2: {  	[dreg:$0x1] =	wrdreg $0xFFFFFFFF  }
0xb3: {  	[dreg:$0x0] =	wrdreg $0x60  }
0xb4: {  	[dreg:$0x2] =	wrdreg s16  }
0xb5: {  	[dreg:$0x3] =	wrdreg s17  }
0xb6: {  	[dreg:$0x4] =	wrdreg s24  }
0xb7: {  	[dreg:$0x5] =	wrdreg $0x9  }
0xb8: {  	_ =	task.clear_ibuf [dreg:s8], $0x6FFFF;
	_ =	strace $0x90000046  }
0xb9: {  	s29 =	simm.s32 $0x9;
	_ =	strace $0x80000048  }
0xba: {  	_ =	swait.ge [sflag:s29], $0x1  }
0xbb: {  	[sflag:s29] =	ssyncadd.s32 $0xFFFFFFFF  }
0xbc: {  	_ =	strace $0x90000048  }
0xbd: {  	_ =	sfence  }
0xbe: {  	s30 =	sld [smem:$0x0];
	_ =	sdelay $0x2  }
0xbf: {  	s31 =	sshll.u32 s1, $0xD;
	s1 =	sshrl.u32 s1, $0x2  }
0xc0: {  	s3 =	sand.u32 $0x4000, s31;
	s1 =	sadd.s32 s1, s30  }
0xc1: {  	s0 =	sor.u32 s3, s0;
	s1 =	sshll.u32 s1, $0x11  }
0xc2: {  	s0 =	sor.u32 s1, s0  }
0xc3: {  	s0 =	sadd.s32 $0x8F2B, s0  }
0xc4: {  	[sflag:s0] =	ssyncadd.remote.s32 $0x1  }
0xc5: {  	_ =	sfence.sel $0xFFFF  }
0xc6: {  	[dreg:$0x0] =	wrdreg $0xFFFFFFFF;
	(pc) =	sbr.abs _section_cstart, $3  }
0xc7: {  	[dreg:$0x1] =	wrdreg $0xFFFFFFFF  }
0xc8: {  	_ =	task.clear_ibuf [dreg:s8], $0x2FFFF;
	_ =	strace $0x9FFFFFFF  }
0xc9: {  	(tm) =	ssettm $0x7FFFFFFF  }
tec
execute0_lowered:
.L_overlay_start_1:
0x0: {  	(tag) =	ssettag $0x1  }
0x1: {  	s0 =	srdreg.scid  }
0x2: {  	s1 =	rddreg [dreg:$0x0];
	s3 =	stileid.u32;
	s0 =	sand.u32 $0x1, s0  }
0x3: {  	s5 =	rddreg [dreg:$0x2];
	s3 =	sshll.u32 s3, $0x8;
	s4 =	sshll.u32 s0, $0x7  }
0x4: {  	s2 =	rddreg [dreg:$0x1];
	s5 =	sadd.s32 $0x11400, s5;
	s4 =	sor.u32 s4, s3  }
0x5: {  	s0 =	ssub.s32 $0x2, s0;
	s3 =	simm.s32 $0x0;
	s6 =	smul.u32 $0x180, s4  }
0x6: {  	[smem:$0x7FF] =	sst s3;
	s7 =	smul.u32 $0xC00, s4;
	s2 =	sadd.s32 s2, s4  }
0x7: {  	_ =	strace $0x80000047;
	[dreg:$0x4] =	wrdreg s2;
	s6 =	sadd.s32 s5, s6  }
0x8: {  	s23 =	sshrl.u32 s7, $0x3;
	s22 =	sadd.s32 $0x1800, s6;
	[dreg:$0xc] =	wrdreg s6  }
0x9: {  	s24 =	sadd.s32 $0x3000, s6;
	s4 =	sadd.s32 s5, s23;
	[dreg:$0x5] =	wrdreg s22  }
0xa: {  	s28 =	sshrl.u32 s0, $0x1;
	[dreg:$0x6] =	wrdreg s24;
	s25 =	sadd.s32 $0x4800, s4  }
0xb: {  	s0 =	ssub.s32 s0, s28;
	s26 =	sadd.s32 $0x6000, s4;
	[dreg:$0x7] =	wrdreg s25  }
0xc: {  	s7 =	simm.s32 $0x3;
	s29 =	sadd.s32 $0x7800, s4;
	[dreg:$0x8] =	wrdreg s26  }
0xd: {  	v2 =	vlaneseq.u32;
	s5 =	sadd.s32 $0x100, s1;
	s30 =	sadd.s32 $0x9000, s4;
	[dreg:$0x9] =	wrdreg s29  }
0xe: {  	vm0 =	vmmov $0xffff;
	vm1 =	vmmov $0xff;
	v1 =	vshrl.u32 v2, $0x3;
	s6 =	smax.u32 s0, $0x1;
	s31 =	sadd.s32 $0xA800, s4;
	[dreg:$0xa] =	wrdreg s30  }
0xf: {  	v0 =	vand.u32 $0x7, v2;
	v2 =	vor.u32 $0x8, v2;
	v1 =	vmul.u32 $0x8, v1;
	s23 =	simm.s32 $0x1;
	s24 =	simm.s32 $0x2;
	[dreg:$0xb] =	wrdreg s31  }
.LBB2_1:
0x10: {  	s25 =	rddreg [dreg:$0x4]  }
0x11: {  	[tilespmem:s3], [sflag:$0x3] =	stream.linear.gather [hbm4b:s25+s3], $0x400, $0x38;
	[tilespmem:$0x18400] =	vst v63  }
0x12: {  	_ =	swait.ge [sflag:s7], $0x400  }
0x13: {  	[sflag:s7] =	ssyncset.done $0x0  }
0x14: {  	[sflag:s7] =	ssyncadd.s32 $0xFFFFFC00  }
0x15: {  	v3 =	vld [tilespmem:$0x0];
	_ =	sdelay $0x4  }
0x16: {  	v4 =	vshrl.u32 v3, $0x3  }
0x17: {  	v4 =	vmul.u32 $0x18, v4  }
0x18: {  	v3 =	vand.u32 $0x7, v3  }
0x19: {  	v3 =	vor.u32 v3, v4  }
0x1a: {  	v4 =	vperm.xlane v3, v0;
	_ =	sdelay $0x1  }
0x1b: {  	v4 =	vadd.s32 v1, v4;
	_ =	sdelay $0x1  }
0x1c: {  	v3 =	vperm.xlane v3, v2;
	_ =	sdelay $0x1  }
0x1d: {  	s0 =	simm.s32 $0x400;
	v3 =	vadd.s32 v1, v3  }
0x1e: {  	[tilespmem:s0], [sflag:$0x1] =	stream.indirect_vreg.gather [hbm4b:s1+s3], $0x80, v4, vm0, $0xb8;
	[tilespmem:$0x18400] =	vst v63  }
0x1f: {  	s2 =	simm.s32 $0xC00  }
0x20: {  	[tilespmem:s2], [sflag:$0x1] =	stream.indirect_vreg.gather [hbm4b:s5+s3], $0x80, v4, vm1, $0xb8;
	[tilespmem:$0x18400] =	vst v63  }
0x21: {  	s18 =	simm.s32 $0x1000  }
0x22: {  	[tilespmem:s18], [sflag:$0x1] =	stream.indirect_vreg.gather [hbm4b:s1+s3], $0x80, v3, vm0, $0xb8;
	[tilespmem:$0x18400] =	vst v63  }
0x23: {  	s19 =	simm.s32 $0x1800  }
0x24: {  	[tilespmem:s19], [sflag:$0x1] =	stream.indirect_vreg.gather [hbm4b:s5+s3], $0x80, v3, vm1, $0xb8;
	[tilespmem:$0x18400] =	vst v63  }
0x25: {  	v3 =	vld [tilespmem:$0x10];
	_ =	sdelay $0x4  }
0x26: {  	v57 =	vshrl.u32 v3, $0x3  }
0x27: {  	v4 =	vmul.u32 $0x18, v57  }
0x28: {  	v3 =	vand.u32 $0x7, v3  }
0x29: {  	v3 =	vor.u32 v3, v4  }
0x2a: {  	v4 =	vperm.xlane v3, v0;
	_ =	sdelay $0x1  }
0x2b: {  	v4 =	vadd.s32 v1, v4;
	_ =	sdelay $0x1  }
0x2c: {  	v3 =	vperm.xlane v3, v2;
	_ =	sdelay $0x1  }
0x2d: {  	s20 =	simm.s32 $0x1C00;
	v3 =	vadd.s32 v1, v3  }
0x2e: {  	[tilespmem:s20], [sflag:$0x1] =	stream.indirect_vreg.gather [hbm4b:s1+s3], $0x80, v4, vm0, $0xb8;
	[tilespmem:$0x18400] =	vst v63  }
0x2f: {  	s21 =	simm.s32 $0x2400  }
0x30: {  	[tilespmem:s21], [sflag:$0x1] =	stream.indirect_vreg.gather [hbm4b:s5+s3], $0x80, v4, vm1, $0xb8;
	[tilespmem:$0x18400] =	vst v63  }
0x31: {  	s22 =	simm.s32 $0x2800  }
0x32: {  	[tilespmem:s22], [sflag:$0x1] =	stream.indirect_vreg.gather [hbm4b:s1+s3], $0x80, v3, vm0, $0xb8;
	[tilespmem:$0x18400] =	vst v63  }
0x33: {  	s25 =	simm.s32 $0x3000  }
0x34: {  	[tilespmem:s25], [sflag:$0x1] =	stream.indirect_vreg.gather [hbm4b:s5+s3], $0x80, v3, vm1, $0xb8;
	[tilespmem:$0x18400] =	vst v63  }
0x35: {  	v3 =	vld [tilespmem:$0x20];
	_ =	sdelay $0x4  }
0x36: {  	v58 =	vshrl.u32 v3, $0x3  }
0x37: {  	v4 =	vmul.u32 $0x18, v58  }
0x38: {  	v3 =	vand.u32 $0x7, v3  }
0x39: {  	v3 =	vor.u32 v3, v4  }
0x3a: {  	v4 =	vperm.xlane v3, v0;
	_ =	sdelay $0x1  }
0x3b: {  	v4 =	vadd.s32 v1, v4;
	_ =	sdelay $0x1  }
0x3c: {  	v3 =	vperm.xlane v3, v2;
	_ =	sdelay $0x1  }
0x3d: {  	s26 =	simm.s32 $0x3400;
	v3 =	vadd.s32 v1, v3  }
0x3e: {  	[tilespmem:s26], [sflag:$0x1] =	stream.indirect_vreg.gather [hbm4b:s1+s3], $0x80, v4, vm0, $0xb8;
	[tilespmem:$0x18400] =	vst v63  }
0x3f: {  	s28 =	simm.s32 $0x3C00  }
0x40: {  	[tilespmem:s28], [sflag:$0x1] =	stream.indirect_vreg.gather [hbm4b:s5+s3], $0x80, v4, vm1, $0xb8;
	[tilespmem:$0x18400] =	vst v63  }
0x41: {  	s29 =	simm.s32 $0x4000  }
0x42: {  	[tilespmem:s29], [sflag:$0x1] =	stream.indirect_vreg.gather [hbm4b:s1+s3], $0x80, v3, vm0, $0xb8;
	[tilespmem:$0x18400] =	vst v63  }
0x43: {  	s30 =	simm.s32 $0x4800  }
0x44: {  	[tilespmem:s30], [sflag:$0x1] =	stream.indirect_vreg.gather [hbm4b:s5+s3], $0x80, v3, vm1, $0xb8;
	[tilespmem:$0x18400] =	vst v63  }
0x45: {  	v3 =	vld [tilespmem:$0x30];
	_ =	sdelay $0x4  }
0x46: {  	v59 =	vshrl.u32 v3, $0x3  }
0x47: {  	v4 =	vmul.u32 $0x18, v59  }
0x48: {  	v3 =	vand.u32 $0x7, v3  }
0x49: {  	v3 =	vor.u32 v3, v4  }
0x4a: {  	v4 =	vperm.xlane v3, v0;
	_ =	sdelay $0x1  }
0x4b: {  	v4 =	vadd.s32 v1, v4;
	_ =	sdelay $0x1  }
0x4c: {  	v3 =	vperm.xlane v3, v2;
	_ =	sdelay $0x1  }
0x4d: {  	s31 =	simm.s32 $0x4C00;
	v3 =	vadd.s32 v1, v3  }
0x4e: {  	[tilespmem:s31], [sflag:$0x1] =	stream.indirect_vreg.gather [hbm4b:s1+s3], $0x80, v4, vm0, $0xb8;
	[tilespmem:$0x18400] =	vst v63  }
0x4f: {  	s0 =	simm.s32 $0x5400  }
0x50: {  	[tilespmem:s0], [sflag:$0x1] =	stream.indirect_vreg.gather [hbm4b:s5+s3], $0x80, v4, vm1, $0xb8;
	[tilespmem:$0x18400] =	vst v63  }
0x51: {  	s10 =	simm.s32 $0x5800  }
0x52: {  	[tilespmem:s10], [sflag:$0x1] =	stream.indirect_vreg.gather [hbm4b:s1+s3], $0x80, v3, vm0, $0xb8;
	[tilespmem:$0x18400] =	vst v63  }
0x53: {  	s11 =	simm.s32 $0x6000  }
0x54: {  	[tilespmem:s11], [sflag:$0x1] =	stream.indirect_vreg.gather [hbm4b:s5+s3], $0x80, v3, vm1, $0xb8;
	[tilespmem:$0x18400] =	vst v63  }
0x55: {  	v3 =	vld [tilespmem:$0x40];
	_ =	sdelay $0x4  }
0x56: {  	v60 =	vshrl.u32 v3, $0x3  }
0x57: {  	v4 =	vmul.u32 $0x18, v60  }
0x58: {  	v3 =	vand.u32 $0x7, v3  }
0x59: {  	v3 =	vor.u32 v3, v4  }
0x5a: {  	v4 =	vperm.xlane v3, v0;
	_ =	sdelay $0x1  }
0x5b: {  	v4 =	vadd.s32 v1, v4;
	_ =	sdelay $0x1  }
0x5c: {  	v3 =	vperm.xlane v3, v2;
	_ =	sdelay $0x1  }
0x5d: {  	s12 =	simm.s32 $0x6400;
	v3 =	vadd.s32 v1, v3  }
0x5e: {  	[tilespmem:s12], [sflag:$0x1] =	stream.indirect_vreg.gather [hbm4b:s1+s3], $0x80, v4, vm0, $0xb8;
	[tilespmem:$0x18400] =	vst v63  }
0x5f: {  	s13 =	simm.s32 $0x6C00  }
0x60: {  	[tilespmem:s13], [sflag:$0x1] =	stream.indirect_vreg.gather [hbm4b:s5+s3], $0x80, v4, vm1, $0xb8;
	[tilespmem:$0x18400] =	vst v63  }
0x61: {  	s14 =	simm.s32 $0x7000  }
0x62: {  	[tilespmem:s14], [sflag:$0x1] =	stream.indirect_vreg.gather [hbm4b:s1+s3], $0x80, v3, vm0, $0xb8;
	[tilespmem:$0x18400] =	vst v63  }
0x63: {  	s15 =	simm.s32 $0x7800  }
0x64: {  	[tilespmem:s15], [sflag:$0x1] =	stream.indirect_vreg.gather [hbm4b:s5+s3], $0x80, v3, vm1, $0xb8;
	[tilespmem:$0x18400] =	vst v63  }
0x65: {  	v3 =	vld [tilespmem:$0x50];
	_ =	sdelay $0x4  }
0x66: {  	v61 =	vshrl.u32 v3, $0x3  }
0x67: {  	v4 =	vmul.u32 $0x18, v61  }
0x68: {  	v3 =	vand.u32 $0x7, v3  }
0x69: {  	v3 =	vor.u32 v3, v4  }
0x6a: {  	v4 =	vperm.xlane v3, v0;
	_ =	sdelay $0x1  }
0x6b: {  	v4 =	vadd.s32 v1, v4;
	_ =	sdelay $0x1  }
0x6c: {  	v3 =	vperm.xlane v3, v2;
	_ =	sdelay $0x1  }
0x6d: {  	s16 =	simm.s32 $0x7C00;
	v3 =	vadd.s32 v1, v3  }
0x6e: {  	[tilespmem:s16], [sflag:$0x1] =	stream.indirect_vreg.gather [hbm4b:s1+s3], $0x80, v4, vm0, $0xb8;
	[tilespmem:$0x18400] =	vst v63  }
0x6f: {  	s17 =	simm.s32 $0x8400  }
0x70: {  	[tilespmem:s17], [sflag:$0x1] =	stream.indirect_vreg.gather [hbm4b:s5+s3], $0x80, v4, vm1, $0xb8;
	[tilespmem:$0x18400] =	vst v63  }
0x71: {  	s18 =	simm.s32 $0x8800  }
0x72: {  	[tilespmem:s18], [sflag:$0x1] =	stream.indirect_vreg.gather [hbm4b:s1+s3], $0x80, v3, vm0, $0xb8;
	[tilespmem:$0x18400] =	vst v63  }
0x73: {  	s19 =	simm.s32 $0x9000  }
0x74: {  	[tilespmem:s19], [sflag:$0x1] =	stream.indirect_vreg.gather [hbm4b:s5+s3], $0x80, v3, vm1, $0xb8;
	[tilespmem:$0x18400] =	vst v63  }
0x75: {  	v3 =	vld [tilespmem:$0x60];
	_ =	sdelay $0x4  }
0x76: {  	v62 =	vshrl.u32 v3, $0x3  }
0x77: {  	v4 =	vmul.u32 $0x18, v62  }
0x78: {  	v3 =	vand.u32 $0x7, v3  }
0x79: {  	v3 =	vor.u32 v3, v4  }
0x7a: {  	v4 =	vperm.xlane v3, v0;
	_ =	sdelay $0x1  }
0x7b: {  	v4 =	vadd.s32 v1, v4;
	_ =	sdelay $0x1  }
0x7c: {  	v3 =	vperm.xlane v3, v2;
	_ =	sdelay $0x1  }
0x7d: {  	s20 =	simm.s32 $0x9400;
	v3 =	vadd.s32 v1, v3  }
0x7e: {  	[tilespmem:s20], [sflag:$0x1] =	stream.indirect_vreg.gather [hbm4b:s1+s3], $0x80, v4, vm0, $0xb8;
	[tilespmem:$0x18400] =	vst v63  }
0x7f: {  	s21 =	simm.s32 $0x9C00  }
0x80: {  	[tilespmem:s21], [sflag:$0x1] =	stream.indirect_vreg.gather [hbm4b:s5+s3], $0x80, v4, vm1, $0xb8;
	[tilespmem:$0x18400] =	vst v63  }
0x81: {  	s22 =	simm.s32 $0xA000  }
0x82: {  	[tilespmem:s22], [sflag:$0x1] =	stream.indirect_vreg.gather [hbm4b:s1+s3], $0x80, v3, vm0, $0xb8;
	[tilespmem:$0x18400] =	vst v63  }
0x83: {  	s25 =	simm.s32 $0xA800  }
0x84: {  	[tilespmem:s25], [sflag:$0x1] =	stream.indirect_vreg.gather [hbm4b:s5+s3], $0x80, v3, vm1, $0xb8;
	[tilespmem:$0x18400] =	vst v63  }
0x85: {  	v3 =	vld [tilespmem:$0x70];
	_ =	sdelay $0x4  }
0x86: {  	v63 =	vshrl.u32 v3, $0x3  }
0x87: {  	v4 =	vmul.u32 $0x18, v63  }
0x88: {  	v3 =	vand.u32 $0x7, v3  }
0x89: {  	v3 =	vor.u32 v3, v4  }
0x8a: {  	v4 =	vperm.xlane v3, v0;
	_ =	sdelay $0x1  }
0x8b: {  	v4 =	vadd.s32 v1, v4;
	_ =	sdelay $0x1  }
0x8c: {  	v3 =	vperm.xlane v3, v2;
	_ =	sdelay $0x1  }
0x8d: {  	s26 =	simm.s32 $0xAC00;
	v3 =	vadd.s32 v1, v3  }
0x8e: {  	[tilespmem:s26], [sflag:$0x1] =	stream.indirect_vreg.gather [hbm4b:s1+s3], $0x80, v4, vm0, $0xb8;
	[tilespmem:$0x18400] =	vst v63  }
0x8f: {  	s28 =	simm.s32 $0xB400  }
0x90: {  	[tilespmem:s28], [sflag:$0x1] =	stream.indirect_vreg.gather [hbm4b:s5+s3], $0x80, v4, vm1, $0xb8;
	[tilespmem:$0x18400] =	vst v63  }
0x91: {  	s29 =	simm.s32 $0xB800  }
0x92: {  	[tilespmem:s29], [sflag:$0x1] =	stream.indirect_vreg.gather [hbm4b:s1+s3], $0x80, v3, vm0, $0xb8;
	[tilespmem:$0x18400] =	vst v63  }
0x93: {  	s30 =	simm.s32 $0xC000  }
0x94: {  	[tilespmem:s30], [sflag:$0x1] =	stream.indirect_vreg.gather [hbm4b:s5+s3], $0x80, v3, vm1, $0xb8;
	[tilespmem:$0x18400] =	vst v63  }
0x95: {  	v3 =	vld [tilespmem:$0x80];
	_ =	sdelay $0x4  }
0x96: {  	v8 =	vshrl.u32 v3, $0x3  }
0x97: {  	v4 =	vmul.u32 $0x18, v8  }
0x98: {  	v3 =	vand.u32 $0x7, v3  }
0x99: {  	v3 =	vor.u32 v3, v4  }
0x9a: {  	v4 =	vperm.xlane v3, v0;
	_ =	sdelay $0x1  }
0x9b: {  	v4 =	vadd.s32 v1, v4;
	_ =	sdelay $0x1  }
0x9c: {  	v3 =	vperm.xlane v3, v2;
	_ =	sdelay $0x1  }
0x9d: {  	s31 =	simm.s32 $0xC400;
	v3 =	vadd.s32 v1, v3  }
0x9e: {  	[tilespmem:s31], [sflag:$0x2] =	stream.indirect_vreg.gather [hbm4b:s1+s3], $0x80, v4, vm0, $0xb8;
	[tilespmem:$0x18400] =	vst v63  }
0x9f: {  	s0 =	simm.s32 $0xCC00  }
0xa0: {  	[tilespmem:s0], [sflag:$0x2] =	stream.indirect_vreg.gather [hbm4b:s5+s3], $0x80, v4, vm1, $0xb8;
	[tilespmem:$0x18400] =	vst v63  }
0xa1: {  	s2 =	simm.s32 $0xD000  }
0xa2: {  	[tilespmem:s2], [sflag:$0x2] =	stream.indirect_vreg.gather [hbm4b:s1+s3], $0x80, v3, vm0, $0xb8;
	[tilespmem:$0x18400] =	vst v63  }
0xa3: {  	s14 =	simm.s32 $0xD800  }
0xa4: {  	[tilespmem:s14], [sflag:$0x2] =	stream.indirect_vreg.gather [hbm4b:s5+s3], $0x80, v3, vm1, $0xb8;
	[tilespmem:$0x18400] =	vst v63  }
0xa5: {  	v3 =	vld [tilespmem:$0x90];
	_ =	sdelay $0x4  }
0xa6: {  	v9 =	vshrl.u32 v3, $0x3  }
0xa7: {  	v4 =	vmul.u32 $0x18, v9  }
0xa8: {  	v3 =	vand.u32 $0x7, v3  }
0xa9: {  	v3 =	vor.u32 v3, v4  }
0xaa: {  	v4 =	vperm.xlane v3, v0;
	_ =	sdelay $0x1  }
0xab: {  	v4 =	vadd.s32 v1, v4;
	_ =	sdelay $0x1  }
0xac: {  	v3 =	vperm.xlane v3, v2;
	_ =	sdelay $0x1  }
0xad: {  	s15 =	simm.s32 $0xDC00;
	v3 =	vadd.s32 v1, v3  }
0xae: {  	[tilespmem:s15], [sflag:$0x2] =	stream.indirect_vreg.gather [hbm4b:s1+s3], $0x80, v4, vm0, $0xb8;
	[tilespmem:$0x18400] =	vst v63  }
0xaf: {  	s16 =	simm.s32 $0xE400  }
0xb0: {  	[tilespmem:s16], [sflag:$0x2] =	stream.indirect_vreg.gather [hbm4b:s5+s3], $0x80, v4, vm1, $0xb8;
	[tilespmem:$0x18400] =	vst v63  }
0xb1: {  	s17 =	simm.s32 $0xE800  }
0xb2: {  	[tilespmem:s17], [sflag:$0x2] =	stream.indirect_vreg.gather [hbm4b:s1+s3], $0x80, v3, vm0, $0xb8;
	[tilespmem:$0x18400] =	vst v63  }
0xb3: {  	s18 =	simm.s32 $0xF000  }
0xb4: {  	[tilespmem:s18], [sflag:$0x2] =	stream.indirect_vreg.gather [hbm4b:s5+s3], $0x80, v3, vm1, $0xb8;
	[tilespmem:$0x18400] =	vst v63  }
0xb5: {  	v3 =	vld [tilespmem:$0xA0];
	_ =	sdelay $0x4  }
0xb6: {  	v10 =	vshrl.u32 v3, $0x3  }
0xb7: {  	v4 =	vmul.u32 $0x18, v10  }
0xb8: {  	v3 =	vand.u32 $0x7, v3  }
0xb9: {  	v3 =	vor.u32 v3, v4  }
0xba: {  	v4 =	vperm.xlane v3, v0;
	_ =	sdelay $0x1  }
0xbb: {  	v4 =	vadd.s32 v1, v4;
	_ =	sdelay $0x1  }
0xbc: {  	v3 =	vperm.xlane v3, v2;
	_ =	sdelay $0x1  }
0xbd: {  	s19 =	simm.s32 $0xF400;
	v3 =	vadd.s32 v1, v3  }
0xbe: {  	[tilespmem:s19], [sflag:$0x2] =	stream.indirect_vreg.gather [hbm4b:s1+s3], $0x80, v4, vm0, $0xb8;
	[tilespmem:$0x18400] =	vst v63  }
0xbf: {  	s20 =	simm.s32 $0xFC00  }
0xc0: {  	[tilespmem:s20], [sflag:$0x2] =	stream.indirect_vreg.gather [hbm4b:s5+s3], $0x80, v4, vm1, $0xb8;
	[tilespmem:$0x18400] =	vst v63  }
0xc1: {  	s21 =	simm.s32 $0x10000  }
0xc2: {  	[tilespmem:s21], [sflag:$0x2] =	stream.indirect_vreg.gather [hbm4b:s1+s3], $0x80, v3, vm0, $0xb8;
	[tilespmem:$0x18400] =	vst v63  }
0xc3: {  	s22 =	simm.s32 $0x10800  }
0xc4: {  	[tilespmem:s22], [sflag:$0x2] =	stream.indirect_vreg.gather [hbm4b:s5+s3], $0x80, v3, vm1, $0xb8;
	[tilespmem:$0x18400] =	vst v63  }
0xc5: {  	v3 =	vld [tilespmem:$0xB0];
	_ =	sdelay $0x4  }
0xc6: {  	v11 =	vshrl.u32 v3, $0x3  }
0xc7: {  	v4 =	vmul.u32 $0x18, v11  }
0xc8: {  	v3 =	vand.u32 $0x7, v3  }
0xc9: {  	v3 =	vor.u32 v3, v4  }
0xca: {  	v4 =	vperm.xlane v3, v0;
	_ =	sdelay $0x1  }
0xcb: {  	v4 =	vadd.s32 v1, v4;
	_ =	sdelay $0x1  }
0xcc: {  	v3 =	vperm.xlane v3, v2;
	_ =	sdelay $0x1  }
0xcd: {  	s26 =	simm.s32 $0x10C00;
	v3 =	vadd.s32 v1, v3  }
0xce: {  	[tilespmem:s26], [sflag:$0x2] =	stream.indirect_vreg.gather [hbm4b:s1+s3], $0x80, v4, vm0, $0xb8;
	[tilespmem:$0x18400] =	vst v63  }
0xcf: {  	s28 =	simm.s32 $0x11400  }
0xd0: {  	[tilespmem:s28], [sflag:$0x2] =	stream.indirect_vreg.gather [hbm4b:s5+s3], $0x80, v4, vm1, $0xb8;
	[tilespmem:$0x18400] =	vst v63  }
0xd1: {  	s29 =	simm.s32 $0x11800  }
0xd2: {  	[tilespmem:s29], [sflag:$0x2] =	stream.indirect_vreg.gather [hbm4b:s1+s3], $0x80, v3, vm0, $0xb8;
	[tilespmem:$0x18400] =	vst v63  }
0xd3: {  	s30 =	simm.s32 $0x12000  }
0xd4: {  	[tilespmem:s30], [sflag:$0x2] =	stream.indirect_vreg.gather [hbm4b:s5+s3], $0x80, v3, vm1, $0xb8;
	[tilespmem:$0x18400] =	vst v63  }
0xd5: {  	v3 =	vld [tilespmem:$0xC0];
	_ =	sdelay $0x4  }
0xd6: {  	v12 =	vshrl.u32 v3, $0x3  }
0xd7: {  	v4 =	vmul.u32 $0x18, v12  }
0xd8: {  	v3 =	vand.u32 $0x7, v3  }
0xd9: {  	v3 =	vor.u32 v3, v4  }
0xda: {  	v4 =	vperm.xlane v3, v0;
	_ =	sdelay $0x1  }
0xdb: {  	v4 =	vadd.s32 v1, v4;
	_ =	sdelay $0x1  }
0xdc: {  	v3 =	vperm.xlane v3, v2;
	_ =	sdelay $0x1  }
0xdd: {  	s31 =	simm.s32 $0x12400;
	v3 =	vadd.s32 v1, v3  }
0xde: {  	[tilespmem:s31], [sflag:$0x2] =	stream.indirect_vreg.gather [hbm4b:s1+s3], $0x80, v4, vm0, $0xb8;
	[tilespmem:$0x18400] =	vst v63  }
0xdf: {  	s0 =	simm.s32 $0x12C00  }
0xe0: {  	[tilespmem:s0], [sflag:$0x2] =	stream.indirect_vreg.gather [hbm4b:s5+s3], $0x80, v4, vm1, $0xb8;
	[tilespmem:$0x18400] =	vst v63  }
0xe1: {  	s2 =	simm.s32 $0x13000  }
0xe2: {  	[tilespmem:s2], [sflag:$0x2] =	stream.indirect_vreg.gather [hbm4b:s1+s3], $0x80, v3, vm0, $0xb8;
	[tilespmem:$0x18400] =	vst v63  }
0xe3: {  	s14 =	simm.s32 $0x13800  }
0xe4: {  	[tilespmem:s14], [sflag:$0x2] =	stream.indirect_vreg.gather [hbm4b:s5+s3], $0x80, v3, vm1, $0xb8;
	[tilespmem:$0x18400] =	vst v63  }
0xe5: {  	v3 =	vld [tilespmem:$0xD0];
	_ =	sdelay $0x4  }
0xe6: {  	v13 =	vshrl.u32 v3, $0x3  }
0xe7: {  	v4 =	vmul.u32 $0x18, v13  }
0xe8: {  	v3 =	vand.u32 $0x7, v3  }
0xe9: {  	v3 =	vor.u32 v3, v4  }
0xea: {  	v4 =	vperm.xlane v3, v0;
	_ =	sdelay $0x1  }
0xeb: {  	v4 =	vadd.s32 v1, v4;
	_ =	sdelay $0x1  }
0xec: {  	v3 =	vperm.xlane v3, v2;
	_ =	sdelay $0x1  }
0xed: {  	s15 =	simm.s32 $0x13C00;
	v3 =	vadd.s32 v1, v3  }
0xee: {  	[tilespmem:s15], [sflag:$0x2] =	stream.indirect_vreg.gather [hbm4b:s1+s3], $0x80, v4, vm0, $0xb8;
	[tilespmem:$0x18400] =	vst v63  }
0xef: {  	s16 =	simm.s32 $0x14400  }
0xf0: {  	[tilespmem:s16], [sflag:$0x2] =	stream.indirect_vreg.gather [hbm4b:s5+s3], $0x80, v4, vm1, $0xb8;
	[tilespmem:$0x18400] =	vst v63  }
0xf1: {  	s17 =	simm.s32 $0x14800  }
0xf2: {  	[tilespmem:s17], [sflag:$0x2] =	stream.indirect_vreg.gather [hbm4b:s1+s3], $0x80, v3, vm0, $0xb8;
	[tilespmem:$0x18400] =	vst v63  }
0xf3: {  	s18 =	simm.s32 $0x15000  }
0xf4: {  	[tilespmem:s18], [sflag:$0x2] =	stream.indirect_vreg.gather [hbm4b:s5+s3], $0x80, v3, vm1, $0xb8;
	[tilespmem:$0x18400] =	vst v63  }
0xf5: {  	v3 =	vld [tilespmem:$0xE0];
	_ =	sdelay $0x4  }
0xf6: {  	v14 =	vshrl.u32 v3, $0x3  }
0xf7: {  	v4 =	vmul.u32 $0x18, v14  }
0xf8: {  	v3 =	vand.u32 $0x7, v3  }
0xf9: {  	v3 =	vor.u32 v3, v4  }
0xfa: {  	v4 =	vperm.xlane v3, v0;
	_ =	sdelay $0x1  }
0xfb: {  	v4 =	vadd.s32 v1, v4;
	_ =	sdelay $0x1  }
0xfc: {  	v3 =	vperm.xlane v3, v2;
	_ =	sdelay $0x1  }
0xfd: {  	s19 =	simm.s32 $0x15400;
	v3 =	vadd.s32 v1, v3  }
0xfe: {  	[tilespmem:s19], [sflag:$0x2] =	stream.indirect_vreg.gather [hbm4b:s1+s3], $0x80, v4, vm0, $0xb8;
	[tilespmem:$0x18400] =	vst v63  }
0xff: {  	s20 =	simm.s32 $0x15C00  }
0x100: {  	[tilespmem:s20], [sflag:$0x2] =	stream.indirect_vreg.gather [hbm4b:s5+s3], $0x80, v4, vm1, $0xb8;
	[tilespmem:$0x18400] =	vst v63  }
0x101: {  	s21 =	simm.s32 $0x16000  }
0x102: {  	[tilespmem:s21], [sflag:$0x2] =	stream.indirect_vreg.gather [hbm4b:s1+s3], $0x80, v3, vm0, $0xb8;
	[tilespmem:$0x18400] =	vst v63  }
0x103: {  	s22 =	simm.s32 $0x16800  }
0x104: {  	[tilespmem:s22], [sflag:$0x2] =	stream.indirect_vreg.gather [hbm4b:s5+s3], $0x80, v3, vm1, $0xb8;
	[tilespmem:$0x18400] =	vst v63  }
0x105: {  	v3 =	vld [tilespmem:$0xF0];
	_ =	sdelay $0x4  }
0x106: {  	v15 =	vshrl.u32 v3, $0x3  }
0x107: {  	v4 =	vmul.u32 $0x18, v15  }
0x108: {  	v3 =	vand.u32 $0x7, v3  }
0x109: {  	v3 =	vor.u32 v3, v4  }
0x10a: {  	v4 =	vperm.xlane v3, v0;
	_ =	sdelay $0x1  }
0x10b: {  	v4 =	vadd.s32 v1, v4;
	_ =	sdelay $0x1  }
0x10c: {  	v3 =	vperm.xlane v3, v2;
	_ =	sdelay $0x1  }
0x10d: {  	s26 =	simm.s32 $0x16C00;
	v3 =	vadd.s32 v1, v3  }
0x10e: {  	[tilespmem:s26], [sflag:$0x2] =	stream.indirect_vreg.gather [hbm4b:s1+s3], $0x80, v4, vm0, $0xb8;
	[tilespmem:$0x18400] =	vst v63  }
0x10f: {  	s28 =	simm.s32 $0x17400  }
0x110: {  	[tilespmem:s28], [sflag:$0x2] =	stream.indirect_vreg.gather [hbm4b:s5+s3], $0x80, v4, vm1, $0xb8;
	[tilespmem:$0x18400] =	vst v63  }
0x111: {  	s29 =	simm.s32 $0x17800  }
0x112: {  	[tilespmem:s29], [sflag:$0x2] =	stream.indirect_vreg.gather [hbm4b:s1+s3], $0x80, v3, vm0, $0xb8;
	[tilespmem:$0x18400] =	vst v63  }
0x113: {  	s30 =	simm.s32 $0x18000  }
0x114: {  	[tilespmem:s30], [sflag:$0x2] =	stream.indirect_vreg.gather [hbm4b:s5+s3], $0x80, v3, vm1, $0xb8;
	[tilespmem:$0x18400] =	vst v63  }
0x115: {  	_ =	swait.ge [sflag:s23], $0xC000  }
0x116: {  	[sflag:s23] =	ssyncset.done $0x0  }
0x117: {  	s0 =	simm.s32 $0x400;
	s31 =	rddreg [dreg:$0xc];
	[sflag:s23] =	ssyncadd.s32 $0xFFFF4000  }
0x118: {  	[hbm4b:s31+s3] =	stream.linear.scatter [tilespmem:s0], [sflag:$0x3], $0xC000, $0x38;
	[tilespmem:$0x18400] =	vst v63  }
0x119: {  	_ =	swait.ge [sflag:s7], $0xC000  }
0x11a: {  	[sflag:s7] =	ssyncset.done $0x0  }
0x11b: {  	[sflag:s7] =	ssyncadd.s32 $0xFFFF4000  }
0x11c: {  	v3 =	vld [tilespmem:$0x100];
	_ =	sdelay $0x4  }
0x11d: {  	v16 =	vshrl.u32 v3, $0x3  }
0x11e: {  	v4 =	vmul.u32 $0x18, v16  }
0x11f: {  	v3 =	vand.u32 $0x7, v3  }
0x120: {  	v3 =	vor.u32 v3, v4  }
0x121: {  	v4 =	vperm.xlane v3, v0;
	_ =	sdelay $0x1  }
0x122: {  	v4 =	vadd.s32 v1, v4;
	_ =	sdelay $0x1  }
0x123: {  	v3 =	vperm.xlane v3, v2;
	_ =	sdelay $0x1  }
0x124: {  	v3 =	vadd.s32 v1, v3  }
0x125: {  	[tilespmem:s0], [sflag:$0x1] =	stream.indirect_vreg.gather [hbm4b:s1+s3], $0x80, v4, vm0, $0xb8;
	[tilespmem:$0x18400] =	vst v63  }
0x126: {  	s15 =	simm.s32 $0xC00  }
0x127: {  	[tilespmem:s15], [sflag:$0x1] =	stream.indirect_vreg.gather [hbm4b:s5+s3], $0x80, v4, vm1, $0xb8;
	[tilespmem:$0x18400] =	vst v63  }
0x128: {  	s14 =	simm.s32 $0x1000  }
0x129: {  	[tilespmem:s14], [sflag:$0x1] =	stream.indirect_vreg.gather [hbm4b:s1+s3], $0x80, v3, vm0, $0xb8;
	[tilespmem:$0x18400] =	vst v63  }
0x12a: {  	s4 =	simm.s32 $0x1800  }
0x12b: {  	[tilespmem:s4], [sflag:$0x1] =	stream.indirect_vreg.gather [hbm4b:s5+s3], $0x80, v3, vm1, $0xb8;
	[tilespmem:$0x18400] =	vst v63  }
0x12c: {  	v3 =	vld [tilespmem:$0x110];
	_ =	sdelay $0x4  }
0x12d: {  	v17 =	vshrl.u32 v3, $0x3  }
0x12e: {  	v4 =	vmul.u32 $0x18, v17  }
0x12f: {  	v3 =	vand.u32 $0x7, v3  }
0x130: {  	v3 =	vor.u32 v3, v4  }
0x131: {  	v4 =	vperm.xlane v3, v0;
	_ =	sdelay $0x1  }
0x132: {  	v4 =	vadd.s32 v1, v4;
	_ =	sdelay $0x1  }
0x133: {  	v3 =	vperm.xlane v3, v2;
	_ =	sdelay $0x1  }
0x134: {  	s16 =	simm.s32 $0x1C00;
	v3 =	vadd.s32 v1, v3  }
0x135: {  	[tilespmem:s16], [sflag:$0x1] =	stream.indirect_vreg.gather [hbm4b:s1+s3], $0x80, v4, vm0, $0xb8;
	[tilespmem:$0x18400] =	vst v63  }
0x136: {  	s17 =	simm.s32 $0x2400  }
0x137: {  	[tilespmem:s17], [sflag:$0x1] =	stream.indirect_vreg.gather [hbm4b:s5+s3], $0x80, v4, vm1, $0xb8;
	[tilespmem:$0x18400] =	vst v63  }
0x138: {  	s18 =	simm.s32 $0x2800  }
0x139: {  	[tilespmem:s18], [sflag:$0x1] =	stream.indirect_vreg.gather [hbm4b:s1+s3], $0x80, v3, vm0, $0xb8;
	[tilespmem:$0x18400] =	vst v63  }
0x13a: {  	s8 =	simm.s32 $0x3000  }
0x13b: {  	[tilespmem:s8], [sflag:$0x1] =	stream.indirect_vreg.gather [hbm4b:s5+s3], $0x80, v3, vm1, $0xb8;
	[tilespmem:$0x18400] =	vst v63  }
0x13c: {  	v3 =	vld [tilespmem:$0x120];
	_ =	sdelay $0x4  }
0x13d: {  	v18 =	vshrl.u32 v3, $0x3  }
0x13e: {  	v4 =	vmul.u32 $0x18, v18  }
0x13f: {  	v3 =	vand.u32 $0x7, v3  }
0x140: {  	v3 =	vor.u32 v3, v4  }
0x141: {  	v4 =	vperm.xlane v3, v0;
	_ =	sdelay $0x1  }
0x142: {  	v4 =	vadd.s32 v1, v4;
	_ =	sdelay $0x1  }
0x143: {  	v3 =	vperm.xlane v3, v2;
	_ =	sdelay $0x1  }
0x144: {  	s19 =	simm.s32 $0x3400;
	v3 =	vadd.s32 v1, v3  }
0x145: {  	[tilespmem:s19], [sflag:$0x1] =	stream.indirect_vreg.gather [hbm4b:s1+s3], $0x80, v4, vm0, $0xb8;
	[tilespmem:$0x18400] =	vst v63  }
0x146: {  	s20 =	simm.s32 $0x3C00  }
0x147: {  	[tilespmem:s20], [sflag:$0x1] =	stream.indirect_vreg.gather [hbm4b:s5+s3], $0x80, v4, vm1, $0xb8;
	[tilespmem:$0x18400] =	vst v63  }
0x148: {  	s21 =	simm.s32 $0x4000  }
0x149: {  	[tilespmem:s21], [sflag:$0x1] =	stream.indirect_vreg.gather [hbm4b:s1+s3], $0x80, v3, vm0, $0xb8;
	[tilespmem:$0x18400] =	vst v63  }
0x14a: {  	s9 =	simm.s32 $0x4800  }
0x14b: {  	[tilespmem:s9], [sflag:$0x1] =	stream.indirect_vreg.gather [hbm4b:s5+s3], $0x80, v3, vm1, $0xb8;
	[tilespmem:$0x18400] =	vst v63  }
0x14c: {  	v3 =	vld [tilespmem:$0x130];
	_ =	sdelay $0x4  }
0x14d: {  	v19 =	vshrl.u32 v3, $0x3  }
0x14e: {  	v4 =	vmul.u32 $0x18, v19  }
0x14f: {  	v3 =	vand.u32 $0x7, v3  }
0x150: {  	v3 =	vor.u32 v3, v4  }
0x151: {  	v4 =	vperm.xlane v3, v0;
	_ =	sdelay $0x1  }
0x152: {  	v4 =	vadd.s32 v1, v4;
	_ =	sdelay $0x1  }
0x153: {  	v3 =	vperm.xlane v3, v2;
	_ =	sdelay $0x1  }
0x154: {  	s22 =	simm.s32 $0x4C00;
	v3 =	vadd.s32 v1, v3  }
0x155: {  	[tilespmem:s22], [sflag:$0x1] =	stream.indirect_vreg.gather [hbm4b:s1+s3], $0x80, v4, vm0, $0xb8;
	[tilespmem:$0x18400] =	vst v63  }
0x156: {  	s26 =	simm.s32 $0x5400  }
0x157: {  	[tilespmem:s26], [sflag:$0x1] =	stream.indirect_vreg.gather [hbm4b:s5+s3], $0x80, v4, vm1, $0xb8;
	[tilespmem:$0x18400] =	vst v63  }
0x158: {  	s28 =	simm.s32 $0x5800  }
0x159: {  	[tilespmem:s28], [sflag:$0x1] =	stream.indirect_vreg.gather [hbm4b:s1+s3], $0x80, v3, vm0, $0xb8;
	[tilespmem:$0x18400] =	vst v63  }
0x15a: {  	s10 =	simm.s32 $0x6000  }
0x15b: {  	[tilespmem:s10], [sflag:$0x1] =	stream.indirect_vreg.gather [hbm4b:s5+s3], $0x80, v3, vm1, $0xb8;
	[tilespmem:$0x18400] =	vst v63  }
0x15c: {  	v3 =	vld [tilespmem:$0x140];
	_ =	sdelay $0x4  }
0x15d: {  	v20 =	vshrl.u32 v3, $0x3  }
0x15e: {  	v4 =	vmul.u32 $0x18, v20  }
0x15f: {  	v3 =	vand.u32 $0x7, v3  }
0x160: {  	v3 =	vor.u32 v3, v4  }
0x161: {  	v4 =	vperm.xlane v3, v0;
	_ =	sdelay $0x1  }
0x162: {  	v4 =	vadd.s32 v1, v4;
	_ =	sdelay $0x1  }
0x163: {  	v3 =	vperm.xlane v3, v2;
	_ =	sdelay $0x1  }
0x164: {  	s29 =	simm.s32 $0x6400;
	v3 =	vadd.s32 v1, v3  }
0x165: {  	[tilespmem:s29], [sflag:$0x1] =	stream.indirect_vreg.gather [hbm4b:s1+s3], $0x80, v4, vm0, $0xb8;
	[tilespmem:$0x18400] =	vst v63  }
0x166: {  	s30 =	simm.s32 $0x6C00  }
0x167: {  	[tilespmem:s30], [sflag:$0x1] =	stream.indirect_vreg.gather [hbm4b:s5+s3], $0x80, v4, vm1, $0xb8;
	[tilespmem:$0x18400] =	vst v63  }
0x168: {  	s31 =	simm.s32 $0x7000  }
0x169: {  	[tilespmem:s31], [sflag:$0x1] =	stream.indirect_vreg.gather [hbm4b:s1+s3], $0x80, v3, vm0, $0xb8;
	[tilespmem:$0x18400] =	vst v63  }
0x16a: {  	s11 =	simm.s32 $0x7800  }
0x16b: {  	[tilespmem:s11], [sflag:$0x1] =	stream.indirect_vreg.gather [hbm4b:s5+s3], $0x80, v3, vm1, $0xb8;
	[tilespmem:$0x18400] =	vst v63  }
0x16c: {  	v3 =	vld [tilespmem:$0x150];
	_ =	sdelay $0x4  }
0x16d: {  	v21 =	vshrl.u32 v3, $0x3  }
0x16e: {  	v4 =	vmul.u32 $0x18, v21  }
0x16f: {  	v3 =	vand.u32 $0x7, v3  }
0x170: {  	v3 =	vor.u32 v3, v4  }
0x171: {  	v4 =	vperm.xlane v3, v0;
	_ =	sdelay $0x1  }
0x172: {  	v4 =	vadd.s32 v1, v4;
	_ =	sdelay $0x1  }
0x173: {  	v3 =	vperm.xlane v3, v2;
	_ =	sdelay $0x1  }
0x174: {  	s4 =	simm.s32 $0x7C00;
	v3 =	vadd.s32 v1, v3  }
0x175: {  	[tilespmem:s4], [sflag:$0x1] =	stream.indirect_vreg.gather [hbm4b:s1+s3], $0x80, v4, vm0, $0xb8;
	[tilespmem:$0x18400] =	vst v63  }
0x176: {  	s8 =	simm.s32 $0x8400  }
0x177: {  	[tilespmem:s8], [sflag:$0x1] =	stream.indirect_vreg.gather [hbm4b:s5+s3], $0x80, v4, vm1, $0xb8;
	[tilespmem:$0x18400] =	vst v63  }
0x178: {  	s9 =	simm.s32 $0x8800  }
0x179: {  	[tilespmem:s9], [sflag:$0x1] =	stream.indirect_vreg.gather [hbm4b:s1+s3], $0x80, v3, vm0, $0xb8;
	[tilespmem:$0x18400] =	vst v63  }
0x17a: {  	s12 =	simm.s32 $0x9000  }
0x17b: {  	[tilespmem:s12], [sflag:$0x1] =	stream.indirect_vreg.gather [hbm4b:s5+s3], $0x80, v3, vm1, $0xb8;
	[tilespmem:$0x18400] =	vst v63  }
0x17c: {  	v3 =	vld [tilespmem:$0x160];
	_ =	sdelay $0x4  }
0x17d: {  	v22 =	vshrl.u32 v3, $0x3  }
0x17e: {  	v4 =	vmul.u32 $0x18, v22  }
0x17f: {  	v3 =	vand.u32 $0x7, v3  }
0x180: {  	v3 =	vor.u32 v3, v4  }
0x181: {  	v4 =	vperm.xlane v3, v0;
	_ =	sdelay $0x1  }
0x182: {  	v4 =	vadd.s32 v1, v4;
	_ =	sdelay $0x1  }
0x183: {  	v3 =	vperm.xlane v3, v2;
	_ =	sdelay $0x1  }
0x184: {  	s10 =	simm.s32 $0x9400;
	v3 =	vadd.s32 v1, v3  }
0x185: {  	[tilespmem:s10], [sflag:$0x1] =	stream.indirect_vreg.gather [hbm4b:s1+s3], $0x80, v4, vm0, $0xb8;
	[tilespmem:$0x18400] =	vst v63  }
0x186: {  	s11 =	simm.s32 $0x9C00  }
0x187: {  	[tilespmem:s11], [sflag:$0x1] =	stream.indirect_vreg.gather [hbm4b:s5+s3], $0x80, v4, vm1, $0xb8;
	[tilespmem:$0x18400] =	vst v63  }
0x188: {  	s12 =	simm.s32 $0xA000  }
0x189: {  	[tilespmem:s12], [sflag:$0x1] =	stream.indirect_vreg.gather [hbm4b:s1+s3], $0x80, v3, vm0, $0xb8;
	[tilespmem:$0x18400] =	vst v63  }
0x18a: {  	s13 =	simm.s32 $0xA800  }
0x18b: {  	[tilespmem:s13], [sflag:$0x1] =	stream.indirect_vreg.gather [hbm4b:s5+s3], $0x80, v3, vm1, $0xb8;
	[tilespmem:$0x18400] =	vst v63  }
0x18c: {  	v3 =	vld [tilespmem:$0x170];
	_ =	sdelay $0x4  }
0x18d: {  	v23 =	vshrl.u32 v3, $0x3  }
0x18e: {  	v4 =	vmul.u32 $0x18, v23  }
0x18f: {  	v3 =	vand.u32 $0x7, v3  }
0x190: {  	v3 =	vor.u32 v3, v4  }
0x191: {  	v4 =	vperm.xlane v3, v0;
	_ =	sdelay $0x1  }
0x192: {  	v4 =	vadd.s32 v1, v4;
	_ =	sdelay $0x1  }
0x193: {  	v3 =	vperm.xlane v3, v2;
	_ =	sdelay $0x1  }
0x194: {  	s13 =	simm.s32 $0xAC00;
	v3 =	vadd.s32 v1, v3  }
0x195: {  	[tilespmem:s13], [sflag:$0x1] =	stream.indirect_vreg.gather [hbm4b:s1+s3], $0x80, v4, vm0, $0xb8;
	[tilespmem:$0x18400] =	vst v63  }
0x196: {  	s2 =	simm.s32 $0xB400  }
0x197: {  	[tilespmem:s2], [sflag:$0x1] =	stream.indirect_vreg.gather [hbm4b:s5+s3], $0x80, v4, vm1, $0xb8;
	[tilespmem:$0x18400] =	vst v63  }
0x198: {  	s25 =	simm.s32 $0xB800  }
0x199: {  	[tilespmem:s25], [sflag:$0x1] =	stream.indirect_vreg.gather [hbm4b:s1+s3], $0x80, v3, vm0, $0xb8;
	[tilespmem:$0x18400] =	vst v63  }
0x19a: {  	s0 =	simm.s32 $0xC000  }
0x19b: {  	[tilespmem:s0], [sflag:$0x1] =	stream.indirect_vreg.gather [hbm4b:s5+s3], $0x80, v3, vm1, $0xb8;
	[tilespmem:$0x18400] =	vst v63  }
0x19c: {  	_ =	swait.ge [sflag:s24], $0xC000  }
0x19d: {  	[sflag:s24] =	ssyncset.done $0x0  }
0x19e: {  	s0 =	simm.s32 $0xC400;
	s2 =	rddreg [dreg:$0x5];
	[sflag:s24] =	ssyncadd.s32 $0xFFFF4000  }
0x19f: {  	[hbm4b:s2+s3] =	stream.linear.scatter [tilespmem:s0], [sflag:$0x3], $0xC000, $0x38;
	[tilespmem:$0x18400] =	vst v63  }
0x1a0: {  	_ =	swait.ge [sflag:s7], $0xC000  }
0x1a1: {  	[sflag:s7] =	ssyncset.done $0x0  }
0x1a2: {  	[sflag:s7] =	ssyncadd.s32 $0xFFFF4000  }
0x1a3: {  	v3 =	vld [tilespmem:$0x180];
	_ =	sdelay $0x4  }
0x1a4: {  	v24 =	vshrl.u32 v3, $0x3  }
0x1a5: {  	v4 =	vmul.u32 $0x18, v24  }
0x1a6: {  	v3 =	vand.u32 $0x7, v3  }
0x1a7: {  	v3 =	vor.u32 v3, v4  }
0x1a8: {  	v4 =	vperm.xlane v3, v0;
	_ =	sdelay $0x1  }
0x1a9: {  	v4 =	vadd.s32 v1, v4;
	_ =	sdelay $0x1  }
0x1aa: {  	v3 =	vperm.xlane v3, v2;
	_ =	sdelay $0x1  }
0x1ab: {  	v3 =	vadd.s32 v1, v3  }
0x1ac: {  	[tilespmem:s0], [sflag:$0x2] =	stream.indirect_vreg.gather [hbm4b:s1+s3], $0x80, v4, vm0, $0xb8;
	[tilespmem:$0x18400] =	vst v63  }
0x1ad: {  	s25 =	simm.s32 $0xCC00  }
0x1ae: {  	[tilespmem:s25], [sflag:$0x2] =	stream.indirect_vreg.gather [hbm4b:s5+s3], $0x80, v4, vm1, $0xb8;
	[tilespmem:$0x18400] =	vst v63  }
0x1af: {  	s2 =	simm.s32 $0xD000  }
0x1b0: {  	[tilespmem:s2], [sflag:$0x2] =	stream.indirect_vreg.gather [hbm4b:s1+s3], $0x80, v3, vm0, $0xb8;
	[tilespmem:$0x18400] =	vst v63  }
0x1b1: {  	s25 =	simm.s32 $0xD800  }
0x1b2: {  	[tilespmem:s25], [sflag:$0x2] =	stream.indirect_vreg.gather [hbm4b:s5+s3], $0x80, v3, vm1, $0xb8;
	[tilespmem:$0x18400] =	vst v63  }
0x1b3: {  	v3 =	vld [tilespmem:$0x190];
	_ =	sdelay $0x4  }
0x1b4: {  	v25 =	vshrl.u32 v3, $0x3  }
0x1b5: {  	v4 =	vmul.u32 $0x18, v25  }
0x1b6: {  	v3 =	vand.u32 $0x7, v3  }
0x1b7: {  	v3 =	vor.u32 v3, v4  }
0x1b8: {  	v4 =	vperm.xlane v3, v0;
	_ =	sdelay $0x1  }
0x1b9: {  	v4 =	vadd.s32 v1, v4;
	_ =	sdelay $0x1  }
0x1ba: {  	v3 =	vperm.xlane v3, v2;
	_ =	sdelay $0x1  }
0x1bb: {  	s2 =	simm.s32 $0xDC00;
	v3 =	vadd.s32 v1, v3  }
0x1bc: {  	[tilespmem:s2], [sflag:$0x2] =	stream.indirect_vreg.gather [hbm4b:s1+s3], $0x80, v4, vm0, $0xb8;
	[tilespmem:$0x18400] =	vst v63  }
0x1bd: {  	s25 =	simm.s32 $0xE400  }
0x1be: {  	[tilespmem:s25], [sflag:$0x2] =	stream.indirect_vreg.gather [hbm4b:s5+s3], $0x80, v4, vm1, $0xb8;
	[tilespmem:$0x18400] =	vst v63  }
0x1bf: {  	s2 =	simm.s32 $0xE800  }
0x1c0: {  	[tilespmem:s2], [sflag:$0x2] =	stream.indirect_vreg.gather [hbm4b:s1+s3], $0x80, v3, vm0, $0xb8;
	[tilespmem:$0x18400] =	vst v63  }
0x1c1: {  	s25 =	simm.s32 $0xF000  }
0x1c2: {  	[tilespmem:s25], [sflag:$0x2] =	stream.indirect_vreg.gather [hbm4b:s5+s3], $0x80, v3, vm1, $0xb8;
	[tilespmem:$0x18400] =	vst v63  }
0x1c3: {  	v3 =	vld [tilespmem:$0x1A0];
	_ =	sdelay $0x4  }
0x1c4: {  	v26 =	vshrl.u32 v3, $0x3  }
0x1c5: {  	v4 =	vmul.u32 $0x18, v26  }
0x1c6: {  	v3 =	vand.u32 $0x7, v3  }
0x1c7: {  	v3 =	vor.u32 v3, v4  }
0x1c8: {  	v4 =	vperm.xlane v3, v0;
	_ =	sdelay $0x1  }
0x1c9: {  	v4 =	vadd.s32 v1, v4;
	_ =	sdelay $0x1  }
0x1ca: {  	v3 =	vperm.xlane v3, v2;
	_ =	sdelay $0x1  }
0x1cb: {  	s2 =	simm.s32 $0xF400;
	v3 =	vadd.s32 v1, v3  }
0x1cc: {  	[tilespmem:s2], [sflag:$0x2] =	stream.indirect_vreg.gather [hbm4b:s1+s3], $0x80, v4, vm0, $0xb8;
	[tilespmem:$0x18400] =	vst v63  }
0x1cd: {  	s25 =	simm.s32 $0xFC00  }
0x1ce: {  	[tilespmem:s25], [sflag:$0x2] =	stream.indirect_vreg.gather [hbm4b:s5+s3], $0x80, v4, vm1, $0xb8;
	[tilespmem:$0x18400] =	vst v63  }
0x1cf: {  	s2 =	simm.s32 $0x10000  }
0x1d0: {  	[tilespmem:s2], [sflag:$0x2] =	stream.indirect_vreg.gather [hbm4b:s1+s3], $0x80, v3, vm0, $0xb8;
	[tilespmem:$0x18400] =	vst v63  }
0x1d1: {  	s25 =	simm.s32 $0x10800  }
0x1d2: {  	[tilespmem:s25], [sflag:$0x2] =	stream.indirect_vreg.gather [hbm4b:s5+s3], $0x80, v3, vm1, $0xb8;
	[tilespmem:$0x18400] =	vst v63  }
0x1d3: {  	v3 =	vld [tilespmem:$0x1B0];
	_ =	sdelay $0x4  }
0x1d4: {  	v27 =	vshrl.u32 v3, $0x3  }
0x1d5: {  	v4 =	vmul.u32 $0x18, v27  }
0x1d6: {  	v3 =	vand.u32 $0x7, v3  }
0x1d7: {  	v3 =	vor.u32 v3, v4  }
0x1d8: {  	v4 =	vperm.xlane v3, v0;
	_ =	sdelay $0x1  }
0x1d9: {  	v4 =	vadd.s32 v1, v4;
	_ =	sdelay $0x1  }
0x1da: {  	v3 =	vperm.xlane v3, v2;
	_ =	sdelay $0x1  }
0x1db: {  	s2 =	simm.s32 $0x10C00;
	v3 =	vadd.s32 v1, v3  }
0x1dc: {  	[tilespmem:s2], [sflag:$0x2] =	stream.indirect_vreg.gather [hbm4b:s1+s3], $0x80, v4, vm0, $0xb8;
	[tilespmem:$0x18400] =	vst v63  }
0x1dd: {  	s25 =	simm.s32 $0x11400  }
0x1de: {  	[tilespmem:s25], [sflag:$0x2] =	stream.indirect_vreg.gather [hbm4b:s5+s3], $0x80, v4, vm1, $0xb8;
	[tilespmem:$0x18400] =	vst v63  }
0x1df: {  	s2 =	simm.s32 $0x11800  }
0x1e0: {  	[tilespmem:s2], [sflag:$0x2] =	stream.indirect_vreg.gather [hbm4b:s1+s3], $0x80, v3, vm0, $0xb8;
	[tilespmem:$0x18400] =	vst v63  }
0x1e1: {  	s25 =	simm.s32 $0x12000  }
0x1e2: {  	[tilespmem:s25], [sflag:$0x2] =	stream.indirect_vreg.gather [hbm4b:s5+s3], $0x80, v3, vm1, $0xb8;
	[tilespmem:$0x18400] =	vst v63  }
0x1e3: {  	v3 =	vld [tilespmem:$0x1C0];
	_ =	sdelay $0x4  }
0x1e4: {  	v28 =	vshrl.u32 v3, $0x3  }
0x1e5: {  	v4 =	vmul.u32 $0x18, v28  }
0x1e6: {  	v3 =	vand.u32 $0x7, v3  }
0x1e7: {  	v3 =	vor.u32 v3, v4  }
0x1e8: {  	v4 =	vperm.xlane v3, v0;
	_ =	sdelay $0x1  }
0x1e9: {  	v4 =	vadd.s32 v1, v4;
	_ =	sdelay $0x1  }
0x1ea: {  	v3 =	vperm.xlane v3, v2;
	_ =	sdelay $0x1  }
0x1eb: {  	s2 =	simm.s32 $0x12400;
	v3 =	vadd.s32 v1, v3  }
0x1ec: {  	[tilespmem:s2], [sflag:$0x2] =	stream.indirect_vreg.gather [hbm4b:s1+s3], $0x80, v4, vm0, $0xb8;
	[tilespmem:$0x18400] =	vst v63  }
0x1ed: {  	s25 =	simm.s32 $0x12C00  }
0x1ee: {  	[tilespmem:s25], [sflag:$0x2] =	stream.indirect_vreg.gather [hbm4b:s5+s3], $0x80, v4, vm1, $0xb8;
	[tilespmem:$0x18400] =	vst v63  }
0x1ef: {  	s2 =	simm.s32 $0x13000  }
0x1f0: {  	[tilespmem:s2], [sflag:$0x2] =	stream.indirect_vreg.gather [hbm4b:s1+s3], $0x80, v3, vm0, $0xb8;
	[tilespmem:$0x18400] =	vst v63  }
0x1f1: {  	s25 =	simm.s32 $0x13800  }
0x1f2: {  	[tilespmem:s25], [sflag:$0x2] =	stream.indirect_vreg.gather [hbm4b:s5+s3], $0x80, v3, vm1, $0xb8;
	[tilespmem:$0x18400] =	vst v63  }
0x1f3: {  	v3 =	vld [tilespmem:$0x1D0];
	_ =	sdelay $0x4  }
0x1f4: {  	v29 =	vshrl.u32 v3, $0x3  }
0x1f5: {  	v4 =	vmul.u32 $0x18, v29  }
0x1f6: {  	v3 =	vand.u32 $0x7, v3  }
0x1f7: {  	v3 =	vor.u32 v3, v4  }
0x1f8: {  	v4 =	vperm.xlane v3, v0;
	_ =	sdelay $0x1  }
0x1f9: {  	v4 =	vadd.s32 v1, v4;
	_ =	sdelay $0x1  }
0x1fa: {  	v3 =	vperm.xlane v3, v2;
	_ =	sdelay $0x1  }
0x1fb: {  	s2 =	simm.s32 $0x13C00;
	v3 =	vadd.s32 v1, v3  }
0x1fc: {  	[tilespmem:s2], [sflag:$0x2] =	stream.indirect_vreg.gather [hbm4b:s1+s3], $0x80, v4, vm0, $0xb8;
	[tilespmem:$0x18400] =	vst v63  }
0x1fd: {  	s25 =	simm.s32 $0x14400  }
0x1fe: {  	[tilespmem:s25], [sflag:$0x2] =	stream.indirect_vreg.gather [hbm4b:s5+s3], $0x80, v4, vm1, $0xb8;
	[tilespmem:$0x18400] =	vst v63  }
0x1ff: {  	s2 =	simm.s32 $0x14800  }
0x200: {  	[tilespmem:s2], [sflag:$0x2] =	stream.indirect_vreg.gather [hbm4b:s1+s3], $0x80, v3, vm0, $0xb8;
	[tilespmem:$0x18400] =	vst v63  }
0x201: {  	s25 =	simm.s32 $0x15000  }
0x202: {  	[tilespmem:s25], [sflag:$0x2] =	stream.indirect_vreg.gather [hbm4b:s5+s3], $0x80, v3, vm1, $0xb8;
	[tilespmem:$0x18400] =	vst v63  }
0x203: {  	v3 =	vld [tilespmem:$0x1E0];
	_ =	sdelay $0x4  }
0x204: {  	v30 =	vshrl.u32 v3, $0x3  }
0x205: {  	v4 =	vmul.u32 $0x18, v30  }
0x206: {  	v3 =	vand.u32 $0x7, v3  }
0x207: {  	v3 =	vor.u32 v3, v4  }
0x208: {  	v4 =	vperm.xlane v3, v0;
	_ =	sdelay $0x1  }
0x209: {  	v4 =	vadd.s32 v1, v4;
	_ =	sdelay $0x1  }
0x20a: {  	v3 =	vperm.xlane v3, v2;
	_ =	sdelay $0x1  }
0x20b: {  	s2 =	simm.s32 $0x15400;
	v3 =	vadd.s32 v1, v3  }
0x20c: {  	[tilespmem:s2], [sflag:$0x2] =	stream.indirect_vreg.gather [hbm4b:s1+s3], $0x80, v4, vm0, $0xb8;
	[tilespmem:$0x18400] =	vst v63  }
0x20d: {  	s25 =	simm.s32 $0x15C00  }
0x20e: {  	[tilespmem:s25], [sflag:$0x2] =	stream.indirect_vreg.gather [hbm4b:s5+s3], $0x80, v4, vm1, $0xb8;
	[tilespmem:$0x18400] =	vst v63  }
0x20f: {  	s2 =	simm.s32 $0x16000  }
0x210: {  	[tilespmem:s2], [sflag:$0x2] =	stream.indirect_vreg.gather [hbm4b:s1+s3], $0x80, v3, vm0, $0xb8;
	[tilespmem:$0x18400] =	vst v63  }
0x211: {  	s25 =	simm.s32 $0x16800  }
0x212: {  	[tilespmem:s25], [sflag:$0x2] =	stream.indirect_vreg.gather [hbm4b:s5+s3], $0x80, v3, vm1, $0xb8;
	[tilespmem:$0x18400] =	vst v63  }
0x213: {  	v3 =	vld [tilespmem:$0x1F0];
	_ =	sdelay $0x4  }
0x214: {  	v31 =	vshrl.u32 v3, $0x3  }
0x215: {  	v4 =	vmul.u32 $0x18, v31  }
0x216: {  	v3 =	vand.u32 $0x7, v3  }
0x217: {  	v3 =	vor.u32 v3, v4  }
0x218: {  	v4 =	vperm.xlane v3, v0;
	_ =	sdelay $0x1  }
0x219: {  	v4 =	vadd.s32 v1, v4;
	_ =	sdelay $0x1  }
0x21a: {  	v3 =	vperm.xlane v3, v2;
	_ =	sdelay $0x1  }
0x21b: {  	s2 =	simm.s32 $0x16C00;
	v3 =	vadd.s32 v1, v3  }
0x21c: {  	[tilespmem:s2], [sflag:$0x2] =	stream.indirect_vreg.gather [hbm4b:s1+s3], $0x80, v4, vm0, $0xb8;
	[tilespmem:$0x18400] =	vst v63  }
0x21d: {  	s25 =	simm.s32 $0x17400  }
0x21e: {  	[tilespmem:s25], [sflag:$0x2] =	stream.indirect_vreg.gather [hbm4b:s5+s3], $0x80, v4, vm1, $0xb8;
	[tilespmem:$0x18400] =	vst v63  }
0x21f: {  	s2 =	simm.s32 $0x17800  }
0x220: {  	[tilespmem:s2], [sflag:$0x2] =	stream.indirect_vreg.gather [hbm4b:s1+s3], $0x80, v3, vm0, $0xb8;
	[tilespmem:$0x18400] =	vst v63  }
0x221: {  	s25 =	simm.s32 $0x18000  }
0x222: {  	[tilespmem:s25], [sflag:$0x2] =	stream.indirect_vreg.gather [hbm4b:s5+s3], $0x80, v3, vm1, $0xb8;
	[tilespmem:$0x18400] =	vst v63  }
0x223: {  	_ =	swait.ge [sflag:s23], $0xC000  }
0x224: {  	[sflag:s23] =	ssyncset.done $0x0  }
0x225: {  	s2 =	simm.s32 $0x400;
	s0 =	rddreg [dreg:$0x6];
	[sflag:s23] =	ssyncadd.s32 $0xFFFF4000  }
0x226: {  	[hbm4b:s0+s3] =	stream.linear.scatter [tilespmem:s2], [sflag:$0x3], $0xC000, $0x38;
	[tilespmem:$0x18400] =	vst v63  }
0x227: {  	_ =	swait.ge [sflag:s7], $0xC000  }
0x228: {  	[sflag:s7] =	ssyncset.done $0x0  }
0x229: {  	[sflag:s7] =	ssyncadd.s32 $0xFFFF4000  }
0x22a: {  	v3 =	vld [tilespmem:$0x200];
	_ =	sdelay $0x4  }
0x22b: {  	v32 =	vshrl.u32 v3, $0x3  }
0x22c: {  	v4 =	vmul.u32 $0x18, v32  }
0x22d: {  	v3 =	vand.u32 $0x7, v3  }
0x22e: {  	v3 =	vor.u32 v3, v4  }
0x22f: {  	v4 =	vperm.xlane v3, v0;
	_ =	sdelay $0x1  }
0x230: {  	v4 =	vadd.s32 v1, v4;
	_ =	sdelay $0x1  }
0x231: {  	v3 =	vperm.xlane v3, v2;
	_ =	sdelay $0x1  }
0x232: {  	v3 =	vadd.s32 v1, v3  }
0x233: {  	[tilespmem:s2], [sflag:$0x1] =	stream.indirect_vreg.gather [hbm4b:s1+s3], $0x80, v4, vm0, $0xb8;
	[tilespmem:$0x18400] =	vst v63  }
0x234: {  	_ = 	snop  }
0x235: {  	[tilespmem:s15], [sflag:$0x1] =	stream.indirect_vreg.gather [hbm4b:s5+s3], $0x80, v4, vm1, $0xb8;
	[tilespmem:$0x18400] =	vst v63  }
0x236: {  	_ = 	snop  }
0x237: {  	[tilespmem:s14], [sflag:$0x1] =	stream.indirect_vreg.gather [hbm4b:s1+s3], $0x80, v3, vm0, $0xb8;
	[tilespmem:$0x18400] =	vst v63  }
0x238: {  	s2 =	simm.s32 $0x1800  }
0x239: {  	[tilespmem:s2], [sflag:$0x1] =	stream.indirect_vreg.gather [hbm4b:s5+s3], $0x80, v3, vm1, $0xb8;
	[tilespmem:$0x18400] =	vst v63  }
0x23a: {  	v3 =	vld [tilespmem:$0x210];
	_ =	sdelay $0x4  }
0x23b: {  	v33 =	vshrl.u32 v3, $0x3  }
0x23c: {  	v4 =	vmul.u32 $0x18, v33  }
0x23d: {  	v3 =	vand.u32 $0x7, v3  }
0x23e: {  	v3 =	vor.u32 v3, v4  }
0x23f: {  	v4 =	vperm.xlane v3, v0;
	_ =	sdelay $0x1  }
0x240: {  	v4 =	vadd.s32 v1, v4;
	_ =	sdelay $0x1  }
0x241: {  	v3 =	vperm.xlane v3, v2;
	_ =	sdelay $0x1  }
0x242: {  	v3 =	vadd.s32 v1, v3  }
0x243: {  	[tilespmem:s16], [sflag:$0x1] =	stream.indirect_vreg.gather [hbm4b:s1+s3], $0x80, v4, vm0, $0xb8;
	[tilespmem:$0x18400] =	vst v63  }
0x244: {  	_ = 	snop  }
0x245: {  	[tilespmem:s17], [sflag:$0x1] =	stream.indirect_vreg.gather [hbm4b:s5+s3], $0x80, v4, vm1, $0xb8;
	[tilespmem:$0x18400] =	vst v63  }
0x246: {  	_ = 	snop  }
0x247: {  	[tilespmem:s18], [sflag:$0x1] =	stream.indirect_vreg.gather [hbm4b:s1+s3], $0x80, v3, vm0, $0xb8;
	[tilespmem:$0x18400] =	vst v63  }
0x248: {  	s18 =	simm.s32 $0x3000  }
0x249: {  	[tilespmem:s18], [sflag:$0x1] =	stream.indirect_vreg.gather [hbm4b:s5+s3], $0x80, v3, vm1, $0xb8;
	[tilespmem:$0x18400] =	vst v63  }
0x24a: {  	v3 =	vld [tilespmem:$0x220];
	_ =	sdelay $0x4  }
0x24b: {  	v34 =	vshrl.u32 v3, $0x3  }
0x24c: {  	v4 =	vmul.u32 $0x18, v34  }
0x24d: {  	v3 =	vand.u32 $0x7, v3  }
0x24e: {  	v3 =	vor.u32 v3, v4  }
0x24f: {  	v4 =	vperm.xlane v3, v0;
	_ =	sdelay $0x1  }
0x250: {  	v4 =	vadd.s32 v1, v4;
	_ =	sdelay $0x1  }
0x251: {  	v3 =	vperm.xlane v3, v2;
	_ =	sdelay $0x1  }
0x252: {  	v3 =	vadd.s32 v1, v3  }
0x253: {  	[tilespmem:s19], [sflag:$0x1] =	stream.indirect_vreg.gather [hbm4b:s1+s3], $0x80, v4, vm0, $0xb8;
	[tilespmem:$0x18400] =	vst v63  }
0x254: {  	_ = 	snop  }
0x255: {  	[tilespmem:s20], [sflag:$0x1] =	stream.indirect_vreg.gather [hbm4b:s5+s3], $0x80, v4, vm1, $0xb8;
	[tilespmem:$0x18400] =	vst v63  }
0x256: {  	_ = 	snop  }
0x257: {  	[tilespmem:s21], [sflag:$0x1] =	stream.indirect_vreg.gather [hbm4b:s1+s3], $0x80, v3, vm0, $0xb8;
	[tilespmem:$0x18400] =	vst v63  }
0x258: {  	s25 =	simm.s32 $0x4800  }
0x259: {  	[tilespmem:s25], [sflag:$0x1] =	stream.indirect_vreg.gather [hbm4b:s5+s3], $0x80, v3, vm1, $0xb8;
	[tilespmem:$0x18400] =	vst v63  }
0x25a: {  	v3 =	vld [tilespmem:$0x230];
	_ =	sdelay $0x4  }
0x25b: {  	v35 =	vshrl.u32 v3, $0x3  }
0x25c: {  	v4 =	vmul.u32 $0x18, v35  }
0x25d: {  	v3 =	vand.u32 $0x7, v3  }
0x25e: {  	v3 =	vor.u32 v3, v4  }
0x25f: {  	v4 =	vperm.xlane v3, v0;
	_ =	sdelay $0x1  }
0x260: {  	v4 =	vadd.s32 v1, v4;
	_ =	sdelay $0x1  }
0x261: {  	v3 =	vperm.xlane v3, v2;
	_ =	sdelay $0x1  }
0x262: {  	v3 =	vadd.s32 v1, v3  }
0x263: {  	[tilespmem:s22], [sflag:$0x1] =	stream.indirect_vreg.gather [hbm4b:s1+s3], $0x80, v4, vm0, $0xb8;
	[tilespmem:$0x18400] =	vst v63  }
0x264: {  	_ = 	snop  }
0x265: {  	[tilespmem:s26], [sflag:$0x1] =	stream.indirect_vreg.gather [hbm4b:s5+s3], $0x80, v4, vm1, $0xb8;
	[tilespmem:$0x18400] =	vst v63  }
0x266: {  	_ = 	snop  }
0x267: {  	[tilespmem:s28], [sflag:$0x1] =	stream.indirect_vreg.gather [hbm4b:s1+s3], $0x80, v3, vm0, $0xb8;
	[tilespmem:$0x18400] =	vst v63  }
0x268: {  	s28 =	simm.s32 $0x6000  }
0x269: {  	[tilespmem:s28], [sflag:$0x1] =	stream.indirect_vreg.gather [hbm4b:s5+s3], $0x80, v3, vm1, $0xb8;
	[tilespmem:$0x18400] =	vst v63  }
0x26a: {  	v3 =	vld [tilespmem:$0x240];
	_ =	sdelay $0x4  }
0x26b: {  	v36 =	vshrl.u32 v3, $0x3  }
0x26c: {  	v4 =	vmul.u32 $0x18, v36  }
0x26d: {  	v3 =	vand.u32 $0x7, v3  }
0x26e: {  	v3 =	vor.u32 v3, v4  }
0x26f: {  	v4 =	vperm.xlane v3, v0;
	_ =	sdelay $0x1  }
0x270: {  	v4 =	vadd.s32 v1, v4;
	_ =	sdelay $0x1  }
0x271: {  	v3 =	vperm.xlane v3, v2;
	_ =	sdelay $0x1  }
0x272: {  	v3 =	vadd.s32 v1, v3  }
0x273: {  	[tilespmem:s29], [sflag:$0x1] =	stream.indirect_vreg.gather [hbm4b:s1+s3], $0x80, v4, vm0, $0xb8;
	[tilespmem:$0x18400] =	vst v63  }
0x274: {  	_ = 	snop  }
0x275: {  	[tilespmem:s30], [sflag:$0x1] =	stream.indirect_vreg.gather [hbm4b:s5+s3], $0x80, v4, vm1, $0xb8;
	[tilespmem:$0x18400] =	vst v63  }
0x276: {  	_ = 	snop  }
0x277: {  	[tilespmem:s31], [sflag:$0x1] =	stream.indirect_vreg.gather [hbm4b:s1+s3], $0x80, v3, vm0, $0xb8;
	[tilespmem:$0x18400] =	vst v63  }
0x278: {  	s31 =	simm.s32 $0x7800  }
0x279: {  	[tilespmem:s31], [sflag:$0x1] =	stream.indirect_vreg.gather [hbm4b:s5+s3], $0x80, v3, vm1, $0xb8;
	[tilespmem:$0x18400] =	vst v63  }
0x27a: {  	v3 =	vld [tilespmem:$0x250];
	_ =	sdelay $0x4  }
0x27b: {  	v37 =	vshrl.u32 v3, $0x3  }
0x27c: {  	v4 =	vmul.u32 $0x18, v37  }
0x27d: {  	v3 =	vand.u32 $0x7, v3  }
0x27e: {  	v3 =	vor.u32 v3, v4  }
0x27f: {  	v4 =	vperm.xlane v3, v0;
	_ =	sdelay $0x1  }
0x280: {  	v4 =	vadd.s32 v1, v4;
	_ =	sdelay $0x1  }
0x281: {  	v3 =	vperm.xlane v3, v2;
	_ =	sdelay $0x1  }
0x282: {  	v3 =	vadd.s32 v1, v3  }
0x283: {  	[tilespmem:s4], [sflag:$0x1] =	stream.indirect_vreg.gather [hbm4b:s1+s3], $0x80, v4, vm0, $0xb8;
	[tilespmem:$0x18400] =	vst v63  }
0x284: {  	_ = 	snop  }
0x285: {  	[tilespmem:s8], [sflag:$0x1] =	stream.indirect_vreg.gather [hbm4b:s5+s3], $0x80, v4, vm1, $0xb8;
	[tilespmem:$0x18400] =	vst v63  }
0x286: {  	_ = 	snop  }
0x287: {  	[tilespmem:s9], [sflag:$0x1] =	stream.indirect_vreg.gather [hbm4b:s1+s3], $0x80, v3, vm0, $0xb8;
	[tilespmem:$0x18400] =	vst v63  }
0x288: {  	s8 =	simm.s32 $0x9000  }
0x289: {  	[tilespmem:s8], [sflag:$0x1] =	stream.indirect_vreg.gather [hbm4b:s5+s3], $0x80, v3, vm1, $0xb8;
	[tilespmem:$0x18400] =	vst v63  }
0x28a: {  	v3 =	vld [tilespmem:$0x260];
	_ =	sdelay $0x4  }
0x28b: {  	v38 =	vshrl.u32 v3, $0x3  }
0x28c: {  	v4 =	vmul.u32 $0x18, v38  }
0x28d: {  	v3 =	vand.u32 $0x7, v3  }
0x28e: {  	v3 =	vor.u32 v3, v4  }
0x28f: {  	v4 =	vperm.xlane v3, v0;
	_ =	sdelay $0x1  }
0x290: {  	v4 =	vadd.s32 v1, v4;
	_ =	sdelay $0x1  }
0x291: {  	v3 =	vperm.xlane v3, v2;
	_ =	sdelay $0x1  }
0x292: {  	v3 =	vadd.s32 v1, v3  }
0x293: {  	[tilespmem:s10], [sflag:$0x1] =	stream.indirect_vreg.gather [hbm4b:s1+s3], $0x80, v4, vm0, $0xb8;
	[tilespmem:$0x18400] =	vst v63  }
0x294: {  	_ = 	snop  }
0x295: {  	[tilespmem:s11], [sflag:$0x1] =	stream.indirect_vreg.gather [hbm4b:s5+s3], $0x80, v4, vm1, $0xb8;
	[tilespmem:$0x18400] =	vst v63  }
0x296: {  	_ = 	snop  }
0x297: {  	[tilespmem:s12], [sflag:$0x1] =	stream.indirect_vreg.gather [hbm4b:s1+s3], $0x80, v3, vm0, $0xb8;
	[tilespmem:$0x18400] =	vst v63  }
0x298: {  	s25 =	simm.s32 $0xA800  }
0x299: {  	[tilespmem:s25], [sflag:$0x1] =	stream.indirect_vreg.gather [hbm4b:s5+s3], $0x80, v3, vm1, $0xb8;
	[tilespmem:$0x18400] =	vst v63  }
0x29a: {  	v3 =	vld [tilespmem:$0x270];
	_ =	sdelay $0x4  }
0x29b: {  	v39 =	vshrl.u32 v3, $0x3  }
0x29c: {  	v4 =	vmul.u32 $0x18, v39  }
0x29d: {  	v3 =	vand.u32 $0x7, v3  }
0x29e: {  	v3 =	vor.u32 v3, v4  }
0x29f: {  	v4 =	vperm.xlane v3, v0;
	_ =	sdelay $0x1  }
0x2a0: {  	v4 =	vadd.s32 v1, v4;
	_ =	sdelay $0x1  }
0x2a1: {  	v3 =	vperm.xlane v3, v2;
	_ =	sdelay $0x1  }
0x2a2: {  	v3 =	vadd.s32 v1, v3  }
0x2a3: {  	[tilespmem:s13], [sflag:$0x1] =	stream.indirect_vreg.gather [hbm4b:s1+s3], $0x80, v4, vm0, $0xb8;
	[tilespmem:$0x18400] =	vst v63  }
0x2a4: {  	s31 =	simm.s32 $0xB400  }
0x2a5: {  	[tilespmem:s31], [sflag:$0x1] =	stream.indirect_vreg.gather [hbm4b:s5+s3], $0x80, v4, vm1, $0xb8;
	[tilespmem:$0x18400] =	vst v63  }
0x2a6: {  	s4 =	simm.s32 $0xB800  }
0x2a7: {  	[tilespmem:s4], [sflag:$0x1] =	stream.indirect_vreg.gather [hbm4b:s1+s3], $0x80, v3, vm0, $0xb8;
	[tilespmem:$0x18400] =	vst v63  }
0x2a8: {  	s8 =	simm.s32 $0xC000  }
0x2a9: {  	[tilespmem:s8], [sflag:$0x1] =	stream.indirect_vreg.gather [hbm4b:s5+s3], $0x80, v3, vm1, $0xb8;
	[tilespmem:$0x18400] =	vst v63  }
0x2aa: {  	_ =	swait.ge [sflag:s24], $0xC000  }
0x2ab: {  	[sflag:s24] =	ssyncset.done $0x0  }
0x2ac: {  	s4 =	simm.s32 $0xC400;
	s0 =	rddreg [dreg:$0x7];
	[sflag:s24] =	ssyncadd.s32 $0xFFFF4000  }
0x2ad: {  	[hbm4b:s0+s3] =	stream.linear.scatter [tilespmem:s4], [sflag:$0x3], $0xC000, $0x38;
	[tilespmem:$0x18400] =	vst v63  }
0x2ae: {  	_ =	swait.ge [sflag:s7], $0xC000  }
0x2af: {  	[sflag:s7] =	ssyncset.done $0x0  }
0x2b0: {  	[sflag:s7] =	ssyncadd.s32 $0xFFFF4000  }
0x2b1: {  	v3 =	vld [tilespmem:$0x280];
	_ =	sdelay $0x4  }
0x2b2: {  	v40 =	vshrl.u32 v3, $0x3  }
0x2b3: {  	v4 =	vmul.u32 $0x18, v40  }
0x2b4: {  	v3 =	vand.u32 $0x7, v3  }
0x2b5: {  	v3 =	vor.u32 v3, v4  }
0x2b6: {  	v4 =	vperm.xlane v3, v0;
	_ =	sdelay $0x1  }
0x2b7: {  	v4 =	vadd.s32 v1, v4;
	_ =	sdelay $0x1  }
0x2b8: {  	v3 =	vperm.xlane v3, v2;
	_ =	sdelay $0x1  }
0x2b9: {  	v3 =	vadd.s32 v1, v3  }
0x2ba: {  	[tilespmem:s4], [sflag:$0x2] =	stream.indirect_vreg.gather [hbm4b:s1+s3], $0x80, v4, vm0, $0xb8;
	[tilespmem:$0x18400] =	vst v63  }
0x2bb: {  	s0 =	simm.s32 $0xCC00  }
0x2bc: {  	[tilespmem:s0], [sflag:$0x2] =	stream.indirect_vreg.gather [hbm4b:s5+s3], $0x80, v4, vm1, $0xb8;
	[tilespmem:$0x18400] =	vst v63  }
0x2bd: {  	s8 =	simm.s32 $0xD000  }
0x2be: {  	[tilespmem:s8], [sflag:$0x2] =	stream.indirect_vreg.gather [hbm4b:s1+s3], $0x80, v3, vm0, $0xb8;
	[tilespmem:$0x18400] =	vst v63  }
0x2bf: {  	s8 =	simm.s32 $0xD800  }
0x2c0: {  	[tilespmem:s8], [sflag:$0x2] =	stream.indirect_vreg.gather [hbm4b:s5+s3], $0x80, v3, vm1, $0xb8;
	[tilespmem:$0x18400] =	vst v63  }
0x2c1: {  	v3 =	vld [tilespmem:$0x290];
	_ =	sdelay $0x4  }
0x2c2: {  	v41 =	vshrl.u32 v3, $0x3  }
0x2c3: {  	v4 =	vmul.u32 $0x18, v41  }
0x2c4: {  	v3 =	vand.u32 $0x7, v3  }
0x2c5: {  	v3 =	vor.u32 v3, v4  }
0x2c6: {  	v4 =	vperm.xlane v3, v0;
	_ =	sdelay $0x1  }
0x2c7: {  	v4 =	vadd.s32 v1, v4;
	_ =	sdelay $0x1  }
0x2c8: {  	v3 =	vperm.xlane v3, v2;
	_ =	sdelay $0x1  }
0x2c9: {  	s8 =	simm.s32 $0xDC00;
	v3 =	vadd.s32 v1, v3  }
0x2ca: {  	[tilespmem:s8], [sflag:$0x2] =	stream.indirect_vreg.gather [hbm4b:s1+s3], $0x80, v4, vm0, $0xb8;
	[tilespmem:$0x18400] =	vst v63  }
0x2cb: {  	s8 =	simm.s32 $0xE400  }
0x2cc: {  	[tilespmem:s8], [sflag:$0x2] =	stream.indirect_vreg.gather [hbm4b:s5+s3], $0x80, v4, vm1, $0xb8;
	[tilespmem:$0x18400] =	vst v63  }
0x2cd: {  	s8 =	simm.s32 $0xE800  }
0x2ce: {  	[tilespmem:s8], [sflag:$0x2] =	stream.indirect_vreg.gather [hbm4b:s1+s3], $0x80, v3, vm0, $0xb8;
	[tilespmem:$0x18400] =	vst v63  }
0x2cf: {  	s8 =	simm.s32 $0xF000  }
0x2d0: {  	[tilespmem:s8], [sflag:$0x2] =	stream.indirect_vreg.gather [hbm4b:s5+s3], $0x80, v3, vm1, $0xb8;
	[tilespmem:$0x18400] =	vst v63  }
0x2d1: {  	v3 =	vld [tilespmem:$0x2A0];
	_ =	sdelay $0x4  }
0x2d2: {  	v42 =	vshrl.u32 v3, $0x3  }
0x2d3: {  	v4 =	vmul.u32 $0x18, v42  }
0x2d4: {  	v3 =	vand.u32 $0x7, v3  }
0x2d5: {  	v3 =	vor.u32 v3, v4  }
0x2d6: {  	v4 =	vperm.xlane v3, v0;
	_ =	sdelay $0x1  }
0x2d7: {  	v4 =	vadd.s32 v1, v4;
	_ =	sdelay $0x1  }
0x2d8: {  	v3 =	vperm.xlane v3, v2;
	_ =	sdelay $0x1  }
0x2d9: {  	s8 =	simm.s32 $0xF400;
	v3 =	vadd.s32 v1, v3  }
0x2da: {  	[tilespmem:s8], [sflag:$0x2] =	stream.indirect_vreg.gather [hbm4b:s1+s3], $0x80, v4, vm0, $0xb8;
	[tilespmem:$0x18400] =	vst v63  }
0x2db: {  	s8 =	simm.s32 $0xFC00  }
0x2dc: {  	[tilespmem:s8], [sflag:$0x2] =	stream.indirect_vreg.gather [hbm4b:s5+s3], $0x80, v4, vm1, $0xb8;
	[tilespmem:$0x18400] =	vst v63  }
0x2dd: {  	s8 =	simm.s32 $0x10000  }
0x2de: {  	[tilespmem:s8], [sflag:$0x2] =	stream.indirect_vreg.gather [hbm4b:s1+s3], $0x80, v3, vm0, $0xb8;
	[tilespmem:$0x18400] =	vst v63  }
0x2df: {  	s8 =	simm.s32 $0x10800  }
0x2e0: {  	[tilespmem:s8], [sflag:$0x2] =	stream.indirect_vreg.gather [hbm4b:s5+s3], $0x80, v3, vm1, $0xb8;
	[tilespmem:$0x18400] =	vst v63  }
0x2e1: {  	v3 =	vld [tilespmem:$0x2B0];
	_ =	sdelay $0x4  }
0x2e2: {  	v43 =	vshrl.u32 v3, $0x3  }
0x2e3: {  	v4 =	vmul.u32 $0x18, v43  }
0x2e4: {  	v3 =	vand.u32 $0x7, v3  }
0x2e5: {  	v3 =	vor.u32 v3, v4  }
0x2e6: {  	v4 =	vperm.xlane v3, v0;
	_ =	sdelay $0x1  }
0x2e7: {  	v4 =	vadd.s32 v1, v4;
	_ =	sdelay $0x1  }
0x2e8: {  	v3 =	vperm.xlane v3, v2;
	_ =	sdelay $0x1  }
0x2e9: {  	s8 =	simm.s32 $0x10C00;
	v3 =	vadd.s32 v1, v3  }
0x2ea: {  	[tilespmem:s8], [sflag:$0x2] =	stream.indirect_vreg.gather [hbm4b:s1+s3], $0x80, v4, vm0, $0xb8;
	[tilespmem:$0x18400] =	vst v63  }
0x2eb: {  	s8 =	simm.s32 $0x11400  }
0x2ec: {  	[tilespmem:s8], [sflag:$0x2] =	stream.indirect_vreg.gather [hbm4b:s5+s3], $0x80, v4, vm1, $0xb8;
	[tilespmem:$0x18400] =	vst v63  }
0x2ed: {  	s8 =	simm.s32 $0x11800  }
0x2ee: {  	[tilespmem:s8], [sflag:$0x2] =	stream.indirect_vreg.gather [hbm4b:s1+s3], $0x80, v3, vm0, $0xb8;
	[tilespmem:$0x18400] =	vst v63  }
0x2ef: {  	s8 =	simm.s32 $0x12000  }
0x2f0: {  	[tilespmem:s8], [sflag:$0x2] =	stream.indirect_vreg.gather [hbm4b:s5+s3], $0x80, v3, vm1, $0xb8;
	[tilespmem:$0x18400] =	vst v63  }
0x2f1: {  	v3 =	vld [tilespmem:$0x2C0];
	_ =	sdelay $0x4  }
0x2f2: {  	v44 =	vshrl.u32 v3, $0x3  }
0x2f3: {  	v4 =	vmul.u32 $0x18, v44  }
0x2f4: {  	v3 =	vand.u32 $0x7, v3  }
0x2f5: {  	v3 =	vor.u32 v3, v4  }
0x2f6: {  	v4 =	vperm.xlane v3, v0;
	_ =	sdelay $0x1  }
0x2f7: {  	v4 =	vadd.s32 v1, v4;
	_ =	sdelay $0x1  }
0x2f8: {  	v3 =	vperm.xlane v3, v2;
	_ =	sdelay $0x1  }
0x2f9: {  	s8 =	simm.s32 $0x12400;
	v3 =	vadd.s32 v1, v3  }
0x2fa: {  	[tilespmem:s8], [sflag:$0x2] =	stream.indirect_vreg.gather [hbm4b:s1+s3], $0x80, v4, vm0, $0xb8;
	[tilespmem:$0x18400] =	vst v63  }
0x2fb: {  	s8 =	simm.s32 $0x12C00  }
0x2fc: {  	[tilespmem:s8], [sflag:$0x2] =	stream.indirect_vreg.gather [hbm4b:s5+s3], $0x80, v4, vm1, $0xb8;
	[tilespmem:$0x18400] =	vst v63  }
0x2fd: {  	s8 =	simm.s32 $0x13000  }
0x2fe: {  	[tilespmem:s8], [sflag:$0x2] =	stream.indirect_vreg.gather [hbm4b:s1+s3], $0x80, v3, vm0, $0xb8;
	[tilespmem:$0x18400] =	vst v63  }
0x2ff: {  	s8 =	simm.s32 $0x13800  }
0x300: {  	[tilespmem:s8], [sflag:$0x2] =	stream.indirect_vreg.gather [hbm4b:s5+s3], $0x80, v3, vm1, $0xb8;
	[tilespmem:$0x18400] =	vst v63  }
0x301: {  	v3 =	vld [tilespmem:$0x2D0];
	_ =	sdelay $0x4  }
0x302: {  	v45 =	vshrl.u32 v3, $0x3  }
0x303: {  	v4 =	vmul.u32 $0x18, v45  }
0x304: {  	v3 =	vand.u32 $0x7, v3  }
0x305: {  	v3 =	vor.u32 v3, v4  }
0x306: {  	v4 =	vperm.xlane v3, v0;
	_ =	sdelay $0x1  }
0x307: {  	v4 =	vadd.s32 v1, v4;
	_ =	sdelay $0x1  }
0x308: {  	v3 =	vperm.xlane v3, v2;
	_ =	sdelay $0x1  }
0x309: {  	s8 =	simm.s32 $0x13C00;
	v3 =	vadd.s32 v1, v3  }
0x30a: {  	[tilespmem:s8], [sflag:$0x2] =	stream.indirect_vreg.gather [hbm4b:s1+s3], $0x80, v4, vm0, $0xb8;
	[tilespmem:$0x18400] =	vst v63  }
0x30b: {  	s8 =	simm.s32 $0x14400  }
0x30c: {  	[tilespmem:s8], [sflag:$0x2] =	stream.indirect_vreg.gather [hbm4b:s5+s3], $0x80, v4, vm1, $0xb8;
	[tilespmem:$0x18400] =	vst v63  }
0x30d: {  	s8 =	simm.s32 $0x14800  }
0x30e: {  	[tilespmem:s8], [sflag:$0x2] =	stream.indirect_vreg.gather [hbm4b:s1+s3], $0x80, v3, vm0, $0xb8;
	[tilespmem:$0x18400] =	vst v63  }
0x30f: {  	s8 =	simm.s32 $0x15000  }
0x310: {  	[tilespmem:s8], [sflag:$0x2] =	stream.indirect_vreg.gather [hbm4b:s5+s3], $0x80, v3, vm1, $0xb8;
	[tilespmem:$0x18400] =	vst v63  }
0x311: {  	v3 =	vld [tilespmem:$0x2E0];
	_ =	sdelay $0x4  }
0x312: {  	v46 =	vshrl.u32 v3, $0x3  }
0x313: {  	v4 =	vmul.u32 $0x18, v46  }
0x314: {  	v3 =	vand.u32 $0x7, v3  }
0x315: {  	v3 =	vor.u32 v3, v4  }
0x316: {  	v4 =	vperm.xlane v3, v0;
	_ =	sdelay $0x1  }
0x317: {  	v4 =	vadd.s32 v1, v4;
	_ =	sdelay $0x1  }
0x318: {  	v3 =	vperm.xlane v3, v2;
	_ =	sdelay $0x1  }
0x319: {  	s8 =	simm.s32 $0x15400;
	v3 =	vadd.s32 v1, v3  }
0x31a: {  	[tilespmem:s8], [sflag:$0x2] =	stream.indirect_vreg.gather [hbm4b:s1+s3], $0x80, v4, vm0, $0xb8;
	[tilespmem:$0x18400] =	vst v63  }
0x31b: {  	s8 =	simm.s32 $0x15C00  }
0x31c: {  	[tilespmem:s8], [sflag:$0x2] =	stream.indirect_vreg.gather [hbm4b:s5+s3], $0x80, v4, vm1, $0xb8;
	[tilespmem:$0x18400] =	vst v63  }
0x31d: {  	s8 =	simm.s32 $0x16000  }
0x31e: {  	[tilespmem:s8], [sflag:$0x2] =	stream.indirect_vreg.gather [hbm4b:s1+s3], $0x80, v3, vm0, $0xb8;
	[tilespmem:$0x18400] =	vst v63  }
0x31f: {  	s8 =	simm.s32 $0x16800  }
0x320: {  	[tilespmem:s8], [sflag:$0x2] =	stream.indirect_vreg.gather [hbm4b:s5+s3], $0x80, v3, vm1, $0xb8;
	[tilespmem:$0x18400] =	vst v63  }
0x321: {  	v3 =	vld [tilespmem:$0x2F0];
	_ =	sdelay $0x4  }
0x322: {  	v47 =	vshrl.u32 v3, $0x3  }
0x323: {  	v4 =	vmul.u32 $0x18, v47  }
0x324: {  	v3 =	vand.u32 $0x7, v3  }
0x325: {  	v3 =	vor.u32 v3, v4  }
0x326: {  	v4 =	vperm.xlane v3, v0;
	_ =	sdelay $0x1  }
0x327: {  	v4 =	vadd.s32 v1, v4;
	_ =	sdelay $0x1  }
0x328: {  	v3 =	vperm.xlane v3, v2;
	_ =	sdelay $0x1  }
0x329: {  	s8 =	simm.s32 $0x16C00;
	v3 =	vadd.s32 v1, v3  }
0x32a: {  	[tilespmem:s8], [sflag:$0x2] =	stream.indirect_vreg.gather [hbm4b:s1+s3], $0x80, v4, vm0, $0xb8;
	[tilespmem:$0x18400] =	vst v63  }
0x32b: {  	s8 =	simm.s32 $0x17400  }
0x32c: {  	[tilespmem:s8], [sflag:$0x2] =	stream.indirect_vreg.gather [hbm4b:s5+s3], $0x80, v4, vm1, $0xb8;
	[tilespmem:$0x18400] =	vst v63  }
0x32d: {  	s8 =	simm.s32 $0x17800  }
0x32e: {  	[tilespmem:s8], [sflag:$0x2] =	stream.indirect_vreg.gather [hbm4b:s1+s3], $0x80, v3, vm0, $0xb8;
	[tilespmem:$0x18400] =	vst v63  }
0x32f: {  	s8 =	simm.s32 $0x18000  }
0x330: {  	[tilespmem:s8], [sflag:$0x2] =	stream.indirect_vreg.gather [hbm4b:s5+s3], $0x80, v3, vm1, $0xb8;
	[tilespmem:$0x18400] =	vst v63  }
0x331: {  	_ =	swait.ge [sflag:s23], $0xC000  }
0x332: {  	[sflag:s23] =	ssyncset.done $0x0  }
0x333: {  	s8 =	simm.s32 $0x400;
	s25 =	rddreg [dreg:$0x8];
	[sflag:s23] =	ssyncadd.s32 $0xFFFF4000  }
0x334: {  	[hbm4b:s25+s3] =	stream.linear.scatter [tilespmem:s8], [sflag:$0x3], $0xC000, $0x38;
	[tilespmem:$0x18400] =	vst v63  }
0x335: {  	_ =	swait.ge [sflag:s7], $0xC000  }
0x336: {  	[sflag:s7] =	ssyncset.done $0x0  }
0x337: {  	[sflag:s7] =	ssyncadd.s32 $0xFFFF4000  }
0x338: {  	v3 =	vld [tilespmem:$0x300];
	_ =	sdelay $0x4  }
0x339: {  	v48 =	vshrl.u32 v3, $0x3  }
0x33a: {  	v4 =	vmul.u32 $0x18, v48  }
0x33b: {  	v3 =	vand.u32 $0x7, v3  }
0x33c: {  	v3 =	vor.u32 v3, v4  }
0x33d: {  	v4 =	vperm.xlane v3, v0;
	_ =	sdelay $0x1  }
0x33e: {  	v4 =	vadd.s32 v1, v4;
	_ =	sdelay $0x1  }
0x33f: {  	v3 =	vperm.xlane v3, v2;
	_ =	sdelay $0x1  }
0x340: {  	v3 =	vadd.s32 v1, v3  }
0x341: {  	[tilespmem:s8], [sflag:$0x1] =	stream.indirect_vreg.gather [hbm4b:s1+s3], $0x80, v4, vm0, $0xb8;
	[tilespmem:$0x18400] =	vst v63  }
0x342: {  	s25 =	simm.s32 $0xC00  }
0x343: {  	[tilespmem:s25], [sflag:$0x1] =	stream.indirect_vreg.gather [hbm4b:s5+s3], $0x80, v4, vm1, $0xb8;
	[tilespmem:$0x18400] =	vst v63  }
0x344: {  	s14 =	simm.s32 $0x1000  }
0x345: {  	[tilespmem:s14], [sflag:$0x1] =	stream.indirect_vreg.gather [hbm4b:s1+s3], $0x80, v3, vm0, $0xb8;
	[tilespmem:$0x18400] =	vst v63  }
0x346: {  	_ = 	snop  }
0x347: {  	[tilespmem:s2], [sflag:$0x1] =	stream.indirect_vreg.gather [hbm4b:s5+s3], $0x80, v3, vm1, $0xb8;
	[tilespmem:$0x18400] =	vst v63  }
0x348: {  	v3 =	vld [tilespmem:$0x310];
	_ =	sdelay $0x4  }
0x349: {  	v49 =	vshrl.u32 v3, $0x3  }
0x34a: {  	v4 =	vmul.u32 $0x18, v49  }
0x34b: {  	v3 =	vand.u32 $0x7, v3  }
0x34c: {  	v3 =	vor.u32 v3, v4  }
0x34d: {  	v4 =	vperm.xlane v3, v0;
	_ =	sdelay $0x1  }
0x34e: {  	v4 =	vadd.s32 v1, v4;
	_ =	sdelay $0x1  }
0x34f: {  	v3 =	vperm.xlane v3, v2;
	_ =	sdelay $0x1  }
0x350: {  	s15 =	simm.s32 $0x1C00;
	v3 =	vadd.s32 v1, v3  }
0x351: {  	[tilespmem:s15], [sflag:$0x1] =	stream.indirect_vreg.gather [hbm4b:s1+s3], $0x80, v4, vm0, $0xb8;
	[tilespmem:$0x18400] =	vst v63  }
0x352: {  	s16 =	simm.s32 $0x2400  }
0x353: {  	[tilespmem:s16], [sflag:$0x1] =	stream.indirect_vreg.gather [hbm4b:s5+s3], $0x80, v4, vm1, $0xb8;
	[tilespmem:$0x18400] =	vst v63  }
0x354: {  	s17 =	simm.s32 $0x2800  }
0x355: {  	[tilespmem:s17], [sflag:$0x1] =	stream.indirect_vreg.gather [hbm4b:s1+s3], $0x80, v3, vm0, $0xb8;
	[tilespmem:$0x18400] =	vst v63  }
0x356: {  	s17 =	simm.s32 $0x3000  }
0x357: {  	[tilespmem:s17], [sflag:$0x1] =	stream.indirect_vreg.gather [hbm4b:s5+s3], $0x80, v3, vm1, $0xb8;
	[tilespmem:$0x18400] =	vst v63  }
0x358: {  	v3 =	vld [tilespmem:$0x320];
	_ =	sdelay $0x4  }
0x359: {  	v50 =	vshrl.u32 v3, $0x3  }
0x35a: {  	v4 =	vmul.u32 $0x18, v50  }
0x35b: {  	v3 =	vand.u32 $0x7, v3  }
0x35c: {  	v3 =	vor.u32 v3, v4  }
0x35d: {  	v4 =	vperm.xlane v3, v0;
	_ =	sdelay $0x1  }
0x35e: {  	v4 =	vadd.s32 v1, v4;
	_ =	sdelay $0x1  }
0x35f: {  	v3 =	vperm.xlane v3, v2;
	_ =	sdelay $0x1  }
0x360: {  	s18 =	simm.s32 $0x3400;
	v3 =	vadd.s32 v1, v3  }
0x361: {  	[tilespmem:s18], [sflag:$0x1] =	stream.indirect_vreg.gather [hbm4b:s1+s3], $0x80, v4, vm0, $0xb8;
	[tilespmem:$0x18400] =	vst v63  }
0x362: {  	s19 =	simm.s32 $0x3C00  }
0x363: {  	[tilespmem:s19], [sflag:$0x1] =	stream.indirect_vreg.gather [hbm4b:s5+s3], $0x80, v4, vm1, $0xb8;
	[tilespmem:$0x18400] =	vst v63  }
0x364: {  	s20 =	simm.s32 $0x4000  }
0x365: {  	[tilespmem:s20], [sflag:$0x1] =	stream.indirect_vreg.gather [hbm4b:s1+s3], $0x80, v3, vm0, $0xb8;
	[tilespmem:$0x18400] =	vst v63  }
0x366: {  	s25 =	simm.s32 $0x4800  }
0x367: {  	[tilespmem:s25], [sflag:$0x1] =	stream.indirect_vreg.gather [hbm4b:s5+s3], $0x80, v3, vm1, $0xb8;
	[tilespmem:$0x18400] =	vst v63  }
0x368: {  	v3 =	vld [tilespmem:$0x330];
	_ =	sdelay $0x4  }
0x369: {  	v51 =	vshrl.u32 v3, $0x3  }
0x36a: {  	v4 =	vmul.u32 $0x18, v51  }
0x36b: {  	v3 =	vand.u32 $0x7, v3  }
0x36c: {  	v3 =	vor.u32 v3, v4  }
0x36d: {  	v4 =	vperm.xlane v3, v0;
	_ =	sdelay $0x1  }
0x36e: {  	v4 =	vadd.s32 v1, v4;
	_ =	sdelay $0x1  }
0x36f: {  	v3 =	vperm.xlane v3, v2;
	_ =	sdelay $0x1  }
0x370: {  	s21 =	simm.s32 $0x4C00;
	v3 =	vadd.s32 v1, v3  }
0x371: {  	[tilespmem:s21], [sflag:$0x1] =	stream.indirect_vreg.gather [hbm4b:s1+s3], $0x80, v4, vm0, $0xb8;
	[tilespmem:$0x18400] =	vst v63  }
0x372: {  	s22 =	simm.s32 $0x5400  }
0x373: {  	[tilespmem:s22], [sflag:$0x1] =	stream.indirect_vreg.gather [hbm4b:s5+s3], $0x80, v4, vm1, $0xb8;
	[tilespmem:$0x18400] =	vst v63  }
0x374: {  	s26 =	simm.s32 $0x5800  }
0x375: {  	[tilespmem:s26], [sflag:$0x1] =	stream.indirect_vreg.gather [hbm4b:s1+s3], $0x80, v3, vm0, $0xb8;
	[tilespmem:$0x18400] =	vst v63  }
0x376: {  	s26 =	simm.s32 $0x6000  }
0x377: {  	[tilespmem:s26], [sflag:$0x1] =	stream.indirect_vreg.gather [hbm4b:s5+s3], $0x80, v3, vm1, $0xb8;
	[tilespmem:$0x18400] =	vst v63  }
0x378: {  	v3 =	vld [tilespmem:$0x340];
	_ =	sdelay $0x4  }
0x379: {  	v52 =	vshrl.u32 v3, $0x3  }
0x37a: {  	v4 =	vmul.u32 $0x18, v52  }
0x37b: {  	v3 =	vand.u32 $0x7, v3  }
0x37c: {  	v3 =	vor.u32 v3, v4  }
0x37d: {  	v4 =	vperm.xlane v3, v0;
	_ =	sdelay $0x1  }
0x37e: {  	v4 =	vadd.s32 v1, v4;
	_ =	sdelay $0x1  }
0x37f: {  	v3 =	vperm.xlane v3, v2;
	_ =	sdelay $0x1  }
0x380: {  	s28 =	simm.s32 $0x6400;
	v3 =	vadd.s32 v1, v3  }
0x381: {  	[tilespmem:s28], [sflag:$0x1] =	stream.indirect_vreg.gather [hbm4b:s1+s3], $0x80, v4, vm0, $0xb8;
	[tilespmem:$0x18400] =	vst v63  }
0x382: {  	s29 =	simm.s32 $0x6C00  }
0x383: {  	[tilespmem:s29], [sflag:$0x1] =	stream.indirect_vreg.gather [hbm4b:s5+s3], $0x80, v4, vm1, $0xb8;
	[tilespmem:$0x18400] =	vst v63  }
0x384: {  	s30 =	simm.s32 $0x7000  }
0x385: {  	[tilespmem:s30], [sflag:$0x1] =	stream.indirect_vreg.gather [hbm4b:s1+s3], $0x80, v3, vm0, $0xb8;
	[tilespmem:$0x18400] =	vst v63  }
0x386: {  	s28 =	simm.s32 $0x7800  }
0x387: {  	[tilespmem:s28], [sflag:$0x1] =	stream.indirect_vreg.gather [hbm4b:s5+s3], $0x80, v3, vm1, $0xb8;
	[tilespmem:$0x18400] =	vst v63  }
0x388: {  	v3 =	vld [tilespmem:$0x350];
	_ =	sdelay $0x4  }
0x389: {  	v53 =	vshrl.u32 v3, $0x3  }
0x38a: {  	v4 =	vmul.u32 $0x18, v53  }
0x38b: {  	v3 =	vand.u32 $0x7, v3  }
0x38c: {  	v3 =	vor.u32 v3, v4  }
0x38d: {  	v4 =	vperm.xlane v3, v0;
	_ =	sdelay $0x1  }
0x38e: {  	v4 =	vadd.s32 v1, v4;
	_ =	sdelay $0x1  }
0x38f: {  	v3 =	vperm.xlane v3, v2;
	_ =	sdelay $0x1  }
0x390: {  	s29 =	simm.s32 $0x7C00;
	v3 =	vadd.s32 v1, v3  }
0x391: {  	[tilespmem:s29], [sflag:$0x1] =	stream.indirect_vreg.gather [hbm4b:s1+s3], $0x80, v4, vm0, $0xb8;
	[tilespmem:$0x18400] =	vst v63  }
0x392: {  	s30 =	simm.s32 $0x8400  }
0x393: {  	[tilespmem:s30], [sflag:$0x1] =	stream.indirect_vreg.gather [hbm4b:s5+s3], $0x80, v4, vm1, $0xb8;
	[tilespmem:$0x18400] =	vst v63  }
0x394: {  	s9 =	simm.s32 $0x8800  }
0x395: {  	[tilespmem:s9], [sflag:$0x1] =	stream.indirect_vreg.gather [hbm4b:s1+s3], $0x80, v3, vm0, $0xb8;
	[tilespmem:$0x18400] =	vst v63  }
0x396: {  	s9 =	simm.s32 $0x9000  }
0x397: {  	[tilespmem:s9], [sflag:$0x1] =	stream.indirect_vreg.gather [hbm4b:s5+s3], $0x80, v3, vm1, $0xb8;
	[tilespmem:$0x18400] =	vst v63  }
0x398: {  	v3 =	vld [tilespmem:$0x360];
	_ =	sdelay $0x4  }
0x399: {  	v54 =	vshrl.u32 v3, $0x3  }
0x39a: {  	v4 =	vmul.u32 $0x18, v54  }
0x39b: {  	v3 =	vand.u32 $0x7, v3  }
0x39c: {  	v3 =	vor.u32 v3, v4  }
0x39d: {  	v4 =	vperm.xlane v3, v0;
	_ =	sdelay $0x1  }
0x39e: {  	v4 =	vadd.s32 v1, v4;
	_ =	sdelay $0x1  }
0x39f: {  	v3 =	vperm.xlane v3, v2;
	_ =	sdelay $0x1  }
0x3a0: {  	s10 =	simm.s32 $0x9400;
	v3 =	vadd.s32 v1, v3  }
0x3a1: {  	[tilespmem:s10], [sflag:$0x1] =	stream.indirect_vreg.gather [hbm4b:s1+s3], $0x80, v4, vm0, $0xb8;
	[tilespmem:$0x18400] =	vst v63  }
0x3a2: {  	s11 =	simm.s32 $0x9C00  }
0x3a3: {  	[tilespmem:s11], [sflag:$0x1] =	stream.indirect_vreg.gather [hbm4b:s5+s3], $0x80, v4, vm1, $0xb8;
	[tilespmem:$0x18400] =	vst v63  }
0x3a4: {  	s12 =	simm.s32 $0xA000  }
0x3a5: {  	[tilespmem:s12], [sflag:$0x1] =	stream.indirect_vreg.gather [hbm4b:s1+s3], $0x80, v3, vm0, $0xb8;
	[tilespmem:$0x18400] =	vst v63  }
0x3a6: {  	s14 =	simm.s32 $0xA800  }
0x3a7: {  	[tilespmem:s14], [sflag:$0x1] =	stream.indirect_vreg.gather [hbm4b:s5+s3], $0x80, v3, vm1, $0xb8;
	[tilespmem:$0x18400] =	vst v63  }
0x3a8: {  	v3 =	vld [tilespmem:$0x370];
	_ =	sdelay $0x4  }
0x3a9: {  	v55 =	vshrl.u32 v3, $0x3  }
0x3aa: {  	v4 =	vmul.u32 $0x18, v55  }
0x3ab: {  	v3 =	vand.u32 $0x7, v3  }
0x3ac: {  	v3 =	vor.u32 v3, v4  }
0x3ad: {  	v4 =	vperm.xlane v3, v0;
	_ =	sdelay $0x1  }
0x3ae: {  	v4 =	vadd.s32 v1, v4;
	_ =	sdelay $0x1  }
0x3af: {  	v3 =	vperm.xlane v3, v2;
	_ =	sdelay $0x1  }
0x3b0: {  	s13 =	simm.s32 $0xAC00;
	v3 =	vadd.s32 v1, v3  }
0x3b1: {  	[tilespmem:s13], [sflag:$0x1] =	stream.indirect_vreg.gather [hbm4b:s1+s3], $0x80, v4, vm0, $0xb8;
	[tilespmem:$0x18400] =	vst v63  }
0x3b2: {  	s15 =	simm.s32 $0xB400  }
0x3b3: {  	[tilespmem:s15], [sflag:$0x1] =	stream.indirect_vreg.gather [hbm4b:s5+s3], $0x80, v4, vm1, $0xb8;
	[tilespmem:$0x18400] =	vst v63  }
0x3b4: {  	s31 =	simm.s32 $0xB800  }
0x3b5: {  	[tilespmem:s31], [sflag:$0x1] =	stream.indirect_vreg.gather [hbm4b:s1+s3], $0x80, v3, vm0, $0xb8;
	[tilespmem:$0x18400] =	vst v63  }
0x3b6: {  	s16 =	simm.s32 $0xC000  }
0x3b7: {  	[tilespmem:s16], [sflag:$0x1] =	stream.indirect_vreg.gather [hbm4b:s5+s3], $0x80, v3, vm1, $0xb8;
	[tilespmem:$0x18400] =	vst v63  }
0x3b8: {  	_ =	swait.ge [sflag:s24], $0xC000  }
0x3b9: {  	[sflag:s24] =	ssyncset.done $0x0  }
0x3ba: {  	s4 =	simm.s32 $0xC400;
	s17 =	rddreg [dreg:$0x9];
	[sflag:s24] =	ssyncadd.s32 $0xFFFF4000  }
0x3bb: {  	[hbm4b:s17+s3] =	stream.linear.scatter [tilespmem:s4], [sflag:$0x3], $0xC000, $0x38;
	[tilespmem:$0x18400] =	vst v63  }
0x3bc: {  	_ =	swait.ge [sflag:s7], $0xC000  }
0x3bd: {  	[sflag:s7] =	ssyncset.done $0x0  }
0x3be: {  	[sflag:s7] =	ssyncadd.s32 $0xFFFF4000  }
0x3bf: {  	v3 =	vld [tilespmem:$0x380];
	_ =	sdelay $0x4  }
0x3c0: {  	v56 =	vshrl.u32 v3, $0x3  }
0x3c1: {  	v4 =	vmul.u32 $0x18, v56  }
0x3c2: {  	v3 =	vand.u32 $0x7, v3  }
0x3c3: {  	v3 =	vor.u32 v3, v4  }
0x3c4: {  	v4 =	vperm.xlane v3, v0;
	_ =	sdelay $0x1  }
0x3c5: {  	v4 =	vadd.s32 v1, v4;
	_ =	sdelay $0x1  }
0x3c6: {  	v3 =	vperm.xlane v3, v2;
	_ =	sdelay $0x1  }
0x3c7: {  	v3 =	vadd.s32 v1, v3  }
0x3c8: {  	[tilespmem:s4], [sflag:$0x2] =	stream.indirect_vreg.gather [hbm4b:s1+s3], $0x80, v4, vm0, $0xb8;
	[tilespmem:$0x18400] =	vst v63  }
0x3c9: {  	_ = 	snop  }
0x3ca: {  	[tilespmem:s0], [sflag:$0x2] =	stream.indirect_vreg.gather [hbm4b:s5+s3], $0x80, v4, vm1, $0xb8;
	[tilespmem:$0x18400] =	vst v63  }
0x3cb: {  	s18 =	simm.s32 $0xD000  }
0x3cc: {  	[tilespmem:s18], [sflag:$0x2] =	stream.indirect_vreg.gather [hbm4b:s1+s3], $0x80, v3, vm0, $0xb8;
	[tilespmem:$0x18400] =	vst v63  }
0x3cd: {  	s19 =	simm.s32 $0xD800  }
0x3ce: {  	[tilespmem:s19], [sflag:$0x2] =	stream.indirect_vreg.gather [hbm4b:s5+s3], $0x80, v3, vm1, $0xb8;
	[tilespmem:$0x18400] =	vst v63  }
0x3cf: {  	v3 =	vld [tilespmem:$0x390];
	_ =	sdelay $0x4  }
0x3d0: {  	v57 =	vshrl.u32 v3, $0x3  }
0x3d1: {  	v4 =	vmul.u32 $0x18, v57  }
0x3d2: {  	v3 =	vand.u32 $0x7, v3  }
0x3d3: {  	v3 =	vor.u32 v3, v4  }
0x3d4: {  	v4 =	vperm.xlane v3, v0;
	_ =	sdelay $0x1  }
0x3d5: {  	v4 =	vadd.s32 v1, v4;
	_ =	sdelay $0x1  }
0x3d6: {  	v3 =	vperm.xlane v3, v2;
	_ =	sdelay $0x1  }
0x3d7: {  	s20 =	simm.s32 $0xDC00;
	v3 =	vadd.s32 v1, v3  }
0x3d8: {  	[tilespmem:s20], [sflag:$0x2] =	stream.indirect_vreg.gather [hbm4b:s1+s3], $0x80, v4, vm0, $0xb8;
	[tilespmem:$0x18400] =	vst v63  }
0x3d9: {  	s21 =	simm.s32 $0xE400  }
0x3da: {  	[tilespmem:s21], [sflag:$0x2] =	stream.indirect_vreg.gather [hbm4b:s5+s3], $0x80, v4, vm1, $0xb8;
	[tilespmem:$0x18400] =	vst v63  }
0x3db: {  	s22 =	simm.s32 $0xE800  }
0x3dc: {  	[tilespmem:s22], [sflag:$0x2] =	stream.indirect_vreg.gather [hbm4b:s1+s3], $0x80, v3, vm0, $0xb8;
	[tilespmem:$0x18400] =	vst v63  }
0x3dd: {  	s25 =	simm.s32 $0xF000  }
0x3de: {  	[tilespmem:s25], [sflag:$0x2] =	stream.indirect_vreg.gather [hbm4b:s5+s3], $0x80, v3, vm1, $0xb8;
	[tilespmem:$0x18400] =	vst v63  }
0x3df: {  	v3 =	vld [tilespmem:$0x3A0];
	_ =	sdelay $0x4  }
0x3e0: {  	v58 =	vshrl.u32 v3, $0x3  }
0x3e1: {  	v4 =	vmul.u32 $0x18, v58  }
0x3e2: {  	v3 =	vand.u32 $0x7, v3  }
0x3e3: {  	v3 =	vor.u32 v3, v4  }
0x3e4: {  	v4 =	vperm.xlane v3, v0;
	_ =	sdelay $0x1  }
0x3e5: {  	v4 =	vadd.s32 v1, v4;
	_ =	sdelay $0x1  }
0x3e6: {  	v3 =	vperm.xlane v3, v2;
	_ =	sdelay $0x1  }
0x3e7: {  	s26 =	simm.s32 $0xF400;
	v3 =	vadd.s32 v1, v3  }
0x3e8: {  	[tilespmem:s26], [sflag:$0x2] =	stream.indirect_vreg.gather [hbm4b:s1+s3], $0x80, v4, vm0, $0xb8;
	[tilespmem:$0x18400] =	vst v63  }
0x3e9: {  	s28 =	simm.s32 $0xFC00  }
0x3ea: {  	[tilespmem:s28], [sflag:$0x2] =	stream.indirect_vreg.gather [hbm4b:s5+s3], $0x80, v4, vm1, $0xb8;
	[tilespmem:$0x18400] =	vst v63  }
0x3eb: {  	s29 =	simm.s32 $0x10000  }
0x3ec: {  	[tilespmem:s29], [sflag:$0x2] =	stream.indirect_vreg.gather [hbm4b:s1+s3], $0x80, v3, vm0, $0xb8;
	[tilespmem:$0x18400] =	vst v63  }
0x3ed: {  	s30 =	simm.s32 $0x10800  }
0x3ee: {  	[tilespmem:s30], [sflag:$0x2] =	stream.indirect_vreg.gather [hbm4b:s5+s3], $0x80, v3, vm1, $0xb8;
	[tilespmem:$0x18400] =	vst v63  }
0x3ef: {  	v3 =	vld [tilespmem:$0x3B0];
	_ =	sdelay $0x4  }
0x3f0: {  	v59 =	vshrl.u32 v3, $0x3  }
0x3f1: {  	v4 =	vmul.u32 $0x18, v59  }
0x3f2: {  	v3 =	vand.u32 $0x7, v3  }
0x3f3: {  	v3 =	vor.u32 v3, v4  }
0x3f4: {  	v4 =	vperm.xlane v3, v0;
	_ =	sdelay $0x1  }
0x3f5: {  	v4 =	vadd.s32 v1, v4;
	_ =	sdelay $0x1  }
0x3f6: {  	v3 =	vperm.xlane v3, v2;
	_ =	sdelay $0x1  }
0x3f7: {  	s31 =	simm.s32 $0x10C00;
	v3 =	vadd.s32 v1, v3  }
0x3f8: {  	[tilespmem:s31], [sflag:$0x2] =	stream.indirect_vreg.gather [hbm4b:s1+s3], $0x80, v4, vm0, $0xb8;
	[tilespmem:$0x18400] =	vst v63  }
0x3f9: {  	s2 =	simm.s32 $0x11400  }
0x3fa: {  	[tilespmem:s2], [sflag:$0x2] =	stream.indirect_vreg.gather [hbm4b:s5+s3], $0x80, v4, vm1, $0xb8;
	[tilespmem:$0x18400] =	vst v63  }
0x3fb: {  	s9 =	simm.s32 $0x11800  }
0x3fc: {  	[tilespmem:s9], [sflag:$0x2] =	stream.indirect_vreg.gather [hbm4b:s1+s3], $0x80, v3, vm0, $0xb8;
	[tilespmem:$0x18400] =	vst v63  }
0x3fd: {  	s10 =	simm.s32 $0x12000  }
0x3fe: {  	[tilespmem:s10], [sflag:$0x2] =	stream.indirect_vreg.gather [hbm4b:s5+s3], $0x80, v3, vm1, $0xb8;
	[tilespmem:$0x18400] =	vst v63  }
0x3ff: {  	v3 =	vld [tilespmem:$0x3C0];
	_ =	sdelay $0x4  }
0x400: {  	v60 =	vshrl.u32 v3, $0x3  }
0x401: {  	v4 =	vmul.u32 $0x18, v60  }
0x402: {  	v3 =	vand.u32 $0x7, v3  }
0x403: {  	v3 =	vor.u32 v3, v4  }
0x404: {  	v4 =	vperm.xlane v3, v0;
	_ =	sdelay $0x1  }
0x405: {  	v4 =	vadd.s32 v1, v4;
	_ =	sdelay $0x1  }
0x406: {  	v3 =	vperm.xlane v3, v2;
	_ =	sdelay $0x1  }
0x407: {  	s11 =	simm.s32 $0x12400;
	v3 =	vadd.s32 v1, v3  }
0x408: {  	[tilespmem:s11], [sflag:$0x2] =	stream.indirect_vreg.gather [hbm4b:s1+s3], $0x80, v4, vm0, $0xb8;
	[tilespmem:$0x18400] =	vst v63  }
0x409: {  	s12 =	simm.s32 $0x12C00  }
0x40a: {  	[tilespmem:s12], [sflag:$0x2] =	stream.indirect_vreg.gather [hbm4b:s5+s3], $0x80, v4, vm1, $0xb8;
	[tilespmem:$0x18400] =	vst v63  }
0x40b: {  	s13 =	simm.s32 $0x13000  }
0x40c: {  	[tilespmem:s13], [sflag:$0x2] =	stream.indirect_vreg.gather [hbm4b:s1+s3], $0x80, v3, vm0, $0xb8;
	[tilespmem:$0x18400] =	vst v63  }
0x40d: {  	s14 =	simm.s32 $0x13800  }
0x40e: {  	[tilespmem:s14], [sflag:$0x2] =	stream.indirect_vreg.gather [hbm4b:s5+s3], $0x80, v3, vm1, $0xb8;
	[tilespmem:$0x18400] =	vst v63  }
0x40f: {  	v3 =	vld [tilespmem:$0x3D0];
	_ =	sdelay $0x4  }
0x410: {  	v61 =	vshrl.u32 v3, $0x3  }
0x411: {  	v4 =	vmul.u32 $0x18, v61  }
0x412: {  	v3 =	vand.u32 $0x7, v3  }
0x413: {  	v3 =	vor.u32 v3, v4  }
0x414: {  	v4 =	vperm.xlane v3, v0;
	_ =	sdelay $0x1  }
0x415: {  	v4 =	vadd.s32 v1, v4;
	_ =	sdelay $0x1  }
0x416: {  	v3 =	vperm.xlane v3, v2;
	_ =	sdelay $0x1  }
0x417: {  	s15 =	simm.s32 $0x13C00;
	v3 =	vadd.s32 v1, v3  }
0x418: {  	[tilespmem:s15], [sflag:$0x2] =	stream.indirect_vreg.gather [hbm4b:s1+s3], $0x80, v4, vm0, $0xb8;
	[tilespmem:$0x18400] =	vst v63  }
0x419: {  	s16 =	simm.s32 $0x14400  }
0x41a: {  	[tilespmem:s16], [sflag:$0x2] =	stream.indirect_vreg.gather [hbm4b:s5+s3], $0x80, v4, vm1, $0xb8;
	[tilespmem:$0x18400] =	vst v63  }
0x41b: {  	s17 =	simm.s32 $0x14800  }
0x41c: {  	[tilespmem:s17], [sflag:$0x2] =	stream.indirect_vreg.gather [hbm4b:s1+s3], $0x80, v3, vm0, $0xb8;
	[tilespmem:$0x18400] =	vst v63  }
0x41d: {  	s18 =	simm.s32 $0x15000  }
0x41e: {  	[tilespmem:s18], [sflag:$0x2] =	stream.indirect_vreg.gather [hbm4b:s5+s3], $0x80, v3, vm1, $0xb8;
	[tilespmem:$0x18400] =	vst v63  }
0x41f: {  	v3 =	vld [tilespmem:$0x3E0];
	_ =	sdelay $0x4  }
0x420: {  	v62 =	vshrl.u32 v3, $0x3  }
0x421: {  	v4 =	vmul.u32 $0x18, v62  }
0x422: {  	v3 =	vand.u32 $0x7, v3  }
0x423: {  	v3 =	vor.u32 v3, v4  }
0x424: {  	v4 =	vperm.xlane v3, v0;
	_ =	sdelay $0x1  }
0x425: {  	v4 =	vadd.s32 v1, v4;
	_ =	sdelay $0x1  }
0x426: {  	v3 =	vperm.xlane v3, v2;
	_ =	sdelay $0x1  }
0x427: {  	s19 =	simm.s32 $0x15400;
	v3 =	vadd.s32 v1, v3  }
0x428: {  	[tilespmem:s19], [sflag:$0x2] =	stream.indirect_vreg.gather [hbm4b:s1+s3], $0x80, v4, vm0, $0xb8;
	[tilespmem:$0x18400] =	vst v63  }
0x429: {  	s20 =	simm.s32 $0x15C00  }
0x42a: {  	[tilespmem:s20], [sflag:$0x2] =	stream.indirect_vreg.gather [hbm4b:s5+s3], $0x80, v4, vm1, $0xb8;
	[tilespmem:$0x18400] =	vst v63  }
0x42b: {  	s21 =	simm.s32 $0x16000  }
0x42c: {  	[tilespmem:s21], [sflag:$0x2] =	stream.indirect_vreg.gather [hbm4b:s1+s3], $0x80, v3, vm0, $0xb8;
	[tilespmem:$0x18400] =	vst v63  }
0x42d: {  	s22 =	simm.s32 $0x16800  }
0x42e: {  	[tilespmem:s22], [sflag:$0x2] =	stream.indirect_vreg.gather [hbm4b:s5+s3], $0x80, v3, vm1, $0xb8;
	[tilespmem:$0x18400] =	vst v63  }
0x42f: {  	v3 =	vld [tilespmem:$0x3F0];
	_ =	sdelay $0x4  }
0x430: {  	v63 =	vshrl.u32 v3, $0x3  }
0x431: {  	v4 =	vmul.u32 $0x18, v63  }
0x432: {  	v3 =	vand.u32 $0x7, v3  }
0x433: {  	v3 =	vor.u32 v3, v4  }
0x434: {  	v4 =	vperm.xlane v3, v0;
	_ =	sdelay $0x1  }
0x435: {  	v4 =	vadd.s32 v1, v4;
	_ =	sdelay $0x1  }
0x436: {  	v3 =	vperm.xlane v3, v2;
	_ =	sdelay $0x1  }
0x437: {  	s25 =	simm.s32 $0x16C00;
	v3 =	vadd.s32 v1, v3  }
0x438: {  	[tilespmem:s25], [sflag:$0x2] =	stream.indirect_vreg.gather [hbm4b:s1+s3], $0x80, v4, vm0, $0xb8;
	[tilespmem:$0x18400] =	vst v63  }
0x439: {  	s26 =	simm.s32 $0x17400  }
0x43a: {  	[tilespmem:s26], [sflag:$0x2] =	stream.indirect_vreg.gather [hbm4b:s5+s3], $0x80, v4, vm1, $0xb8;
	[tilespmem:$0x18400] =	vst v63  }
0x43b: {  	s28 =	simm.s32 $0x17800  }
0x43c: {  	[tilespmem:s28], [sflag:$0x2] =	stream.indirect_vreg.gather [hbm4b:s1+s3], $0x80, v3, vm0, $0xb8;
	[tilespmem:$0x18400] =	vst v63  }
0x43d: {  	s29 =	simm.s32 $0x18000  }
0x43e: {  	[tilespmem:s29], [sflag:$0x2] =	stream.indirect_vreg.gather [hbm4b:s5+s3], $0x80, v3, vm1, $0xb8;
	[tilespmem:$0x18400] =	vst v63  }
0x43f: {  	_ =	swait.ge [sflag:s23], $0xC000  }
0x440: {  	[sflag:s23] =	ssyncset.done $0x0  }
0x441: {  	s8 =	simm.s32 $0x400;
	s30 =	rddreg [dreg:$0xa];
	[sflag:s23] =	ssyncadd.s32 $0xFFFF4000  }
0x442: {  	[hbm4b:s30+s3] =	stream.linear.scatter [tilespmem:s8], [sflag:$0x3], $0xC000, $0x38;
	[tilespmem:$0x18400] =	vst v63  }
0x443: {  	_ =	swait.ge [sflag:s7], $0xC000  }
0x444: {  	[sflag:s7] =	ssyncset.done $0x0  }
0x445: {  	[sflag:s7] =	ssyncadd.s32 $0xFFFF4000  }
0x446: {  	_ =	swait.ge [sflag:s24], $0xC000  }
0x447: {  	p0 =	sne.s32 s6, $0x1;
	[sflag:s24] =	ssyncset.done $0x0  }
.Ltmp0:
0x448: {  	s31 =	rddreg [dreg:$0xb];
	[sflag:s24] =	ssyncadd.s32 $0xFFFF4000;
	(pc) =	sbr.rel @p0 .LBB2_1-.Ltmp0, $4  }
0x449: {  	[hbm4b:s31+s3] =	stream.linear.scatter [tilespmem:s4], [sflag:$0x3], $0xC000, $0x38;
	[tilespmem:$0x18400] =	vst v63  }
0x44a: {  	_ =	swait.ge [sflag:s7], $0xC000  }
0x44b: {  	[sflag:s7] =	ssyncset.done $0x0  }
0x44c: {  	s6 =	sadd.s32 $0xFFFFFFFF, s6;
	[sflag:s7] =	ssyncadd.s32 $0xFFFF4000  }
0x44d: {  	_ =	sfence.sel $0x180000  }
0x44e: {  	[bflag:$0x0] =	sbarrier.arrive $0xFFFF  }
0x44f: {  	_ =	strace $0x90000047  }
0x450: {  	s0 =	stileid.u32;
	[bflag:$0x2] =	sbarrier.arrive $0xFFFF  }
0x451: {  	p0 =	sne.s32 s0, $0x0;
	s0 =	rddreg [dreg:$0x3]  }
0x452: {  	s0 =	sadd.s32 @!p0 $0x100000, s0  }
0x453: {  	[sflag:s0] =	ssyncadd.tile.s32 @!p0 $0x1;
	_ =	shalt  }
.Lfunc_end2:
_tile_overlayer_lowered:
.L_overlay_start_2:
0x454: {  	(tag) =	ssettag $0x2  }
0x455: {  	s0 =	rddreg [dreg:$0x0];
	s2 =	stileid.u32  }
0x456: {  	s1 =	rddreg [dreg:$0x1];
	p0 =	sne.s32 s2, $0x0  }
0x457: {  	s3 =	rddreg [dreg:$0x2];
	[bflag:$0x3] =	sbarrier.arrive $0xFFFF;
	s2 =	simm.s32 @!p0 $0x1C03  }
0x458: {  	[timem:s3], [sflag:s2] =	dma.local @!p0 [hbm:s0], s1  }
0x459: {  	s0 =	simm.s32 @!p0 $0x3  }
0x45a: {  	_ =	swait.ge @!p0 [sflag:s0], s1  }
0x45b: {  	s1 =	ssub.s32 @!p0 $0x0, s1;
	[sflag:s0] =	ssyncset.done @!p0 $0x0  }
0x45c: {  	[sflag:s0] =	ssyncadd.s32 @!p0 s1  }
0x45d: {  	[bflag:$0x3] =	sbarrier.arrive $0xFFFF  }
0x45e: {  	_ =	shalt  }

// kernel: sparse-core-data-format-call.cloned.1.call-start
scs
called_computation_lowered:
.L_overlay_start_0:
0x0: {  	s2 =	sld [smem:$0x3FD9]  }
0x1: {  	s3 =	sld [smem:$0x3FFE];
	_ =	sdelay $0x1  }
0x2: {  	s1 =	srdreg.scid  }
0x3: {  	s0 =	sand.u32 $0x1, s1  }
0x4: {  	s15 =	sshll.u32 s0, $0xA;
	s2 =	sadd.s32 s3, s2  }
0x5: {  	s2 =	sadd.s32 s2, s15  }
0x6: {  	[smem:$0x3FC6] =	sst s2  }
0x7: {  	_ = 	snop  }
0x8: {  	s2 =	sld [smem:$0x3FD0];
	_ =	sdelay $0x2  }
0x9: {  	s16 =	simm.s32 $0xA;
	s4 =	simm.s32 $0x10  }
0xa: {  	[smem:s4], [sflag:s16] =	dma.local [hbm:s2], $0x1  }
0xb: {  	_ =	swait.eq [sflag:s16], $0x1  }
0xc: {  	[sflag:s16] =	ssyncset.done $0x0  }
0xd: {  	[sflag:s16] =	ssyncadd.s32 $0xFFFFFFFF  }
0xe: {  	s17 =	sld [smem:$0x10];
	(tm) =	ssettm $0x1  }
0xf: {  	s18 =	sld [smem:$0x3FFB];
	_ =	sdelay $0x3  }
0x10: {  	_ =	strace s18  }
0x11: {  	s3 =	sld [smem:$0x3FFC];
	_ =	sdelay $0x3  }
0x12: {  	_ =	strace s3  }
0x13: {  	s3 =	sld [smem:$0x3FFD];
	_ =	sdelay $0x3  }
0x14: {  	_ =	strace s3  }
0x15: {  	_ =	strace $0x8FFFFFFF  }
0x16: {  	s19 =	sld [smem:$0x3FDB];
	_ =	sdelay $0x1  }
0x17: {  	s20 =	simm.s32 $_scs_section_size  }
0x18: {  	s5 =	simm.s32 $_size__tile_overlayer_lowered;
	s6 =	simm.s32 $_tile_overlayer_lowered  }
0x19: {  	s23 =	simm.s32 $0x1BFF;
	s22 =	sshll.u32 s6, $0x1;
	s3 =	sadd.s32 s20, s19  }
0x1a: {  	s7 =	simm.s32 $0x0;
	s21 =	sshll.u32 s5, $0x1;
	s5 =	sadd.s32 s22, s3  }
0x1b: {  	[timem:s7], [sflag:s23] =	dma.local [hbm:s5], s21  }
0x1c: {  	_ =	swait.ge [sflag:s23], s21  }
0x1d: {  	s4 =	ssub.s32 $0x0, s21;
	[sflag:s23] =	ssyncset.done $0x0  }
0x1e: {  	[sflag:s23] =	ssyncadd.s32 s4;
	_ =	sdelay $0x1  }
0x1f: {  	s24 =	simm.s32 $0x1B8B  }
0x20: {  	_ =	swait.ge [sflag:s24], $0x1  }
0x21: {  	[sflag:s24] =	ssyncset.done $0x0  }
0x22: {  	s26 =	simm.s32 $0x1B8E;
	s25 =	sld [smem:$0x3FFE];
	[sflag:s24] =	ssyncadd.s32 $0xFFFFFFFF  }
0x23: {  	s27 =	simm.s32 $execute0_lowered;
	[smem:$0x3FD2] =	sst s26  }
0x24: {  	s5 =	sshll.u32 s27, $0x1;
	_ =	strace $0x80000049;
	[dreg:$0x1] =	wrdreg $0xFFFFFFFF  }
0x25: {  	s28 =	simm.s32 $_size_execute0_lowered;
	s3 =	sadd.s32 s3, s5;
	[dreg:$0x0] =	wrdreg $0x0  }
0x26: {  	s5 =	sshll.u32 s28, $0x1;
	[dreg:$0x2] =	wrdreg s3  }
0x27: {  	[dreg:$0x3] =	wrdreg s5  }
0x28: {  	[dreg:$0x4] =	wrdreg $0xC0  }
0x29: {  	_ =	task [dreg:s7], $0x5FFFF  }
0x2a: {  	[dreg:$0x1] =	wrdreg $0xFFFFFFFF  }
0x2b: {  	[dreg:$0x0] =	wrdreg $0x60  }
0x2c: {  	[dreg:$0x2] =	wrdreg s25  }
0x2d: {  	[dreg:$0x3] =	wrdreg s17  }
0x2e: {  	[dreg:$0x4] =	wrdreg $0x9  }
0x2f: {  	_ =	task.clear_ibuf [dreg:s7], $0x5FFFF;
	_ =	strace $0x90000049  }
0x30: {  	s29 =	simm.s32 $0x9;
	_ =	strace $0x8000004B  }
0x31: {  	_ =	swait.ge [sflag:s29], $0x1  }
0x32: {  	[sflag:s29] =	ssyncadd.s32 $0xFFFFFFFF  }
0x33: {  	_ =	strace $0x9000004B  }
0x34: {  	_ =	sfence  }
0x35: {  	s30 =	sld [smem:$0x0];
	_ =	sdelay $0x2  }
0x36: {  	s31 =	sshll.u32 s1, $0xD;
	s1 =	sshrl.u32 s1, $0x2  }
0x37: {  	s3 =	sand.u32 $0x4000, s31;
	s1 =	sadd.s32 s1, s30  }
0x38: {  	s0 =	sor.u32 s3, s0;
	s1 =	sshll.u32 s1, $0x11  }
0x39: {  	s0 =	sor.u32 s1, s0  }
0x3a: {  	s0 =	sadd.s32 $0x8F2B, s0  }
0x3b: {  	[sflag:s0] =	ssyncadd.remote.s32 $0x1  }
0x3c: {  	_ =	sfence.sel $0xFFFF  }
0x3d: {  	[dreg:$0x0] =	wrdreg $0xFFFFFFFF;
	(pc) =	sbr.abs _section_cstart, $3  }
0x3e: {  	[dreg:$0x1] =	wrdreg $0xFFFFFFFF  }
0x3f: {  	_ =	task.clear_ibuf [dreg:s7], $0x2FFFF;
	_ =	strace $0x9FFFFFFF  }
0x40: {  	(tm) =	ssettm $0x7FFFFFFF  }
0x41: {  	_ =	shalt  }
tec
execute0_lowered:
.L_overlay_start_1:
0x0: {  	(tag) =	ssettag $0x1  }
0x1: {  	s0 =	srdreg.scid  }
0x2: {  	s1 =	sshll.u32 s0, $0x4  }
0x3: {  	s0 =	stileid.u32;
	s1 =	sand.u32 $0x10, s1  }
0x4: {  	s1 =	sor.u32 s0, s1  }
0x5: {  	s6 =	rddreg [dreg:$0x0];
	s4 =	simm.s32 $0x1;
	s2 =	sshll.u32 s1, $0x7  }
0x6: {  	s7 =	simm.s32 $0x2;
	s12 =	simm.s32 $0x0;
	s1 =	ssub.s32 $0x1000, s2  }
0x7: {  	s8 =	simm.s32 $0x8000;
	s13 =	simm.s32 $0x0;
	s3 =	sand.u32 $0xF80, s1  }
0x8: {  	s9 =	simm.s32 $0x0;
	s5 =	sshrl.u32 s1, $0xC;
	p0 =	sne.s32 s3, $0x0  }
.Ltmp0:
0x9: {  	s1 =	rddreg [dreg:$0x2];
	s4 =	simm.s32 @!p0 $0x0;
	(pc) =	sbr.rel .LBB1_1-.Ltmp0, $4  }
0xa: {  	s11 =	simm.s32 $0x0;
	s3 =	rddreg [dreg:$0x1];
	s5 =	sadd.s32 s4, s5  }
0xb: {  	_ =	strace $0x8000004A;
	s4 =	simm.s32 $0x1;
	s5 =	smul.u32 $0x28, s5  }
0xc: {  	s6 =	sadd.s32 $0x311400, s6;
	s10 =	smov.u32 s2;
	[sflag:s4] =	ssyncpa.u1 $0x0  }
0xd: {  	p0 =	por $0x0, $0x0;
	[sflag:s7] =	ssyncpa.u1 $0x0;
	s7 =	sor.u32 $0x1, s5  }
.LBB1_4:
0xe: {  	s16 =	sshll.u32 s13, $0x3;
	s17 =	sand.u32 $0x78, s13  }
0xf: {  	s30 =	sand.u32 $0x7E00, s13;
	s12 =	sshll.u32 s12, $0xF;
	s16 =	sand.u32 $0xC00, s16  }
0x10: {  	[tilespmem:s15+$0x810 ss:$0x81] =	vst.msk $0xffff, v2;
	s31 =	sand.u32 $0x7, s13;
	s16 =	sor.u32 s17, s16;
	s17 =	sadd.s32 s3, s30  }
0x11: {  	[tilespmem:s15+$0x1020 ss:$0x81] =	vst.msk $0xffff, v0;
	s13 =	sshll.u32 s31, $0x12;
	s12 =	sadd.s32 s12, s17;
	s16 =	sshrl.u32 s16, $0x3  }
0x12: {  	[tilespmem:s15+$0x0 ss:$0x81] =	vst.msk $0xffff, v1;
	s13 =	sor.u32 $0x400, s13;
	s12 =	sadd.s32 s16, s12  }
0x13: {  	[hbm4b:s12+s13] =	stream.strided.scatter [tilespmem:s14], [sflag:$0x2], $0x2000, s8, s13, $0x20;
	[tilespmem:$0x8080] =	vst v63  }
.LBB1_5:
0x14: {  	s14 =	sadd.s32 $0x1, s9  }
0x15: {  	s12 =	sadd.s32 $0x1000, s10;
	s16 =	smov.u32 s10;
	p2 =	sgt.s32 s14, $0x27  }
0x16: {  	s16 =	smov.u32 @p2 s12  }
0x17: {  	s14 =	simm.s32 @p2 $0x0;
	p2 =	sgt.s32 s16, $0xFFF  }
0x18: {  	s16 =	smov.u32 @p2 s2;
	p2 =	sne.s32 s11, s7  }
.Ltmp1:
0x19: {  	p1 =	slt.u32 s11, $0x2;
	(pc) =	sbr.rel @!p2 .LBB1_6-.Ltmp1, $4  }
0x1a: {  	s15 =	simm.s32 @!p1 $0x2  }
0x1b: {  	s13 =	smov.u32 s10;
	p0 =	por !p0, !p0;
	_ =	swait.ge @!p1 [sflag:s15], $0x2000  }
0x1c: {  	s12 =	smov.u32 s9;
	[sflag:s15] =	ssyncset.done @!p1 $0x0;
	s9 =	smov.u32 s14  }
0x1d: {  	s11 =	sadd.s32 $0x1, s11;
	[sflag:s15] =	ssyncadd.s32 @!p1 $0xFFFFE000;
	s10 =	smov.u32 s16  }
.LBB1_1:
0x1e: {  	p1 =	sge.u32 s11, s5  }
0x1f: {  	s14 =	sand.u32 @!p1 $0x1FFFFFF, s9  }
0x20: {  	s15 =	smulhi.u32 @!p1 $0x6666667, s14;
	_ =	sdelay $0x1  }
0x21: {  	s15 =	smul.u32 @!p1 $0x28, s15  }
0x22: {  	s16 =	sxor.u32 @!p1 $0xFFFFFFFF, s11;
	s17 =	smul.u32 @!p1 $0x280, s10  }
0x23: {  	s31 =	sadd.s32 $0xFFFFFFFF, s11;
	s16 =	sshll.u32 @!p1 s16, $0xD;
	s14 =	ssub.s32 @!p1 s14, s15  }
0x24: {  	s15 =	sand.u32 @!p1 $0x2000, s16;
	s16 =	sadd.s32 @!p1 s6, s17;
	s14 =	sshll.u32 @!p1 s14, $0x4  }
0x25: {  	s17 =	simm.s32 @!p1 $0x1400;
	s14 =	sadd.s32 @!p1 s14, s16;
	s16 =	simm.s32 @!p1 $0x40  }
0x26: {  	[tilespmem:s15], [sflag:$0x1] =	stream.strided.gather @!p1 [hbm4b:s14+s16], $0x2000, s17, s16, $0x38;
	[tilespmem:$0x8080] =	vst v63  }
0x27: {  	p1 =	sge.u32 s31, s5  }
.Ltmp2:
0x28: {  	_ = 	snop;
	(pc) =	sbr.rel @p1 .LBB1_5-.Ltmp2, $1  }
0x29: {  	_ =	sdelay $0x3  }
0x2a: {  	s14 =	simm.s32 $0x1  }
0x2b: {  	_ =	swait.ge [sflag:s4], $0x2000;
	s14 =	simm.s32 @!p0 $0x0  }
0x2c: {  	[sflag:s4] =	ssyncset.done $0x0;
	s15 =	sshll.u32 s14, $0xD  }
0x2d: {  	[sflag:s4] =	ssyncadd.s32 $0xFFFFE000;
	s18 =	sor.u32 $0x20, s15  }
0x2e: {  	s14 =	smul.u32 $0x8100, s14;
	v3 =	vld [tilespmem:s18+$0x10]  }
0x2f: {  	s30 =	sand.u32 $0x1, s11;
	v2 =	vld [tilespmem:s18+$0xFFFFFFF0]  }
0x30: {  	s15 =	smul.u32 $0x8100, s30;
	s14 =	sshrl.u32 s14, $0x2;
	v0 =	vld [tilespmem:s18+$0x0]  }
0x31: {  	v1 =	vld [tilespmem:s18+$0xFFFFFFE0];
	s16 =	sor.u32 $0x4000, s14  }
0x32: {  	s31 =	sshrl.u32 s15, $0x2;
	s15 =	sadd.s32 $0x0, s16  }
0x33: {  	s17 =	simm.s32 $0x4;
	s18 =	sadd.s32 $0x40, s18;
	s14 =	sor.u32 $0x4000, s31;
	[tilespmem:s15+$0x1830 ss:$0x81] =	vst.msk $0xffff, v3  }
.LBB1_3:
0x34: {  	v3 =	vld [tilespmem:s18+$0x10];
	p1 =	sne.s32 s17, $0x1FC;
	[tilespmem:s15+$0x810 ss:$0x81] =	vst.msk $0xffff, v2;
	s19 =	smov.u32 s17;
	s17 =	sadd.s32 $0x4, s17  }
.Ltmp3:
0x35: {  	v2 =	vld [tilespmem:s18+$0xFFFFFFF0];
	[tilespmem:s15+$0x1020 ss:$0x81] =	vst.msk $0xffff, v0;
	(pc) =	sbr.rel @p1 .LBB1_3-.Ltmp3, $4  }
0x36: {  	v0 =	vld [tilespmem:s18+$0x0];
	[tilespmem:s15+$0x0 ss:$0x81] =	vst.msk $0xffff, v1  }
0x37: {  	s15 =	sshra.s32 s19, $0x2;
	v1 =	vld [tilespmem:s18+$0xFFFFFFE0]  }
0x38: {  	s15 =	sadd.s32 s15, s16  }
0x39: {  	s18 =	sadd.s32 $0x40, s18;
	[tilespmem:s15+$0x1830 ss:$0x81] =	vst.msk $0xffff, v3  }
.Ltmp4:
0x3a: {  	_ = 	snop;
	(pc) =	sbr.rel .LBB1_4-.Ltmp4, $1  }
0x3b: {  	_ =	sdelay $0x3  }
.LBB1_6:
0x3c: {  	_ =	sfence.sel $0x180000  }
0x3d: {  	s2 =	simm.s32 $0x1;
	[bflag:$0x0] =	sbarrier.arrive $0xFFFF  }
0x3e: {  	s31 =	simm.s32 $0x2;
	[sflag:s2] =	ssyncpa.u1 $0x1  }
0x3f: {  	[sflag:s31] =	ssyncpa.u1 $0x1  }
0x40: {  	p0 =	sne.s32 s0, $0x0;
	_ =	strace $0x9000004A  }
0x41: {  	s0 =	sadd.s32 @!p0 $0x100000, s1;
	[bflag:$0x2] =	sbarrier.arrive $0xFFFF  }
0x42: {  	[sflag:s0] =	ssyncadd.tile.s32 @!p0 $0x1;
	_ =	shalt  }
.Lfunc_end1:
_tile_overlayer_lowered:
.L_overlay_start_2:
0x43: {  	(tag) =	ssettag $0x2  }
0x44: {  	s0 =	rddreg [dreg:$0x0];
	s2 =	stileid.u32  }
0x45: {  	s1 =	rddreg [dreg:$0x1];
	p0 =	sne.s32 s2, $0x0  }
0x46: {  	s3 =	rddreg [dreg:$0x2];
	[bflag:$0x3] =	sbarrier.arrive $0xFFFF;
	s2 =	simm.s32 @!p0 $0x1C01  }
0x47: {  	[timem:s3], [sflag:s2] =	dma.local @!p0 [hbm:s0], s1  }
0x48: {  	s0 =	simm.s32 @!p0 $0x1  }
0x49: {  	_ =	swait.ge @!p0 [sflag:s0], s1  }
0x4a: {  	s1 =	ssub.s32 @!p0 $0x0, s1;
	[sflag:s0] =	ssyncset.done @!p0 $0x0  }
0x4b: {  	[sflag:s0] =	ssyncadd.s32 @!p0 s1  }
0x4c: {  	[bflag:$0x3] =	sbarrier.arrive $0xFFFF  }
0x4d: {  	_ =	shalt  }

</sc_bundles>
